<compile_context>
chip_gen: v7x
topology: tpu7x:2x2x1
jax: 0.10.2.dev20260603
libtpu: 0.0.44.dev20260713+nightly
codegen_flags: <defaults>
</compile_context>

<pallas_src>
import jax
import jax.numpy as jnp
from jax import lax
from jax.experimental import pallas as pl
from jax.experimental.pallas import tpu as pltpu
from jax.experimental.pallas import tpu_sc as plsc

B = 16384
L = 20
D = 64
LANES = 16
VOCAB = 1000000

NC = 2
NS = 16
NW = NC * NS

BPW = B // NW
CH = 32
NCHUNK = BPW // CH
ROWS = CH * L
GSZ = 128
NG = ROWS // GSZ

TBLK = 32768
VROWS = 500096


def _body(idx_hbm, table_hbm, out_hbm, idx_v, rows_v, out_v, sem0, sem1):
    wid = lax.axis_index("s") * NC + lax.axis_index("c")
    base = wid * BPW
    sems = (sem0, sem1)

    pltpu.sync_copy(idx_hbm.at[pl.ds(base * L, BPW * L)], idx_v)

    def fire(g, slot):
        for j in range(NG):
            pltpu.async_copy(
                table_hbm.at[idx_v.at[pl.ds(g * ROWS + j * GSZ, GSZ)]],
                rows_v.at[slot, pl.ds(j * GSZ, GSZ)],
                sems[slot],
            )

    def drain(slot):
        pltpu.make_async_copy(
            table_hbm.at[pl.ds(0, ROWS)], rows_v.at[slot], sems[slot]
        ).wait()

    def reduce_store(g, slot):
        @plsc.parallel_loop(0, CH, 1, unroll=2)
        def _red(c):
            accs = [jnp.zeros((LANES,), jnp.float32) for _ in range(D // LANES)]
            for t in range(L):
                r = c * L + t
                for dd in range(D // LANES):
                    accs[dd] = accs[dd] + rows_v[slot, r, pl.ds(dd * LANES, LANES)]
            for dd in range(D // LANES):
                out_v[slot, c, pl.ds(dd * LANES, LANES)] = accs[dd] * (1.0 / L)

        pltpu.sync_copy(
            out_v.at[slot], out_hbm.at[pl.ds(base + g * CH, CH)]
        )

    fire(0, 0)

    def step(k, carry):
        g = 2 * k
        fire(g + 1, 1)
        drain(0)
        reduce_store(g, 0)

        @pl.when(k < NCHUNK // 2 - 1)
        def _():
            fire(g + 2, 0)

        drain(1)
        reduce_store(g + 1, 1)
        return carry

    lax.fori_loop(0, NCHUNK // 2, step, 0)


def _transpose_body(x_ref, o_ref):
    z = jnp.swapaxes(x_ref[...], 0, 1)
    for gp in range(TBLK // 256):
        y = jnp.concatenate(
            [z[gp * 256:gp * 256 + 128], z[gp * 256 + 128:gp * 256 + 256]],
            axis=1,
        )
        o_ref[pl.ds(gp * 128, 128), :] = y


def _relayout(table_t):
    return pl.pallas_call(
        _transpose_body,
        grid=(pl.cdiv(VOCAB, TBLK),),
        in_specs=[pl.BlockSpec((D, TBLK), lambda i: (0, i))],
        out_specs=pl.BlockSpec((TBLK // 2, 2 * D), lambda i: (i, 0)),
        out_shape=jax.ShapeDtypeStruct((VROWS, 2 * D), jnp.float32),
    )(table_t)


@jax.jit
def _run(idx_m, table_rows):
    mesh = plsc.VectorSubcoreMesh(core_axis_name="c", subcore_axis_name="s")
    f = pl.kernel(
        _body,
        out_type=jax.ShapeDtypeStruct((B, D), jnp.float32),
        mesh=mesh,
        scratch_types=[
            pltpu.VMEM((BPW * L,), jnp.int32),
            pltpu.VMEM((2, ROWS, D), jnp.float32),
            pltpu.VMEM((2, CH, D), jnp.float32),
            pltpu.SemaphoreType.DMA,
            pltpu.SemaphoreType.DMA,
        ],
        compiler_params=pltpu.CompilerParams(use_tc_tiling_on_sc=False),
    )
    return f(idx_m, table_rows)


def kernel(indices, table):
    idx = indices.astype(jnp.int32).reshape(B * L)
    idx_m = ((((idx >> 8) << 7) | (idx & 127)) << 1) | ((idx >> 7) & 1)
    table_rows = _relayout(table.astype(jnp.float32).T).reshape(2 * VROWS, D)
    return _run(idx_m, table_rows)

# --- scband reference (transcript-rebuilt; emitter-appended) ---
"""Pipeline reference for scband-word2-vec-embedding-model-16114717294859 (READ-ONLY COPY).

The authoritative reference and input builder live on the scoring server;
editing this copy changes nothing except your own understanding.
"""

import jax, jax.numpy as jnp
import numpy as np

VOCAB = 1000000
EMBED_DIM = 64
BATCH = 16384
SEQ = 20

def setup_inputs(seed: int = 0) -> dict:
    key = jax.random.key(seed)
    k_idx, k_tab = jax.random.split(key)
    indices = jax.random.randint(k_idx, (BATCH, SEQ), 0, VOCAB, dtype=jnp.int64) if jax.config.jax_enable_x64 else jax.random.randint(k_idx, (BATCH, SEQ), 0, VOCAB, dtype=jnp.int32)
    table = jax.random.normal(k_tab, (VOCAB, EMBED_DIM), dtype=jnp.float32) * 0.02
    return {"indices": indices, "table": table}

def reference(indices, table):
    # Word2Vec-style sentence embedding: gather word vectors for each token id,
    # then average over the token axis to get one embedding per input text.
    # gather -> SparseCore-friendly jnp.take
    word_vecs = jnp.take(table, indices, axis=0)          # [B, L, D]
    sent_emb = jnp.mean(word_vecs, axis=1)                # [B, D]
    return sent_emb.astype(jnp.float32)

if __name__ == "__main__":
    import jax
    _d = setup_inputs()
    print(jax.jit(kernel)(*tuple(_d.values())))

</pallas_src>

<mosaic_0001>
#map = affine_map<(d0, d1) -> (0)>
#map1 = affine_map<(d0, d1) -> (0, 0)>
module attributes {stable_mosaic.version = 14 : i64} {
  func.func @_body(%arg0: i32, %arg1: i32, %arg2: memref<327680xi32, #tpu.memory_space<hbm>>, %arg3: memref<1000192x64xf32, #tpu.memory_space<hbm>>, %arg4: memref<16384x64xf32, #tpu.memory_space<hbm>>, %arg5: memref<10240xi32, #tpu.memory_space<vmem>>, %arg6: memref<2x640x64xf32, #tpu.memory_space<vmem>>, %arg7: memref<2x32x64xf32, #tpu.memory_space<vmem>>, %arg8: memref<!tpu.dma_semaphore, #tpu.memory_space<semaphore_mem>>, %arg9: memref<!tpu.dma_semaphore, #tpu.memory_space<semaphore_mem>>) attributes {dimension_semantics = [#tpu.dimension_semantics<core_parallel>, #tpu.dimension_semantics<subcore_parallel>], iteration_bounds = array<i64: 2, 16>, scalar_prefetch = 0 : i64, scratch_operands = 5 : i64, tpu.core_type = #tpu.core_type<sc_vector_subcore>, window_params = [{transform_indices = #map}, {transform_indices = #map1}, {transform_indices = #map1}]} {
    %mul3A = arith.constant 2 : i32
    %mul3A_0 = arith.muli %arg1, %mul3A : i32
    %add3A = arith.addi %mul3A_0, %arg0 : i32
    %mul3A_1 = arith.constant 512 : i32
    %mul3A_2 = arith.muli %add3A, %mul3A_1 : i32
    %mul3A_3 = arith.constant 20 : i32
    %mul3A_4 = arith.muli %mul3A_2, %mul3A_3 : i32
    "tpu.region"() ({
      %run_scoped3A = tpu.sem_alloc : memref<!tpu.dma_semaphore, #tpu.memory_space<semaphore_mem>>
      %dma_start3A_59 = tpu.memref_slice %arg2[%mul3A_4] : memref<327680xi32, #tpu.memory_space<hbm>> -> memref<10240xi32, #tpu.memory_space<hbm>>
      %dma_start3A_60 = tpu.memref_slice %arg2[%mul3A_4] : memref<327680xi32, #tpu.memory_space<hbm>> -> memref<10240xi32, #tpu.memory_space<hbm>>
      tpu.enqueue_dma source(%dma_start3A_60 : memref<10240xi32, #tpu.memory_space<hbm>>) target(%arg5 : memref<10240xi32, #tpu.memory_space<vmem>>) target_semaphore(%run_scoped3A : memref<!tpu.dma_semaphore, #tpu.memory_space<semaphore_mem>>)
      %dma_wait3A = tpu.memref_slice %arg2[%mul3A_4] : memref<327680xi32, #tpu.memory_space<hbm>> -> memref<10240xi32, #tpu.memory_space<hbm>>
      %dma_wait3A_61 = tpu.memref_slice %arg2[%mul3A_4] : memref<327680xi32, #tpu.memory_space<hbm>> -> memref<10240xi32, #tpu.memory_space<hbm>>
      tpu.wait_dma2 semaphore(%run_scoped3A : memref<!tpu.dma_semaphore, #tpu.memory_space<semaphore_mem>>) src(%dma_wait3A_61 : memref<10240xi32, #tpu.memory_space<hbm>>) dst(%arg5 : memref<10240xi32, #tpu.memory_space<vmem>>)
      tpu.yield
    }) : () -> ()
    %dma_start3A = arith.constant 0 : i32
    %dma_start3A_5 = arith.constant 0 : i32
    %dma_start3A_6 = arith.constant 0 : i32
    %dma_start3A_7 = tpu.memref_slice %arg6[%dma_start3A, %dma_start3A_5, %dma_start3A_6] : memref<2x640x64xf32, #tpu.memory_space<vmem>> -> memref<1x128x64xf32, #tpu.memory_space<vmem>>
    %dma_start3A_8 = tpu.memref_squeeze %dma_start3A_7 : memref<1x128x64xf32, #tpu.memory_space<vmem>> -> memref<128x64xf32, #tpu.memory_space<vmem>>
    %dma_start3A_9 = arith.constant 0 : i32
    %dma_start3A_10 = tpu.memref_slice %arg5[%dma_start3A_9] : memref<10240xi32, #tpu.memory_space<vmem>> -> memref<128xi32, #tpu.memory_space<vmem>>
    %dma_start3A_11 = arith.constant 0 : i32
    %dma_start3A_12 = arith.constant 0 : i32
    %dma_start3A_13 = tpu.memref_slice %arg3[%dma_start3A_11, %dma_start3A_12] : memref<1000192x64xf32, #tpu.memory_space<hbm>> -> memref<1000192x64xf32, #tpu.memory_space<hbm>>
    tpu.enqueue_indirect_dma source(%dma_start3A_13 : memref<1000192x64xf32, #tpu.memory_space<hbm>>) target(%dma_start3A_8 : memref<128x64xf32, #tpu.memory_space<vmem>>) offsets(%dma_start3A_10 : memref<128xi32, #tpu.memory_space<vmem>>) semaphore(%arg8 : memref<!tpu.dma_semaphore, #tpu.memory_space<semaphore_mem>>)
    %dma_start3A_14 = arith.constant 0 : i32
    %dma_start3A_15 = arith.constant 128 : i32
    %dma_start3A_16 = arith.constant 0 : i32
    %dma_start3A_17 = tpu.memref_slice %arg6[%dma_start3A_14, %dma_start3A_15, %dma_start3A_16] : memref<2x640x64xf32, #tpu.memory_space<vmem>> -> memref<1x128x64xf32, #tpu.memory_space<vmem>>
    %dma_start3A_18 = tpu.memref_squeeze %dma_start3A_17 : memref<1x128x64xf32, #tpu.memory_space<vmem>> -> memref<128x64xf32, #tpu.memory_space<vmem>>
    %dma_start3A_19 = arith.constant 128 : i32
    %dma_start3A_20 = tpu.memref_slice %arg5[%dma_start3A_19] : memref<10240xi32, #tpu.memory_space<vmem>> -> memref<128xi32, #tpu.memory_space<vmem>>
    %dma_start3A_21 = arith.constant 0 : i32
    %dma_start3A_22 = arith.constant 0 : i32
    %dma_start3A_23 = tpu.memref_slice %arg3[%dma_start3A_21, %dma_start3A_22] : memref<1000192x64xf32, #tpu.memory_space<hbm>> -> memref<1000192x64xf32, #tpu.memory_space<hbm>>
    tpu.enqueue_indirect_dma source(%dma_start3A_23 : memref<1000192x64xf32, #tpu.memory_space<hbm>>) target(%dma_start3A_18 : memref<128x64xf32, #tpu.memory_space<vmem>>) offsets(%dma_start3A_20 : memref<128xi32, #tpu.memory_space<vmem>>) semaphore(%arg8 : memref<!tpu.dma_semaphore, #tpu.memory_space<semaphore_mem>>)
    %dma_start3A_24 = arith.constant 0 : i32
    %dma_start3A_25 = arith.constant 256 : i32
    %dma_start3A_26 = arith.constant 0 : i32
    %dma_start3A_27 = tpu.memref_slice %arg6[%dma_start3A_24, %dma_start3A_25, %dma_start3A_26] : memref<2x640x64xf32, #tpu.memory_space<vmem>> -> memref<1x128x64xf32, #tpu.memory_space<vmem>>
    %dma_start3A_28 = tpu.memref_squeeze %dma_start3A_27 : memref<1x128x64xf32, #tpu.memory_space<vmem>> -> memref<128x64xf32, #tpu.memory_space<vmem>>
    %dma_start3A_29 = arith.constant 256 : i32
    %dma_start3A_30 = tpu.memref_slice %arg5[%dma_start3A_29] : memref<10240xi32, #tpu.memory_space<vmem>> -> memref<128xi32, #tpu.memory_space<vmem>>
    %dma_start3A_31 = arith.constant 0 : i32
    %dma_start3A_32 = arith.constant 0 : i32
    %dma_start3A_33 = tpu.memref_slice %arg3[%dma_start3A_31, %dma_start3A_32] : memref<1000192x64xf32, #tpu.memory_space<hbm>> -> memref<1000192x64xf32, #tpu.memory_space<hbm>>
    tpu.enqueue_indirect_dma source(%dma_start3A_33 : memref<1000192x64xf32, #tpu.memory_space<hbm>>) target(%dma_start3A_28 : memref<128x64xf32, #tpu.memory_space<vmem>>) offsets(%dma_start3A_30 : memref<128xi32, #tpu.memory_space<vmem>>) semaphore(%arg8 : memref<!tpu.dma_semaphore, #tpu.memory_space<semaphore_mem>>)
    %dma_start3A_34 = arith.constant 0 : i32
    %dma_start3A_35 = arith.constant 384 : i32
    %dma_start3A_36 = arith.constant 0 : i32
    %dma_start3A_37 = tpu.memref_slice %arg6[%dma_start3A_34, %dma_start3A_35, %dma_start3A_36] : memref<2x640x64xf32, #tpu.memory_space<vmem>> -> memref<1x128x64xf32, #tpu.memory_space<vmem>>
    %dma_start3A_38 = tpu.memref_squeeze %dma_start3A_37 : memref<1x128x64xf32, #tpu.memory_space<vmem>> -> memref<128x64xf32, #tpu.memory_space<vmem>>
    %dma_start3A_39 = arith.constant 384 : i32
    %dma_start3A_40 = tpu.memref_slice %arg5[%dma_start3A_39] : memref<10240xi32, #tpu.memory_space<vmem>> -> memref<128xi32, #tpu.memory_space<vmem>>
    %dma_start3A_41 = arith.constant 0 : i32
    %dma_start3A_42 = arith.constant 0 : i32
    %dma_start3A_43 = tpu.memref_slice %arg3[%dma_start3A_41, %dma_start3A_42] : memref<1000192x64xf32, #tpu.memory_space<hbm>> -> memref<1000192x64xf32, #tpu.memory_space<hbm>>
    tpu.enqueue_indirect_dma source(%dma_start3A_43 : memref<1000192x64xf32, #tpu.memory_space<hbm>>) target(%dma_start3A_38 : memref<128x64xf32, #tpu.memory_space<vmem>>) offsets(%dma_start3A_40 : memref<128xi32, #tpu.memory_space<vmem>>) semaphore(%arg8 : memref<!tpu.dma_semaphore, #tpu.memory_space<semaphore_mem>>)
    %dma_start3A_44 = arith.constant 0 : i32
    %dma_start3A_45 = arith.constant 512 : i32
    %dma_start3A_46 = arith.constant 0 : i32
    %dma_start3A_47 = tpu.memref_slice %arg6[%dma_start3A_44, %dma_start3A_45, %dma_start3A_46] : memref<2x640x64xf32, #tpu.memory_space<vmem>> -> memref<1x128x64xf32, #tpu.memory_space<vmem>>
    %dma_start3A_48 = tpu.memref_squeeze %dma_start3A_47 : memref<1x128x64xf32, #tpu.memory_space<vmem>> -> memref<128x64xf32, #tpu.memory_space<vmem>>
    %dma_start3A_49 = arith.constant 512 : i32
    %dma_start3A_50 = tpu.memref_slice %arg5[%dma_start3A_49] : memref<10240xi32, #tpu.memory_space<vmem>> -> memref<128xi32, #tpu.memory_space<vmem>>
    %dma_start3A_51 = arith.constant 0 : i32
    %dma_start3A_52 = arith.constant 0 : i32
    %dma_start3A_53 = tpu.memref_slice %arg3[%dma_start3A_51, %dma_start3A_52] : memref<1000192x64xf32, #tpu.memory_space<hbm>> -> memref<1000192x64xf32, #tpu.memory_space<hbm>>
    tpu.enqueue_indirect_dma source(%dma_start3A_53 : memref<1000192x64xf32, #tpu.memory_space<hbm>>) target(%dma_start3A_48 : memref<128x64xf32, #tpu.memory_space<vmem>>) offsets(%dma_start3A_50 : memref<128xi32, #tpu.memory_space<vmem>>) semaphore(%arg8 : memref<!tpu.dma_semaphore, #tpu.memory_space<semaphore_mem>>)
    %scan3A = arith.constant 0 : i32
    %scan3A_54 = arith.constant 0 : i32
    %scan3A_55 = arith.constant 8 : i32
    %scan3A_56 = arith.addi %scan3A_54, %scan3A_55 : i32
    %scan3A_57 = arith.constant 1 : i32
    scf.for %scan3A_59 = %scan3A_54 to %scan3A_56 step %scan3A_57  : i32 {
      %mul3A_60 = arith.constant 2 : i32
      %mul3A_61 = arith.muli %mul3A_60, %scan3A_59 : i32
      %add3A_62 = arith.constant 1 : i32
      %add3A_63 = arith.addi %mul3A_61, %add3A_62 : i32
      %mul3A_64 = arith.constant 640 : i32
      %mul3A_65 = arith.muli %add3A_63, %mul3A_64 : i32
      %add3A_66 = arith.constant 0 : i32
      %add3A_67 = arith.addi %mul3A_65, %add3A_66 : i32
      %dma_start3A_68 = arith.constant 1 : i32
      %dma_start3A_69 = arith.constant 0 : i32
      %dma_start3A_70 = arith.constant 0 : i32
      %dma_start3A_71 = tpu.memref_slice %arg6[%dma_start3A_68, %dma_start3A_69, %dma_start3A_70] : memref<2x640x64xf32, #tpu.memory_space<vmem>> -> memref<1x128x64xf32, #tpu.memory_space<vmem>>
      %dma_start3A_72 = tpu.memref_squeeze %dma_start3A_71 : memref<1x128x64xf32, #tpu.memory_space<vmem>> -> memref<128x64xf32, #tpu.memory_space<vmem>>
      %dma_start3A_73 = tpu.memref_slice %arg5[%add3A_67] : memref<10240xi32, #tpu.memory_space<vmem>> -> memref<128xi32, #tpu.memory_space<vmem>>
      %dma_start3A_74 = arith.constant 0 : i32
      %dma_start3A_75 = arith.constant 0 : i32
      %dma_start3A_76 = tpu.memref_slice %arg3[%dma_start3A_74, %dma_start3A_75] : memref<1000192x64xf32, #tpu.memory_space<hbm>> -> memref<1000192x64xf32, #tpu.memory_space<hbm>>
      tpu.enqueue_indirect_dma source(%dma_start3A_76 : memref<1000192x64xf32, #tpu.memory_space<hbm>>) target(%dma_start3A_72 : memref<128x64xf32, #tpu.memory_space<vmem>>) offsets(%dma_start3A_73 : memref<128xi32, #tpu.memory_space<vmem>>) semaphore(%arg9 : memref<!tpu.dma_semaphore, #tpu.memory_space<semaphore_mem>>)
      %mul3A_77 = arith.constant 640 : i32
      %mul3A_78 = arith.muli %add3A_63, %mul3A_77 : i32
      %add3A_79 = arith.constant 128 : i32
      %add3A_80 = arith.addi %mul3A_78, %add3A_79 : i32
      %dma_start3A_81 = arith.constant 1 : i32
      %dma_start3A_82 = arith.constant 128 : i32
      %dma_start3A_83 = arith.constant 0 : i32
      %dma_start3A_84 = tpu.memref_slice %arg6[%dma_start3A_81, %dma_start3A_82, %dma_start3A_83] : memref<2x640x64xf32, #tpu.memory_space<vmem>> -> memref<1x128x64xf32, #tpu.memory_space<vmem>>
      %dma_start3A_85 = tpu.memref_squeeze %dma_start3A_84 : memref<1x128x64xf32, #tpu.memory_space<vmem>> -> memref<128x64xf32, #tpu.memory_space<vmem>>
      %dma_start3A_86 = tpu.memref_slice %arg5[%add3A_80] : memref<10240xi32, #tpu.memory_space<vmem>> -> memref<128xi32, #tpu.memory_space<vmem>>
      %dma_start3A_87 = arith.constant 0 : i32
      %dma_start3A_88 = arith.constant 0 : i32
      %dma_start3A_89 = tpu.memref_slice %arg3[%dma_start3A_87, %dma_start3A_88] : memref<1000192x64xf32, #tpu.memory_space<hbm>> -> memref<1000192x64xf32, #tpu.memory_space<hbm>>
      tpu.enqueue_indirect_dma source(%dma_start3A_89 : memref<1000192x64xf32, #tpu.memory_space<hbm>>) target(%dma_start3A_85 : memref<128x64xf32, #tpu.memory_space<vmem>>) offsets(%dma_start3A_86 : memref<128xi32, #tpu.memory_space<vmem>>) semaphore(%arg9 : memref<!tpu.dma_semaphore, #tpu.memory_space<semaphore_mem>>)
      %mul3A_90 = arith.constant 640 : i32
      %mul3A_91 = arith.muli %add3A_63, %mul3A_90 : i32
      %add3A_92 = arith.constant 256 : i32
      %add3A_93 = arith.addi %mul3A_91, %add3A_92 : i32
      %dma_start3A_94 = arith.constant 1 : i32
      %dma_start3A_95 = arith.constant 256 : i32
      %dma_start3A_96 = arith.constant 0 : i32
      %dma_start3A_97 = tpu.memref_slice %arg6[%dma_start3A_94, %dma_start3A_95, %dma_start3A_96] : memref<2x640x64xf32, #tpu.memory_space<vmem>> -> memref<1x128x64xf32, #tpu.memory_space<vmem>>
      %dma_start3A_98 = tpu.memref_squeeze %dma_start3A_97 : memref<1x128x64xf32, #tpu.memory_space<vmem>> -> memref<128x64xf32, #tpu.memory_space<vmem>>
      %dma_start3A_99 = tpu.memref_slice %arg5[%add3A_93] : memref<10240xi32, #tpu.memory_space<vmem>> -> memref<128xi32, #tpu.memory_space<vmem>>
      %dma_start3A_100 = arith.constant 0 : i32
      %dma_start3A_101 = arith.constant 0 : i32
      %dma_start3A_102 = tpu.memref_slice %arg3[%dma_start3A_100, %dma_start3A_101] : memref<1000192x64xf32, #tpu.memory_space<hbm>> -> memref<1000192x64xf32, #tpu.memory_space<hbm>>
      tpu.enqueue_indirect_dma source(%dma_start3A_102 : memref<1000192x64xf32, #tpu.memory_space<hbm>>) target(%dma_start3A_98 : memref<128x64xf32, #tpu.memory_space<vmem>>) offsets(%dma_start3A_99 : memref<128xi32, #tpu.memory_space<vmem>>) semaphore(%arg9 : memref<!tpu.dma_semaphore, #tpu.memory_space<semaphore_mem>>)
      %mul3A_103 = arith.constant 640 : i32
      %mul3A_104 = arith.muli %add3A_63, %mul3A_103 : i32
      %add3A_105 = arith.constant 384 : i32
      %add3A_106 = arith.addi %mul3A_104, %add3A_105 : i32
      %dma_start3A_107 = arith.constant 1 : i32
      %dma_start3A_108 = arith.constant 384 : i32
      %dma_start3A_109 = arith.constant 0 : i32
      %dma_start3A_110 = tpu.memref_slice %arg6[%dma_start3A_107, %dma_start3A_108, %dma_start3A_109] : memref<2x640x64xf32, #tpu.memory_space<vmem>> -> memref<1x128x64xf32, #tpu.memory_space<vmem>>
      %dma_start3A_111 = tpu.memref_squeeze %dma_start3A_110 : memref<1x128x64xf32, #tpu.memory_space<vmem>> -> memref<128x64xf32, #tpu.memory_space<vmem>>
      %dma_start3A_112 = tpu.memref_slice %arg5[%add3A_106] : memref<10240xi32, #tpu.memory_space<vmem>> -> memref<128xi32, #tpu.memory_space<vmem>>
      %dma_start3A_113 = arith.constant 0 : i32
      %dma_start3A_114 = arith.constant 0 : i32
      %dma_start3A_115 = tpu.memref_slice %arg3[%dma_start3A_113, %dma_start3A_114] : memref<1000192x64xf32, #tpu.memory_space<hbm>> -> memref<1000192x64xf32, #tpu.memory_space<hbm>>
      tpu.enqueue_indirect_dma source(%dma_start3A_115 : memref<1000192x64xf32, #tpu.memory_space<hbm>>) target(%dma_start3A_111 : memref<128x64xf32, #tpu.memory_space<vmem>>) offsets(%dma_start3A_112 : memref<128xi32, #tpu.memory_space<vmem>>) semaphore(%arg9 : memref<!tpu.dma_semaphore, #tpu.memory_space<semaphore_mem>>)
      %mul3A_116 = arith.constant 640 : i32
      %mul3A_117 = arith.muli %add3A_63, %mul3A_116 : i32
      %add3A_118 = arith.constant 512 : i32
      %add3A_119 = arith.addi %mul3A_117, %add3A_118 : i32
      %dma_start3A_120 = arith.constant 1 : i32
      %dma_start3A_121 = arith.constant 512 : i32
      %dma_start3A_122 = arith.constant 0 : i32
      %dma_start3A_123 = tpu.memref_slice %arg6[%dma_start3A_120, %dma_start3A_121, %dma_start3A_122] : memref<2x640x64xf32, #tpu.memory_space<vmem>> -> memref<1x128x64xf32, #tpu.memory_space<vmem>>
      %dma_start3A_124 = tpu.memref_squeeze %dma_start3A_123 : memref<1x128x64xf32, #tpu.memory_space<vmem>> -> memref<128x64xf32, #tpu.memory_space<vmem>>
      %dma_start3A_125 = tpu.memref_slice %arg5[%add3A_119] : memref<10240xi32, #tpu.memory_space<vmem>> -> memref<128xi32, #tpu.memory_space<vmem>>
      %dma_start3A_126 = arith.constant 0 : i32
      %dma_start3A_127 = arith.constant 0 : i32
      %dma_start3A_128 = tpu.memref_slice %arg3[%dma_start3A_126, %dma_start3A_127] : memref<1000192x64xf32, #tpu.memory_space<hbm>> -> memref<1000192x64xf32, #tpu.memory_space<hbm>>
      tpu.enqueue_indirect_dma source(%dma_start3A_128 : memref<1000192x64xf32, #tpu.memory_space<hbm>>) target(%dma_start3A_124 : memref<128x64xf32, #tpu.memory_space<vmem>>) offsets(%dma_start3A_125 : memref<128xi32, #tpu.memory_space<vmem>>) semaphore(%arg9 : memref<!tpu.dma_semaphore, #tpu.memory_space<semaphore_mem>>)
      %dma_wait3A = arith.constant 0 : i32
      %dma_wait3A_129 = arith.constant 0 : i32
      %dma_wait3A_130 = arith.constant 0 : i32
      %dma_wait3A_131 = tpu.memref_slice %arg6[%dma_wait3A, %dma_wait3A_129, %dma_wait3A_130] : memref<2x640x64xf32, #tpu.memory_space<vmem>> -> memref<1x640x64xf32, #tpu.memory_space<vmem>>
      %dma_wait3A_132 = tpu.memref_squeeze %dma_wait3A_131 : memref<1x640x64xf32, #tpu.memory_space<vmem>> -> memref<640x64xf32, #tpu.memory_space<vmem>>
      %dma_wait3A_133 = arith.constant 0 : i32
      %dma_wait3A_134 = arith.constant 0 : i32
      %dma_wait3A_135 = tpu.memref_slice %arg3[%dma_wait3A_133, %dma_wait3A_134] : memref<1000192x64xf32, #tpu.memory_space<hbm>> -> memref<640x64xf32, #tpu.memory_space<hbm>>
      %dma_wait3A_136 = arith.constant 0 : i32
      %dma_wait3A_137 = arith.constant 0 : i32
      %dma_wait3A_138 = tpu.memref_slice %arg6[%dma_wait3A, %dma_wait3A_136, %dma_wait3A_137] : memref<2x640x64xf32, #tpu.memory_space<vmem>> -> memref<1x640x64xf32, #tpu.memory_space<vmem>>
      %dma_wait3A_139 = tpu.memref_squeeze %dma_wait3A_138 : memref<1x640x64xf32, #tpu.memory_space<vmem>> -> memref<640x64xf32, #tpu.memory_space<vmem>>
      %dma_wait3A_140 = arith.constant 0 : i32
      %dma_wait3A_141 = arith.constant 0 : i32
      %dma_wait3A_142 = tpu.memref_slice %arg3[%dma_wait3A_140, %dma_wait3A_141] : memref<1000192x64xf32, #tpu.memory_space<hbm>> -> memref<640x64xf32, #tpu.memory_space<hbm>>
      tpu.wait_dma2 semaphore(%arg8 : memref<!tpu.dma_semaphore, #tpu.memory_space<semaphore_mem>>) src(%dma_wait3A_142 : memref<640x64xf32, #tpu.memory_space<hbm>>) dst(%dma_wait3A_139 : memref<640x64xf32, #tpu.memory_space<vmem>>)
      %parallel_loop3A = arith.constant 0 : i32
      %parallel_loop3A_143 = arith.constant 32 : i32
      %parallel_loop3A_144 = arith.constant 1 : i32
      scf.for %parallel_loop3A_174 = %parallel_loop3A to %parallel_loop3A_143 step %parallel_loop3A_144  : i32 {
        %parallel_loop3A_175 = arith.constant 0.000000e+00 : f32
        %parallel_loop3A_176 = vector.broadcast %parallel_loop3A_175 : f32 to vector<16xf32>
        %parallel_loop3A_177 = arith.constant 0.000000e+00 : f32
        %parallel_loop3A_178 = vector.broadcast %parallel_loop3A_177 : f32 to vector<16xf32>
        %parallel_loop3A_179 = arith.constant 0.000000e+00 : f32
        %parallel_loop3A_180 = vector.broadcast %parallel_loop3A_179 : f32 to vector<16xf32>
        %parallel_loop3A_181 = arith.constant 0.000000e+00 : f32
        %parallel_loop3A_182 = vector.broadcast %parallel_loop3A_181 : f32 to vector<16xf32>
        %parallel_loop3A_183 = arith.constant 20 : i32
        %parallel_loop3A_184 = arith.muli %parallel_loop3A_174, %parallel_loop3A_183 : i32
        %parallel_loop3A_185 = arith.constant 0 : i32
        %parallel_loop3A_186 = arith.addi %parallel_loop3A_184, %parallel_loop3A_185 : i32
        %parallel_loop3A_187 = arith.constant 0 : i32
        %parallel_loop3A_188 = arith.index_cast %parallel_loop3A_187 : i32 to index
        %parallel_loop3A_189 = arith.index_cast %parallel_loop3A_186 : i32 to index
        %parallel_loop3A_190 = arith.constant 0 : index
        %parallel_loop3A_191 = tpu.vector_load %arg6[%parallel_loop3A_188, %parallel_loop3A_189, %parallel_loop3A_190] {strides = array<i32>} : memref<2x640x64xf32, #tpu.memory_space<vmem>>, vector<1x1x16xf32>,
        %parallel_loop3A_192 = vector.shape_cast %parallel_loop3A_191 : vector<1x1x16xf32> to vector<16xf32>
        %parallel_loop3A_193 = arith.addf %parallel_loop3A_176, %parallel_loop3A_192 : vector<16xf32>
        %parallel_loop3A_194 = arith.constant 0 : i32
        %parallel_loop3A_195 = arith.index_cast %parallel_loop3A_194 : i32 to index
        %parallel_loop3A_196 = arith.index_cast %parallel_loop3A_186 : i32 to index
        %parallel_loop3A_197 = arith.constant 16 : index
        %parallel_loop3A_198 = tpu.vector_load %arg6[%parallel_loop3A_195, %parallel_loop3A_196, %parallel_loop3A_197] {strides = array<i32>} : memref<2x640x64xf32, #tpu.memory_space<vmem>>, vector<1x1x16xf32>,
        %parallel_loop3A_199 = vector.shape_cast %parallel_loop3A_198 : vector<1x1x16xf32> to vector<16xf32>
        %parallel_loop3A_200 = arith.addf %parallel_loop3A_178, %parallel_loop3A_199 : vector<16xf32>
        %parallel_loop3A_201 = arith.constant 0 : i32
        %parallel_loop3A_202 = arith.index_cast %parallel_loop3A_201 : i32 to index
        %parallel_loop3A_203 = arith.index_cast %parallel_loop3A_186 : i32 to index
        %parallel_loop3A_204 = arith.constant 32 : index
        %parallel_loop3A_205 = tpu.vector_load %arg6[%parallel_loop3A_202, %parallel_loop3A_203, %parallel_loop3A_204] {strides = array<i32>} : memref<2x640x64xf32, #tpu.memory_space<vmem>>, vector<1x1x16xf32>,
        %parallel_loop3A_206 = vector.shape_cast %parallel_loop3A_205 : vector<1x1x16xf32> to vector<16xf32>
        %parallel_loop3A_207 = arith.addf %parallel_loop3A_180, %parallel_loop3A_206 : vector<16xf32>
        %parallel_loop3A_208 = arith.constant 0 : i32
        %parallel_loop3A_209 = arith.index_cast %parallel_loop3A_208 : i32 to index
        %parallel_loop3A_210 = arith.index_cast %parallel_loop3A_186 : i32 to index
        %parallel_loop3A_211 = arith.constant 48 : index
        %parallel_loop3A_212 = tpu.vector_load %arg6[%parallel_loop3A_209, %parallel_loop3A_210, %parallel_loop3A_211] {strides = array<i32>} : memref<2x640x64xf32, #tpu.memory_space<vmem>>, vector<1x1x16xf32>,
        %parallel_loop3A_213 = vector.shape_cast %parallel_loop3A_212 : vector<1x1x16xf32> to vector<16xf32>
        %parallel_loop3A_214 = arith.addf %parallel_loop3A_182, %parallel_loop3A_213 : vector<16xf32>
        %parallel_loop3A_215 = arith.constant 20 : i32
        %parallel_loop3A_216 = arith.muli %parallel_loop3A_174, %parallel_loop3A_215 : i32
        %parallel_loop3A_217 = arith.constant 1 : i32
        %parallel_loop3A_218 = arith.addi %parallel_loop3A_216, %parallel_loop3A_217 : i32
        %parallel_loop3A_219 = arith.constant 0 : i32
        %parallel_loop3A_220 = arith.index_cast %parallel_loop3A_219 : i32 to index
        %parallel_loop3A_221 = arith.index_cast %parallel_loop3A_218 : i32 to index
        %parallel_loop3A_222 = arith.constant 0 : index
        %parallel_loop3A_223 = tpu.vector_load %arg6[%parallel_loop3A_220, %parallel_loop3A_221, %parallel_loop3A_222] {strides = array<i32>} : memref<2x640x64xf32, #tpu.memory_space<vmem>>, vector<1x1x16xf32>,
        %parallel_loop3A_224 = vector.shape_cast %parallel_loop3A_223 : vector<1x1x16xf32> to vector<16xf32>
        %parallel_loop3A_225 = arith.addf %parallel_loop3A_193, %parallel_loop3A_224 : vector<16xf32>
        %parallel_loop3A_226 = arith.constant 0 : i32
        %parallel_loop3A_227 = arith.index_cast %parallel_loop3A_226 : i32 to index
        %parallel_loop3A_228 = arith.index_cast %parallel_loop3A_218 : i32 to index
        %parallel_loop3A_229 = arith.constant 16 : index
        %parallel_loop3A_230 = tpu.vector_load %arg6[%parallel_loop3A_227, %parallel_loop3A_228, %parallel_loop3A_229] {strides = array<i32>} : memref<2x640x64xf32, #tpu.memory_space<vmem>>, vector<1x1x16xf32>,
        %parallel_loop3A_231 = vector.shape_cast %parallel_loop3A_230 : vector<1x1x16xf32> to vector<16xf32>
        %parallel_loop3A_232 = arith.addf %parallel_loop3A_200, %parallel_loop3A_231 : vector<16xf32>
        %parallel_loop3A_233 = arith.constant 0 : i32
        %parallel_loop3A_234 = arith.index_cast %parallel_loop3A_233 : i32 to index
        %parallel_loop3A_235 = arith.index_cast %parallel_loop3A_218 : i32 to index
        %parallel_loop3A_236 = arith.constant 32 : index
        %parallel_loop3A_237 = tpu.vector_load %arg6[%parallel_loop3A_234, %parallel_loop3A_235, %parallel_loop3A_236] {strides = array<i32>} : memref<2x640x64xf32, #tpu.memory_space<vmem>>, vector<1x1x16xf32>,
        %parallel_loop3A_238 = vector.shape_cast %parallel_loop3A_237 : vector<1x1x16xf32> to vector<16xf32>
        %parallel_loop3A_239 = arith.addf %parallel_loop3A_207, %parallel_loop3A_238 : vector<16xf32>
        %parallel_loop3A_240 = arith.constant 0 : i32
        %parallel_loop3A_241 = arith.index_cast %parallel_loop3A_240 : i32 to index
        %parallel_loop3A_242 = arith.index_cast %parallel_loop3A_218 : i32 to index
        %parallel_loop3A_243 = arith.constant 48 : index
        %parallel_loop3A_244 = tpu.vector_load %arg6[%parallel_loop3A_241, %parallel_loop3A_242, %parallel_loop3A_243] {strides = array<i32>} : memref<2x640x64xf32, #tpu.memory_space<vmem>>, vector<1x1x16xf32>,
        %parallel_loop3A_245 = vector.shape_cast %parallel_loop3A_244 : vector<1x1x16xf32> to vector<16xf32>
        %parallel_loop3A_246 = arith.addf %parallel_loop3A_214, %parallel_loop3A_245 : vector<16xf32>
        %parallel_loop3A_247 = arith.constant 20 : i32
        %parallel_loop3A_248 = arith.muli %parallel_loop3A_174, %parallel_loop3A_247 : i32
        %parallel_loop3A_249 = arith.constant 2 : i32
        %parallel_loop3A_250 = arith.addi %parallel_loop3A_248, %parallel_loop3A_249 : i32
        %parallel_loop3A_251 = arith.constant 0 : i32
        %parallel_loop3A_252 = arith.index_cast %parallel_loop3A_251 : i32 to index
        %parallel_loop3A_253 = arith.index_cast %parallel_loop3A_250 : i32 to index
        %parallel_loop3A_254 = arith.constant 0 : index
        %parallel_loop3A_255 = tpu.vector_load %arg6[%parallel_loop3A_252, %parallel_loop3A_253, %parallel_loop3A_254] {strides = array<i32>} : memref<2x640x64xf32, #tpu.memory_space<vmem>>, vector<1x1x16xf32>,
        %parallel_loop3A_256 = vector.shape_cast %parallel_loop3A_255 : vector<1x1x16xf32> to vector<16xf32>
        %parallel_loop3A_257 = arith.addf %parallel_loop3A_225, %parallel_loop3A_256 : vector<16xf32>
        %parallel_loop3A_258 = arith.constant 0 : i32
        %parallel_loop3A_259 = arith.index_cast %parallel_loop3A_258 : i32 to index
        %parallel_loop3A_260 = arith.index_cast %parallel_loop3A_250 : i32 to index
        %parallel_loop3A_261 = arith.constant 16 : index
        %parallel_loop3A_262 = tpu.vector_load %arg6[%parallel_loop3A_259, %parallel_loop3A_260, %parallel_loop3A_261] {strides = array<i32>} : memref<2x640x64xf32, #tpu.memory_space<vmem>>, vector<1x1x16xf32>,
        %parallel_loop3A_263 = vector.shape_cast %parallel_loop3A_262 : vector<1x1x16xf32> to vector<16xf32>
        %parallel_loop3A_264 = arith.addf %parallel_loop3A_232, %parallel_loop3A_263 : vector<16xf32>
        %parallel_loop3A_265 = arith.constant 0 : i32
        %parallel_loop3A_266 = arith.index_cast %parallel_loop3A_265 : i32 to index
        %parallel_loop3A_267 = arith.index_cast %parallel_loop3A_250 : i32 to index
        %parallel_loop3A_268 = arith.constant 32 : index
        %parallel_loop3A_269 = tpu.vector_load %arg6[%parallel_loop3A_266, %parallel_loop3A_267, %parallel_loop3A_268] {strides = array<i32>} : memref<2x640x64xf32, #tpu.memory_space<vmem>>, vector<1x1x16xf32>,
        %parallel_loop3A_270 = vector.shape_cast %parallel_loop3A_269 : vector<1x1x16xf32> to vector<16xf32>
        %parallel_loop3A_271 = arith.addf %parallel_loop3A_239, %parallel_loop3A_270 : vector<16xf32>
        %parallel_loop3A_272 = arith.constant 0 : i32
        %parallel_loop3A_273 = arith.index_cast %parallel_loop3A_272 : i32 to index
        %parallel_loop3A_274 = arith.index_cast %parallel_loop3A_250 : i32 to index
        %parallel_loop3A_275 = arith.constant 48 : index
        %parallel_loop3A_276 = tpu.vector_load %arg6[%parallel_loop3A_273, %parallel_loop3A_274, %parallel_loop3A_275] {strides = array<i32>} : memref<2x640x64xf32, #tpu.memory_space<vmem>>, vector<1x1x16xf32>,
        %parallel_loop3A_277 = vector.shape_cast %parallel_loop3A_276 : vector<1x1x16xf32> to vector<16xf32>
        %parallel_loop3A_278 = arith.addf %parallel_loop3A_246, %parallel_loop3A_277 : vector<16xf32>
        %parallel_loop3A_279 = arith.constant 20 : i32
        %parallel_loop3A_280 = arith.muli %parallel_loop3A_174, %parallel_loop3A_279 : i32
        %parallel_loop3A_281 = arith.constant 3 : i32
        %parallel_loop3A_282 = arith.addi %parallel_loop3A_280, %parallel_loop3A_281 : i32
        %parallel_loop3A_283 = arith.constant 0 : i32
        %parallel_loop3A_284 = arith.index_cast %parallel_loop3A_283 : i32 to index
        %parallel_loop3A_285 = arith.index_cast %parallel_loop3A_282 : i32 to index
        %parallel_loop3A_286 = arith.constant 0 : index
        %parallel_loop3A_287 = tpu.vector_load %arg6[%parallel_loop3A_284, %parallel_loop3A_285, %parallel_loop3A_286] {strides = array<i32>} : memref<2x640x64xf32, #tpu.memory_space<vmem>>, vector<1x1x16xf32>,
        %parallel_loop3A_288 = vector.shape_cast %parallel_loop3A_287 : vector<1x1x16xf32> to vector<16xf32>
        %parallel_loop3A_289 = arith.addf %parallel_loop3A_257, %parallel_loop3A_288 : vector<16xf32>
        %parallel_loop3A_290 = arith.constant 0 : i32
        %parallel_loop3A_291 = arith.index_cast %parallel_loop3A_290 : i32 to index
        %parallel_loop3A_292 = arith.index_cast %parallel_loop3A_282 : i32 to index
        %parallel_loop3A_293 = arith.constant 16 : index
        %parallel_loop3A_294 = tpu.vector_load %arg6[%parallel_loop3A_291, %parallel_loop3A_292, %parallel_loop3A_293] {strides = array<i32>} : memref<2x640x64xf32, #tpu.memory_space<vmem>>, vector<1x1x16xf32>,
        %parallel_loop3A_295 = vector.shape_cast %parallel_loop3A_294 : vector<1x1x16xf32> to vector<16xf32>
        %parallel_loop3A_296 = arith.addf %parallel_loop3A_264, %parallel_loop3A_295 : vector<16xf32>
        %parallel_loop3A_297 = arith.constant 0 : i32
        %parallel_loop3A_298 = arith.index_cast %parallel_loop3A_297 : i32 to index
        %parallel_loop3A_299 = arith.index_cast %parallel_loop3A_282 : i32 to index
        %parallel_loop3A_300 = arith.constant 32 : index
        %parallel_loop3A_301 = tpu.vector_load %arg6[%parallel_loop3A_298, %parallel_loop3A_299, %parallel_loop3A_300] {strides = array<i32>} : memref<2x640x64xf32, #tpu.memory_space<vmem>>, vector<1x1x16xf32>,
        %parallel_loop3A_302 = vector.shape_cast %parallel_loop3A_301 : vector<1x1x16xf32> to vector<16xf32>
        %parallel_loop3A_303 = arith.addf %parallel_loop3A_271, %parallel_loop3A_302 : vector<16xf32>
        %parallel_loop3A_304 = arith.constant 0 : i32
        %parallel_loop3A_305 = arith.index_cast %parallel_loop3A_304 : i32 to index
        %parallel_loop3A_306 = arith.index_cast %parallel_loop3A_282 : i32 to index
        %parallel_loop3A_307 = arith.constant 48 : index
        %parallel_loop3A_308 = tpu.vector_load %arg6[%parallel_loop3A_305, %parallel_loop3A_306, %parallel_loop3A_307] {strides = array<i32>} : memref<2x640x64xf32, #tpu.memory_space<vmem>>, vector<1x1x16xf32>,
        %parallel_loop3A_309 = vector.shape_cast %parallel_loop3A_308 : vector<1x1x16xf32> to vector<16xf32>
        %parallel_loop3A_310 = arith.addf %parallel_loop3A_278, %parallel_loop3A_309 : vector<16xf32>
        %parallel_loop3A_311 = arith.constant 20 : i32
        %parallel_loop3A_312 = arith.muli %parallel_loop3A_174, %parallel_loop3A_311 : i32
        %parallel_loop3A_313 = arith.constant 4 : i32
        %parallel_loop3A_314 = arith.addi %parallel_loop3A_312, %parallel_loop3A_313 : i32
        %parallel_loop3A_315 = arith.constant 0 : i32
        %parallel_loop3A_316 = arith.index_cast %parallel_loop3A_315 : i32 to index
        %parallel_loop3A_317 = arith.index_cast %parallel_loop3A_314 : i32 to index
        %parallel_loop3A_318 = arith.constant 0 : index
        %parallel_loop3A_319 = tpu.vector_load %arg6[%parallel_loop3A_316, %parallel_loop3A_317, %parallel_loop3A_318] {strides = array<i32>} : memref<2x640x64xf32, #tpu.memory_space<vmem>>, vector<1x1x16xf32>,
        %parallel_loop3A_320 = vector.shape_cast %parallel_loop3A_319 : vector<1x1x16xf32> to vector<16xf32>
        %parallel_loop3A_321 = arith.addf %parallel_loop3A_289, %parallel_loop3A_320 : vector<16xf32>
        %parallel_loop3A_322 = arith.constant 0 : i32
        %parallel_loop3A_323 = arith.index_cast %parallel_loop3A_322 : i32 to index
        %parallel_loop3A_324 = arith.index_cast %parallel_loop3A_314 : i32 to index
        %parallel_loop3A_325 = arith.constant 16 : index
        %parallel_loop3A_326 = tpu.vector_load %arg6[%parallel_loop3A_323, %parallel_loop3A_324, %parallel_loop3A_325] {strides = array<i32>} : memref<2x640x64xf32, #tpu.memory_space<vmem>>, vector<1x1x16xf32>,
        %parallel_loop3A_327 = vector.shape_cast %parallel_loop3A_326 : vector<1x1x16xf32> to vector<16xf32>
        %parallel_loop3A_328 = arith.addf %parallel_loop3A_296, %parallel_loop3A_327 : vector<16xf32>
        %parallel_loop3A_329 = arith.constant 0 : i32
        %parallel_loop3A_330 = arith.index_cast %parallel_loop3A_329 : i32 to index
        %parallel_loop3A_331 = arith.index_cast %parallel_loop3A_314 : i32 to index
        %parallel_loop3A_332 = arith.constant 32 : index
        %parallel_loop3A_333 = tpu.vector_load %arg6[%parallel_loop3A_330, %parallel_loop3A_331, %parallel_loop3A_332] {strides = array<i32>} : memref<2x640x64xf32, #tpu.memory_space<vmem>>, vector<1x1x16xf32>,
        %parallel_loop3A_334 = vector.shape_cast %parallel_loop3A_333 : vector<1x1x16xf32> to vector<16xf32>
        %parallel_loop3A_335 = arith.addf %parallel_loop3A_303, %parallel_loop3A_334 : vector<16xf32>
        %parallel_loop3A_336 = arith.constant 0 : i32
        %parallel_loop3A_337 = arith.index_cast %parallel_loop3A_336 : i32 to index
        %parallel_loop3A_338 = arith.index_cast %parallel_loop3A_314 : i32 to index
        %parallel_loop3A_339 = arith.constant 48 : index
        %parallel_loop3A_340 = tpu.vector_load %arg6[%parallel_loop3A_337, %parallel_loop3A_338, %parallel_loop3A_339] {strides = array<i32>} : memref<2x640x64xf32, #tpu.memory_space<vmem>>, vector<1x1x16xf32>,
        %parallel_loop3A_341 = vector.shape_cast %parallel_loop3A_340 : vector<1x1x16xf32> to vector<16xf32>
        %parallel_loop3A_342 = arith.addf %parallel_loop3A_310, %parallel_loop3A_341 : vector<16xf32>
        %parallel_loop3A_343 = arith.constant 20 : i32
        %parallel_loop3A_344 = arith.muli %parallel_loop3A_174, %parallel_loop3A_343 : i32
        %parallel_loop3A_345 = arith.constant 5 : i32
        %parallel_loop3A_346 = arith.addi %parallel_loop3A_344, %parallel_loop3A_345 : i32
        %parallel_loop3A_347 = arith.constant 0 : i32
        %parallel_loop3A_348 = arith.index_cast %parallel_loop3A_347 : i32 to index
        %parallel_loop3A_349 = arith.index_cast %parallel_loop3A_346 : i32 to index
        %parallel_loop3A_350 = arith.constant 0 : index
        %parallel_loop3A_351 = tpu.vector_load %arg6[%parallel_loop3A_348, %parallel_loop3A_349, %parallel_loop3A_350] {strides = array<i32>} : memref<2x640x64xf32, #tpu.memory_space<vmem>>, vector<1x1x16xf32>,
        %parallel_loop3A_352 = vector.shape_cast %parallel_loop3A_351 : vector<1x1x16xf32> to vector<16xf32>
        %parallel_loop3A_353 = arith.addf %parallel_loop3A_321, %parallel_loop3A_352 : vector<16xf32>
        %parallel_loop3A_354 = arith.constant 0 : i32
        %parallel_loop3A_355 = arith.index_cast %parallel_loop3A_354 : i32 to index
        %parallel_loop3A_356 = arith.index_cast %parallel_loop3A_346 : i32 to index
        %parallel_loop3A_357 = arith.constant 16 : index
        %parallel_loop3A_358 = tpu.vector_load %arg6[%parallel_loop3A_355, %parallel_loop3A_356, %parallel_loop3A_357] {strides = array<i32>} : memref<2x640x64xf32, #tpu.memory_space<vmem>>, vector<1x1x16xf32>,
        %parallel_loop3A_359 = vector.shape_cast %parallel_loop3A_358 : vector<1x1x16xf32> to vector<16xf32>
        %parallel_loop3A_360 = arith.addf %parallel_loop3A_328, %parallel_loop3A_359 : vector<16xf32>
        %parallel_loop3A_361 = arith.constant 0 : i32
        %parallel_loop3A_362 = arith.index_cast %parallel_loop3A_361 : i32 to index
        %parallel_loop3A_363 = arith.index_cast %parallel_loop3A_346 : i32 to index
        %parallel_loop3A_364 = arith.constant 32 : index
        %parallel_loop3A_365 = tpu.vector_load %arg6[%parallel_loop3A_362, %parallel_loop3A_363, %parallel_loop3A_364] {strides = array<i32>} : memref<2x640x64xf32, #tpu.memory_space<vmem>>, vector<1x1x16xf32>,
        %parallel_loop3A_366 = vector.shape_cast %parallel_loop3A_365 : vector<1x1x16xf32> to vector<16xf32>
        %parallel_loop3A_367 = arith.addf %parallel_loop3A_335, %parallel_loop3A_366 : vector<16xf32>
        %parallel_loop3A_368 = arith.constant 0 : i32
        %parallel_loop3A_369 = arith.index_cast %parallel_loop3A_368 : i32 to index
        %parallel_loop3A_370 = arith.index_cast %parallel_loop3A_346 : i32 to index
        %parallel_loop3A_371 = arith.constant 48 : index
        %parallel_loop3A_372 = tpu.vector_load %arg6[%parallel_loop3A_369, %parallel_loop3A_370, %parallel_loop3A_371] {strides = array<i32>} : memref<2x640x64xf32, #tpu.memory_space<vmem>>, vector<1x1x16xf32>,
        %parallel_loop3A_373 = vector.shape_cast %parallel_loop3A_372 : vector<1x1x16xf32> to vector<16xf32>
        %parallel_loop3A_374 = arith.addf %parallel_loop3A_342, %parallel_loop3A_373 : vector<16xf32>
        %parallel_loop3A_375 = arith.constant 20 : i32
        %parallel_loop3A_376 = arith.muli %parallel_loop3A_174, %parallel_loop3A_375 : i32
        %parallel_loop3A_377 = arith.constant 6 : i32
        %parallel_loop3A_378 = arith.addi %parallel_loop3A_376, %parallel_loop3A_377 : i32
        %parallel_loop3A_379 = arith.constant 0 : i32
        %parallel_loop3A_380 = arith.index_cast %parallel_loop3A_379 : i32 to index
        %parallel_loop3A_381 = arith.index_cast %parallel_loop3A_378 : i32 to index
        %parallel_loop3A_382 = arith.constant 0 : index
        %parallel_loop3A_383 = tpu.vector_load %arg6[%parallel_loop3A_380, %parallel_loop3A_381, %parallel_loop3A_382] {strides = array<i32>} : memref<2x640x64xf32, #tpu.memory_space<vmem>>, vector<1x1x16xf32>,
        %parallel_loop3A_384 = vector.shape_cast %parallel_loop3A_383 : vector<1x1x16xf32> to vector<16xf32>
        %parallel_loop3A_385 = arith.addf %parallel_loop3A_353, %parallel_loop3A_384 : vector<16xf32>
        %parallel_loop3A_386 = arith.constant 0 : i32
        %parallel_loop3A_387 = arith.index_cast %parallel_loop3A_386 : i32 to index
        %parallel_loop3A_388 = arith.index_cast %parallel_loop3A_378 : i32 to index
        %parallel_loop3A_389 = arith.constant 16 : index
        %parallel_loop3A_390 = tpu.vector_load %arg6[%parallel_loop3A_387, %parallel_loop3A_388, %parallel_loop3A_389] {strides = array<i32>} : memref<2x640x64xf32, #tpu.memory_space<vmem>>, vector<1x1x16xf32>,
        %parallel_loop3A_391 = vector.shape_cast %parallel_loop3A_390 : vector<1x1x16xf32> to vector<16xf32>
        %parallel_loop3A_392 = arith.addf %parallel_loop3A_360, %parallel_loop3A_391 : vector<16xf32>
        %parallel_loop3A_393 = arith.constant 0 : i32
        %parallel_loop3A_394 = arith.index_cast %parallel_loop3A_393 : i32 to index
        %parallel_loop3A_395 = arith.index_cast %parallel_loop3A_378 : i32 to index
        %parallel_loop3A_396 = arith.constant 32 : index
        %parallel_loop3A_397 = tpu.vector_load %arg6[%parallel_loop3A_394, %parallel_loop3A_395, %parallel_loop3A_396] {strides = array<i32>} : memref<2x640x64xf32, #tpu.memory_space<vmem>>, vector<1x1x16xf32>,
        %parallel_loop3A_398 = vector.shape_cast %parallel_loop3A_397 : vector<1x1x16xf32> to vector<16xf32>
        %parallel_loop3A_399 = arith.addf %parallel_loop3A_367, %parallel_loop3A_398 : vector<16xf32>
        %parallel_loop3A_400 = arith.constant 0 : i32
        %parallel_loop3A_401 = arith.index_cast %parallel_loop3A_400 : i32 to index
        %parallel_loop3A_402 = arith.index_cast %parallel_loop3A_378 : i32 to index
        %parallel_loop3A_403 = arith.constant 48 : index
        %parallel_loop3A_404 = tpu.vector_load %arg6[%parallel_loop3A_401, %parallel_loop3A_402, %parallel_loop3A_403] {strides = array<i32>} : memref<2x640x64xf32, #tpu.memory_space<vmem>>, vector<1x1x16xf32>,
        %parallel_loop3A_405 = vector.shape_cast %parallel_loop3A_404 : vector<1x1x16xf32> to vector<16xf32>
        %parallel_loop3A_406 = arith.addf %parallel_loop3A_374, %parallel_loop3A_405 : vector<16xf32>
        %parallel_loop3A_407 = arith.constant 20 : i32
        %parallel_loop3A_408 = arith.muli %parallel_loop3A_174, %parallel_loop3A_407 : i32
        %parallel_loop3A_409 = arith.constant 7 : i32
        %parallel_loop3A_410 = arith.addi %parallel_loop3A_408, %parallel_loop3A_409 : i32
        %parallel_loop3A_411 = arith.constant 0 : i32
        %parallel_loop3A_412 = arith.index_cast %parallel_loop3A_411 : i32 to index
        %parallel_loop3A_413 = arith.index_cast %parallel_loop3A_410 : i32 to index
        %parallel_loop3A_414 = arith.constant 0 : index
        %parallel_loop3A_415 = tpu.vector_load %arg6[%parallel_loop3A_412, %parallel_loop3A_413, %parallel_loop3A_414] {strides = array<i32>} : memref<2x640x64xf32, #tpu.memory_space<vmem>>, vector<1x1x16xf32>,
        %parallel_loop3A_416 = vector.shape_cast %parallel_loop3A_415 : vector<1x1x16xf32> to vector<16xf32>
        %parallel_loop3A_417 = arith.addf %parallel_loop3A_385, %parallel_loop3A_416 : vector<16xf32>
        %parallel_loop3A_418 = arith.constant 0 : i32
        %parallel_loop3A_419 = arith.index_cast %parallel_loop3A_418 : i32 to index
        %parallel_loop3A_420 = arith.index_cast %parallel_loop3A_410 : i32 to index
        %parallel_loop3A_421 = arith.constant 16 : index
        %parallel_loop3A_422 = tpu.vector_load %arg6[%parallel_loop3A_419, %parallel_loop3A_420, %parallel_loop3A_421] {strides = array<i32>} : memref<2x640x64xf32, #tpu.memory_space<vmem>>, vector<1x1x16xf32>,
        %parallel_loop3A_423 = vector.shape_cast %parallel_loop3A_422 : vector<1x1x16xf32> to vector<16xf32>
        %parallel_loop3A_424 = arith.addf %parallel_loop3A_392, %parallel_loop3A_423 : vector<16xf32>
        %parallel_loop3A_425 = arith.constant 0 : i32
        %parallel_loop3A_426 = arith.index_cast %parallel_loop3A_425 : i32 to index
        %parallel_loop3A_427 = arith.index_cast %parallel_loop3A_410 : i32 to index
        %parallel_loop3A_428 = arith.constant 32 : index
        %parallel_loop3A_429 = tpu.vector_load %arg6[%parallel_loop3A_426, %parallel_loop3A_427, %parallel_loop3A_428] {strides = array<i32>} : memref<2x640x64xf32, #tpu.memory_space<vmem>>, vector<1x1x16xf32>,
        %parallel_loop3A_430 = vector.shape_cast %parallel_loop3A_429 : vector<1x1x16xf32> to vector<16xf32>
        %parallel_loop3A_431 = arith.addf %parallel_loop3A_399, %parallel_loop3A_430 : vector<16xf32>
        %parallel_loop3A_432 = arith.constant 0 : i32
        %parallel_loop3A_433 = arith.index_cast %parallel_loop3A_432 : i32 to index
        %parallel_loop3A_434 = arith.index_cast %parallel_loop3A_410 : i32 to index
        %parallel_loop3A_435 = arith.constant 48 : index
        %parallel_loop3A_436 = tpu.vector_load %arg6[%parallel_loop3A_433, %parallel_loop3A_434, %parallel_loop3A_435] {strides = array<i32>} : memref<2x640x64xf32, #tpu.memory_space<vmem>>, vector<1x1x16xf32>,
        %parallel_loop3A_437 = vector.shape_cast %parallel_loop3A_436 : vector<1x1x16xf32> to vector<16xf32>
        %parallel_loop3A_438 = arith.addf %parallel_loop3A_406, %parallel_loop3A_437 : vector<16xf32>
        %parallel_loop3A_439 = arith.constant 20 : i32
        %parallel_loop3A_440 = arith.muli %parallel_loop3A_174, %parallel_loop3A_439 : i32
        %parallel_loop3A_441 = arith.constant 8 : i32
        %parallel_loop3A_442 = arith.addi %parallel_loop3A_440, %parallel_loop3A_441 : i32
        %parallel_loop3A_443 = arith.constant 0 : i32
        %parallel_loop3A_444 = arith.index_cast %parallel_loop3A_443 : i32 to index
        %parallel_loop3A_445 = arith.index_cast %parallel_loop3A_442 : i32 to index
        %parallel_loop3A_446 = arith.constant 0 : index
        %parallel_loop3A_447 = tpu.vector_load %arg6[%parallel_loop3A_444, %parallel_loop3A_445, %parallel_loop3A_446] {strides = array<i32>} : memref<2x640x64xf32, #tpu.memory_space<vmem>>, vector<1x1x16xf32>,
        %parallel_loop3A_448 = vector.shape_cast %parallel_loop3A_447 : vector<1x1x16xf32> to vector<16xf32>
        %parallel_loop3A_449 = arith.addf %parallel_loop3A_417, %parallel_loop3A_448 : vector<16xf32>
        %parallel_loop3A_450 = arith.constant 0 : i32
        %parallel_loop3A_451 = arith.index_cast %parallel_loop3A_450 : i32 to index
        %parallel_loop3A_452 = arith.index_cast %parallel_loop3A_442 : i32 to index
        %parallel_loop3A_453 = arith.constant 16 : index
        %parallel_loop3A_454 = tpu.vector_load %arg6[%parallel_loop3A_451, %parallel_loop3A_452, %parallel_loop3A_453] {strides = array<i32>} : memref<2x640x64xf32, #tpu.memory_space<vmem>>, vector<1x1x16xf32>,
        %parallel_loop3A_455 = vector.shape_cast %parallel_loop3A_454 : vector<1x1x16xf32> to vector<16xf32>
        %parallel_loop3A_456 = arith.addf %parallel_loop3A_424, %parallel_loop3A_455 : vector<16xf32>
        %parallel_loop3A_457 = arith.constant 0 : i32
        %parallel_loop3A_458 = arith.index_cast %parallel_loop3A_457 : i32 to index
        %parallel_loop3A_459 = arith.index_cast %parallel_loop3A_442 : i32 to index
        %parallel_loop3A_460 = arith.constant 32 : index
        %parallel_loop3A_461 = tpu.vector_load %arg6[%parallel_loop3A_458, %parallel_loop3A_459, %parallel_loop3A_460] {strides = array<i32>} : memref<2x640x64xf32, #tpu.memory_space<vmem>>, vector<1x1x16xf32>,
        %parallel_loop3A_462 = vector.shape_cast %parallel_loop3A_461 : vector<1x1x16xf32> to vector<16xf32>
        %parallel_loop3A_463 = arith.addf %parallel_loop3A_431, %parallel_loop3A_462 : vector<16xf32>
        %parallel_loop3A_464 = arith.constant 0 : i32
        %parallel_loop3A_465 = arith.index_cast %parallel_loop3A_464 : i32 to index
        %parallel_loop3A_466 = arith.index_cast %parallel_loop3A_442 : i32 to index
        %parallel_loop3A_467 = arith.constant 48 : index
        %parallel_loop3A_468 = tpu.vector_load %arg6[%parallel_loop3A_465, %parallel_loop3A_466, %parallel_loop3A_467] {strides = array<i32>} : memref<2x640x64xf32, #tpu.memory_space<vmem>>, vector<1x1x16xf32>,
        %parallel_loop3A_469 = vector.shape_cast %parallel_loop3A_468 : vector<1x1x16xf32> to vector<16xf32>
        %parallel_loop3A_470 = arith.addf %parallel_loop3A_438, %parallel_loop3A_469 : vector<16xf32>
        %parallel_loop3A_471 = arith.constant 20 : i32
        %parallel_loop3A_472 = arith.muli %parallel_loop3A_174, %parallel_loop3A_471 : i32
        %parallel_loop3A_473 = arith.constant 9 : i32
        %parallel_loop3A_474 = arith.addi %parallel_loop3A_472, %parallel_loop3A_473 : i32
        %parallel_loop3A_475 = arith.constant 0 : i32
        %parallel_loop3A_476 = arith.index_cast %parallel_loop3A_475 : i32 to index
        %parallel_loop3A_477 = arith.index_cast %parallel_loop3A_474 : i32 to index
        %parallel_loop3A_478 = arith.constant 0 : index
        %parallel_loop3A_479 = tpu.vector_load %arg6[%parallel_loop3A_476, %parallel_loop3A_477, %parallel_loop3A_478] {strides = array<i32>} : memref<2x640x64xf32, #tpu.memory_space<vmem>>, vector<1x1x16xf32>,
        %parallel_loop3A_480 = vector.shape_cast %parallel_loop3A_479 : vector<1x1x16xf32> to vector<16xf32>
        %parallel_loop3A_481 = arith.addf %parallel_loop3A_449, %parallel_loop3A_480 : vector<16xf32>
        %parallel_loop3A_482 = arith.constant 0 : i32
        %parallel_loop3A_483 = arith.index_cast %parallel_loop3A_482 : i32 to index
        %parallel_loop3A_484 = arith.index_cast %parallel_loop3A_474 : i32 to index
        %parallel_loop3A_485 = arith.constant 16 : index
        %parallel_loop3A_486 = tpu.vector_load %arg6[%parallel_loop3A_483, %parallel_loop3A_484, %parallel_loop3A_485] {strides = array<i32>} : memref<2x640x64xf32, #tpu.memory_space<vmem>>, vector<1x1x16xf32>,
        %parallel_loop3A_487 = vector.shape_cast %parallel_loop3A_486 : vector<1x1x16xf32> to vector<16xf32>
        %parallel_loop3A_488 = arith.addf %parallel_loop3A_456, %parallel_loop3A_487 : vector<16xf32>
        %parallel_loop3A_489 = arith.constant 0 : i32
        %parallel_loop3A_490 = arith.index_cast %parallel_loop3A_489 : i32 to index
        %parallel_loop3A_491 = arith.index_cast %parallel_loop3A_474 : i32 to index
        %parallel_loop3A_492 = arith.constant 32 : index
        %parallel_loop3A_493 = tpu.vector_load %arg6[%parallel_loop3A_490, %parallel_loop3A_491, %parallel_loop3A_492] {strides = array<i32>} : memref<2x640x64xf32, #tpu.memory_space<vmem>>, vector<1x1x16xf32>,
        %parallel_loop3A_494 = vector.shape_cast %parallel_loop3A_493 : vector<1x1x16xf32> to vector<16xf32>
        %parallel_loop3A_495 = arith.addf %parallel_loop3A_463, %parallel_loop3A_494 : vector<16xf32>
        %parallel_loop3A_496 = arith.constant 0 : i32
        %parallel_loop3A_497 = arith.index_cast %parallel_loop3A_496 : i32 to index
        %parallel_loop3A_498 = arith.index_cast %parallel_loop3A_474 : i32 to index
        %parallel_loop3A_499 = arith.constant 48 : index
        %parallel_loop3A_500 = tpu.vector_load %arg6[%parallel_loop3A_497, %parallel_loop3A_498, %parallel_loop3A_499] {strides = array<i32>} : memref<2x640x64xf32, #tpu.memory_space<vmem>>, vector<1x1x16xf32>,
        %parallel_loop3A_501 = vector.shape_cast %parallel_loop3A_500 : vector<1x1x16xf32> to vector<16xf32>
        %parallel_loop3A_502 = arith.addf %parallel_loop3A_470, %parallel_loop3A_501 : vector<16xf32>
        %parallel_loop3A_503 = arith.constant 20 : i32
        %parallel_loop3A_504 = arith.muli %parallel_loop3A_174, %parallel_loop3A_503 : i32
        %parallel_loop3A_505 = arith.constant 10 : i32
        %parallel_loop3A_506 = arith.addi %parallel_loop3A_504, %parallel_loop3A_505 : i32
        %parallel_loop3A_507 = arith.constant 0 : i32
        %parallel_loop3A_508 = arith.index_cast %parallel_loop3A_507 : i32 to index
        %parallel_loop3A_509 = arith.index_cast %parallel_loop3A_506 : i32 to index
        %parallel_loop3A_510 = arith.constant 0 : index
        %parallel_loop3A_511 = tpu.vector_load %arg6[%parallel_loop3A_508, %parallel_loop3A_509, %parallel_loop3A_510] {strides = array<i32>} : memref<2x640x64xf32, #tpu.memory_space<vmem>>, vector<1x1x16xf32>,
        %parallel_loop3A_512 = vector.shape_cast %parallel_loop3A_511 : vector<1x1x16xf32> to vector<16xf32>
        %parallel_loop3A_513 = arith.addf %parallel_loop3A_481, %parallel_loop3A_512 : vector<16xf32>
        %parallel_loop3A_514 = arith.constant 0 : i32
        %parallel_loop3A_515 = arith.index_cast %parallel_loop3A_514 : i32 to index
        %parallel_loop3A_516 = arith.index_cast %parallel_loop3A_506 : i32 to index
        %parallel_loop3A_517 = arith.constant 16 : index
        %parallel_loop3A_518 = tpu.vector_load %arg6[%parallel_loop3A_515, %parallel_loop3A_516, %parallel_loop3A_517] {strides = array<i32>} : memref<2x640x64xf32, #tpu.memory_space<vmem>>, vector<1x1x16xf32>,
        %parallel_loop3A_519 = vector.shape_cast %parallel_loop3A_518 : vector<1x1x16xf32> to vector<16xf32>
        %parallel_loop3A_520 = arith.addf %parallel_loop3A_488, %parallel_loop3A_519 : vector<16xf32>
        %parallel_loop3A_521 = arith.constant 0 : i32
        %parallel_loop3A_522 = arith.index_cast %parallel_loop3A_521 : i32 to index
        %parallel_loop3A_523 = arith.index_cast %parallel_loop3A_506 : i32 to index
        %parallel_loop3A_524 = arith.constant 32 : index
        %parallel_loop3A_525 = tpu.vector_load %arg6[%parallel_loop3A_522, %parallel_loop3A_523, %parallel_loop3A_524] {strides = array<i32>} : memref<2x640x64xf32, #tpu.memory_space<vmem>>, vector<1x1x16xf32>,
        %parallel_loop3A_526 = vector.shape_cast %parallel_loop3A_525 : vector<1x1x16xf32> to vector<16xf32>
        %parallel_loop3A_527 = arith.addf %parallel_loop3A_495, %parallel_loop3A_526 : vector<16xf32>
        %parallel_loop3A_528 = arith.constant 0 : i32
        %parallel_loop3A_529 = arith.index_cast %parallel_loop3A_528 : i32 to index
        %parallel_loop3A_530 = arith.index_cast %parallel_loop3A_506 : i32 to index
        %parallel_loop3A_531 = arith.constant 48 : index
        %parallel_loop3A_532 = tpu.vector_load %arg6[%parallel_loop3A_529, %parallel_loop3A_530, %parallel_loop3A_531] {strides = array<i32>} : memref<2x640x64xf32, #tpu.memory_space<vmem>>, vector<1x1x16xf32>,
        %parallel_loop3A_533 = vector.shape_cast %parallel_loop3A_532 : vector<1x1x16xf32> to vector<16xf32>
        %parallel_loop3A_534 = arith.addf %parallel_loop3A_502, %parallel_loop3A_533 : vector<16xf32>
        %parallel_loop3A_535 = arith.constant 20 : i32
        %parallel_loop3A_536 = arith.muli %parallel_loop3A_174, %parallel_loop3A_535 : i32
        %parallel_loop3A_537 = arith.constant 11 : i32
        %parallel_loop3A_538 = arith.addi %parallel_loop3A_536, %parallel_loop3A_537 : i32
        %parallel_loop3A_539 = arith.constant 0 : i32
        %parallel_loop3A_540 = arith.index_cast %parallel_loop3A_539 : i32 to index
        %parallel_loop3A_541 = arith.index_cast %parallel_loop3A_538 : i32 to index
        %parallel_loop3A_542 = arith.constant 0 : index
        %parallel_loop3A_543 = tpu.vector_load %arg6[%parallel_loop3A_540, %parallel_loop3A_541, %parallel_loop3A_542] {strides = array<i32>} : memref<2x640x64xf32, #tpu.memory_space<vmem>>, vector<1x1x16xf32>,
        %parallel_loop3A_544 = vector.shape_cast %parallel_loop3A_543 : vector<1x1x16xf32> to vector<16xf32>
        %parallel_loop3A_545 = arith.addf %parallel_loop3A_513, %parallel_loop3A_544 : vector<16xf32>
        %parallel_loop3A_546 = arith.constant 0 : i32
        %parallel_loop3A_547 = arith.index_cast %parallel_loop3A_546 : i32 to index
        %parallel_loop3A_548 = arith.index_cast %parallel_loop3A_538 : i32 to index
        %parallel_loop3A_549 = arith.constant 16 : index
        %parallel_loop3A_550 = tpu.vector_load %arg6[%parallel_loop3A_547, %parallel_loop3A_548, %parallel_loop3A_549] {strides = array<i32>} : memref<2x640x64xf32, #tpu.memory_space<vmem>>, vector<1x1x16xf32>,
        %parallel_loop3A_551 = vector.shape_cast %parallel_loop3A_550 : vector<1x1x16xf32> to vector<16xf32>
        %parallel_loop3A_552 = arith.addf %parallel_loop3A_520, %parallel_loop3A_551 : vector<16xf32>
        %parallel_loop3A_553 = arith.constant 0 : i32
        %parallel_loop3A_554 = arith.index_cast %parallel_loop3A_553 : i32 to index
        %parallel_loop3A_555 = arith.index_cast %parallel_loop3A_538 : i32 to index
        %parallel_loop3A_556 = arith.constant 32 : index
        %parallel_loop3A_557 = tpu.vector_load %arg6[%parallel_loop3A_554, %parallel_loop3A_555, %parallel_loop3A_556] {strides = array<i32>} : memref<2x640x64xf32, #tpu.memory_space<vmem>>, vector<1x1x16xf32>,
        %parallel_loop3A_558 = vector.shape_cast %parallel_loop3A_557 : vector<1x1x16xf32> to vector<16xf32>
        %parallel_loop3A_559 = arith.addf %parallel_loop3A_527, %parallel_loop3A_558 : vector<16xf32>
        %parallel_loop3A_560 = arith.constant 0 : i32
        %parallel_loop3A_561 = arith.index_cast %parallel_loop3A_560 : i32 to index
        %parallel_loop3A_562 = arith.index_cast %parallel_loop3A_538 : i32 to index
        %parallel_loop3A_563 = arith.constant 48 : index
        %parallel_loop3A_564 = tpu.vector_load %arg6[%parallel_loop3A_561, %parallel_loop3A_562, %parallel_loop3A_563] {strides = array<i32>} : memref<2x640x64xf32, #tpu.memory_space<vmem>>, vector<1x1x16xf32>,
        %parallel_loop3A_565 = vector.shape_cast %parallel_loop3A_564 : vector<1x1x16xf32> to vector<16xf32>
        %parallel_loop3A_566 = arith.addf %parallel_loop3A_534, %parallel_loop3A_565 : vector<16xf32>
        %parallel_loop3A_567 = arith.constant 20 : i32
        %parallel_loop3A_568 = arith.muli %parallel_loop3A_174, %parallel_loop3A_567 : i32
        %parallel_loop3A_569 = arith.constant 12 : i32
        %parallel_loop3A_570 = arith.addi %parallel_loop3A_568, %parallel_loop3A_569 : i32
        %parallel_loop3A_571 = arith.constant 0 : i32
        %parallel_loop3A_572 = arith.index_cast %parallel_loop3A_571 : i32 to index
        %parallel_loop3A_573 = arith.index_cast %parallel_loop3A_570 : i32 to index
        %parallel_loop3A_574 = arith.constant 0 : index
        %parallel_loop3A_575 = tpu.vector_load %arg6[%parallel_loop3A_572, %parallel_loop3A_573, %parallel_loop3A_574] {strides = array<i32>} : memref<2x640x64xf32, #tpu.memory_space<vmem>>, vector<1x1x16xf32>,
        %parallel_loop3A_576 = vector.shape_cast %parallel_loop3A_575 : vector<1x1x16xf32> to vector<16xf32>
        %parallel_loop3A_577 = arith.addf %parallel_loop3A_545, %parallel_loop3A_576 : vector<16xf32>
        %parallel_loop3A_578 = arith.constant 0 : i32
        %parallel_loop3A_579 = arith.index_cast %parallel_loop3A_578 : i32 to index
        %parallel_loop3A_580 = arith.index_cast %parallel_loop3A_570 : i32 to index
        %parallel_loop3A_581 = arith.constant 16 : index
        %parallel_loop3A_582 = tpu.vector_load %arg6[%parallel_loop3A_579, %parallel_loop3A_580, %parallel_loop3A_581] {strides = array<i32>} : memref<2x640x64xf32, #tpu.memory_space<vmem>>, vector<1x1x16xf32>,
        %parallel_loop3A_583 = vector.shape_cast %parallel_loop3A_582 : vector<1x1x16xf32> to vector<16xf32>
        %parallel_loop3A_584 = arith.addf %parallel_loop3A_552, %parallel_loop3A_583 : vector<16xf32>
        %parallel_loop3A_585 = arith.constant 0 : i32
        %parallel_loop3A_586 = arith.index_cast %parallel_loop3A_585 : i32 to index
        %parallel_loop3A_587 = arith.index_cast %parallel_loop3A_570 : i32 to index
        %parallel_loop3A_588 = arith.constant 32 : index
        %parallel_loop3A_589 = tpu.vector_load %arg6[%parallel_loop3A_586, %parallel_loop3A_587, %parallel_loop3A_588] {strides = array<i32>} : memref<2x640x64xf32, #tpu.memory_space<vmem>>, vector<1x1x16xf32>,
        %parallel_loop3A_590 = vector.shape_cast %parallel_loop3A_589 : vector<1x1x16xf32> to vector<16xf32>
        %parallel_loop3A_591 = arith.addf %parallel_loop3A_559, %parallel_loop3A_590 : vector<16xf32>
        %parallel_loop3A_592 = arith.constant 0 : i32
        %parallel_loop3A_593 = arith.index_cast %parallel_loop3A_592 : i32 to index
        %parallel_loop3A_594 = arith.index_cast %parallel_loop3A_570 : i32 to index
        %parallel_loop3A_595 = arith.constant 48 : index
        %parallel_loop3A_596 = tpu.vector_load %arg6[%parallel_loop3A_593, %parallel_loop3A_594, %parallel_loop3A_595] {strides = array<i32>} : memref<2x640x64xf32, #tpu.memory_space<vmem>>, vector<1x1x16xf32>,
        %parallel_loop3A_597 = vector.shape_cast %parallel_loop3A_596 : vector<1x1x16xf32> to vector<16xf32>
        %parallel_loop3A_598 = arith.addf %parallel_loop3A_566, %parallel_loop3A_597 : vector<16xf32>
        %parallel_loop3A_599 = arith.constant 20 : i32
        %parallel_loop3A_600 = arith.muli %parallel_loop3A_174, %parallel_loop3A_599 : i32
        %parallel_loop3A_601 = arith.constant 13 : i32
        %parallel_loop3A_602 = arith.addi %parallel_loop3A_600, %parallel_loop3A_601 : i32
        %parallel_loop3A_603 = arith.constant 0 : i32
        %parallel_loop3A_604 = arith.index_cast %parallel_loop3A_603 : i32 to index
        %parallel_loop3A_605 = arith.index_cast %parallel_loop3A_602 : i32 to index
        %parallel_loop3A_606 = arith.constant 0 : index
        %parallel_loop3A_607 = tpu.vector_load %arg6[%parallel_loop3A_604, %parallel_loop3A_605, %parallel_loop3A_606] {strides = array<i32>} : memref<2x640x64xf32, #tpu.memory_space<vmem>>, vector<1x1x16xf32>,
        %parallel_loop3A_608 = vector.shape_cast %parallel_loop3A_607 : vector<1x1x16xf32> to vector<16xf32>
        %parallel_loop3A_609 = arith.addf %parallel_loop3A_577, %parallel_loop3A_608 : vector<16xf32>
        %parallel_loop3A_610 = arith.constant 0 : i32
        %parallel_loop3A_611 = arith.index_cast %parallel_loop3A_610 : i32 to index
        %parallel_loop3A_612 = arith.index_cast %parallel_loop3A_602 : i32 to index
        %parallel_loop3A_613 = arith.constant 16 : index
        %parallel_loop3A_614 = tpu.vector_load %arg6[%parallel_loop3A_611, %parallel_loop3A_612, %parallel_loop3A_613] {strides = array<i32>} : memref<2x640x64xf32, #tpu.memory_space<vmem>>, vector<1x1x16xf32>,
        %parallel_loop3A_615 = vector.shape_cast %parallel_loop3A_614 : vector<1x1x16xf32> to vector<16xf32>
        %parallel_loop3A_616 = arith.addf %parallel_loop3A_584, %parallel_loop3A_615 : vector<16xf32>
        %parallel_loop3A_617 = arith.constant 0 : i32
        %parallel_loop3A_618 = arith.index_cast %parallel_loop3A_617 : i32 to index
        %parallel_loop3A_619 = arith.index_cast %parallel_loop3A_602 : i32 to index
        %parallel_loop3A_620 = arith.constant 32 : index
        %parallel_loop3A_621 = tpu.vector_load %arg6[%parallel_loop3A_618, %parallel_loop3A_619, %parallel_loop3A_620] {strides = array<i32>} : memref<2x640x64xf32, #tpu.memory_space<vmem>>, vector<1x1x16xf32>,
        %parallel_loop3A_622 = vector.shape_cast %parallel_loop3A_621 : vector<1x1x16xf32> to vector<16xf32>
        %parallel_loop3A_623 = arith.addf %parallel_loop3A_591, %parallel_loop3A_622 : vector<16xf32>
        %parallel_loop3A_624 = arith.constant 0 : i32
        %parallel_loop3A_625 = arith.index_cast %parallel_loop3A_624 : i32 to index
        %parallel_loop3A_626 = arith.index_cast %parallel_loop3A_602 : i32 to index
        %parallel_loop3A_627 = arith.constant 48 : index
        %parallel_loop3A_628 = tpu.vector_load %arg6[%parallel_loop3A_625, %parallel_loop3A_626, %parallel_loop3A_627] {strides = array<i32>} : memref<2x640x64xf32, #tpu.memory_space<vmem>>, vector<1x1x16xf32>,
        %parallel_loop3A_629 = vector.shape_cast %parallel_loop3A_628 : vector<1x1x16xf32> to vector<16xf32>
        %parallel_loop3A_630 = arith.addf %parallel_loop3A_598, %parallel_loop3A_629 : vector<16xf32>
        %parallel_loop3A_631 = arith.constant 20 : i32
        %parallel_loop3A_632 = arith.muli %parallel_loop3A_174, %parallel_loop3A_631 : i32
        %parallel_loop3A_633 = arith.constant 14 : i32
        %parallel_loop3A_634 = arith.addi %parallel_loop3A_632, %parallel_loop3A_633 : i32
        %parallel_loop3A_635 = arith.constant 0 : i32
        %parallel_loop3A_636 = arith.index_cast %parallel_loop3A_635 : i32 to index
        %parallel_loop3A_637 = arith.index_cast %parallel_loop3A_634 : i32 to index
        %parallel_loop3A_638 = arith.constant 0 : index
        %parallel_loop3A_639 = tpu.vector_load %arg6[%parallel_loop3A_636, %parallel_loop3A_637, %parallel_loop3A_638] {strides = array<i32>} : memref<2x640x64xf32, #tpu.memory_space<vmem>>, vector<1x1x16xf32>,
        %parallel_loop3A_640 = vector.shape_cast %parallel_loop3A_639 : vector<1x1x16xf32> to vector<16xf32>
        %parallel_loop3A_641 = arith.addf %parallel_loop3A_609, %parallel_loop3A_640 : vector<16xf32>
        %parallel_loop3A_642 = arith.constant 0 : i32
        %parallel_loop3A_643 = arith.index_cast %parallel_loop3A_642 : i32 to index
        %parallel_loop3A_644 = arith.index_cast %parallel_loop3A_634 : i32 to index
        %parallel_loop3A_645 = arith.constant 16 : index
        %parallel_loop3A_646 = tpu.vector_load %arg6[%parallel_loop3A_643, %parallel_loop3A_644, %parallel_loop3A_645] {strides = array<i32>} : memref<2x640x64xf32, #tpu.memory_space<vmem>>, vector<1x1x16xf32>,
        %parallel_loop3A_647 = vector.shape_cast %parallel_loop3A_646 : vector<1x1x16xf32> to vector<16xf32>
        %parallel_loop3A_648 = arith.addf %parallel_loop3A_616, %parallel_loop3A_647 : vector<16xf32>
        %parallel_loop3A_649 = arith.constant 0 : i32
        %parallel_loop3A_650 = arith.index_cast %parallel_loop3A_649 : i32 to index
        %parallel_loop3A_651 = arith.index_cast %parallel_loop3A_634 : i32 to index
        %parallel_loop3A_652 = arith.constant 32 : index
        %parallel_loop3A_653 = tpu.vector_load %arg6[%parallel_loop3A_650, %parallel_loop3A_651, %parallel_loop3A_652] {strides = array<i32>} : memref<2x640x64xf32, #tpu.memory_space<vmem>>, vector<1x1x16xf32>,
        %parallel_loop3A_654 = vector.shape_cast %parallel_loop3A_653 : vector<1x1x16xf32> to vector<16xf32>
        %parallel_loop3A_655 = arith.addf %parallel_loop3A_623, %parallel_loop3A_654 : vector<16xf32>
        %parallel_loop3A_656 = arith.constant 0 : i32
        %parallel_loop3A_657 = arith.index_cast %parallel_loop3A_656 : i32 to index
        %parallel_loop3A_658 = arith.index_cast %parallel_loop3A_634 : i32 to index
        %parallel_loop3A_659 = arith.constant 48 : index
        %parallel_loop3A_660 = tpu.vector_load %arg6[%parallel_loop3A_657, %parallel_loop3A_658, %parallel_loop3A_659] {strides = array<i32>} : memref<2x640x64xf32, #tpu.memory_space<vmem>>, vector<1x1x16xf32>,
        %parallel_loop3A_661 = vector.shape_cast %parallel_loop3A_660 : vector<1x1x16xf32> to vector<16xf32>
        %parallel_loop3A_662 = arith.addf %parallel_loop3A_630, %parallel_loop3A_661 : vector<16xf32>
        %parallel_loop3A_663 = arith.constant 20 : i32
        %parallel_loop3A_664 = arith.muli %parallel_loop3A_174, %parallel_loop3A_663 : i32
        %parallel_loop3A_665 = arith.constant 15 : i32
        %parallel_loop3A_666 = arith.addi %parallel_loop3A_664, %parallel_loop3A_665 : i32
        %parallel_loop3A_667 = arith.constant 0 : i32
        %parallel_loop3A_668 = arith.index_cast %parallel_loop3A_667 : i32 to index
        %parallel_loop3A_669 = arith.index_cast %parallel_loop3A_666 : i32 to index
        %parallel_loop3A_670 = arith.constant 0 : index
        %parallel_loop3A_671 = tpu.vector_load %arg6[%parallel_loop3A_668, %parallel_loop3A_669, %parallel_loop3A_670] {strides = array<i32>} : memref<2x640x64xf32, #tpu.memory_space<vmem>>, vector<1x1x16xf32>,
        %parallel_loop3A_672 = vector.shape_cast %parallel_loop3A_671 : vector<1x1x16xf32> to vector<16xf32>
        %parallel_loop3A_673 = arith.addf %parallel_loop3A_641, %parallel_loop3A_672 : vector<16xf32>
        %parallel_loop3A_674 = arith.constant 0 : i32
        %parallel_loop3A_675 = arith.index_cast %parallel_loop3A_674 : i32 to index
        %parallel_loop3A_676 = arith.index_cast %parallel_loop3A_666 : i32 to index
        %parallel_loop3A_677 = arith.constant 16 : index
        %parallel_loop3A_678 = tpu.vector_load %arg6[%parallel_loop3A_675, %parallel_loop3A_676, %parallel_loop3A_677] {strides = array<i32>} : memref<2x640x64xf32, #tpu.memory_space<vmem>>, vector<1x1x16xf32>,
        %parallel_loop3A_679 = vector.shape_cast %parallel_loop3A_678 : vector<1x1x16xf32> to vector<16xf32>
        %parallel_loop3A_680 = arith.addf %parallel_loop3A_648, %parallel_loop3A_679 : vector<16xf32>
        %parallel_loop3A_681 = arith.constant 0 : i32
        %parallel_loop3A_682 = arith.index_cast %parallel_loop3A_681 : i32 to index
        %parallel_loop3A_683 = arith.index_cast %parallel_loop3A_666 : i32 to index
        %parallel_loop3A_684 = arith.constant 32 : index
        %parallel_loop3A_685 = tpu.vector_load %arg6[%parallel_loop3A_682, %parallel_loop3A_683, %parallel_loop3A_684] {strides = array<i32>} : memref<2x640x64xf32, #tpu.memory_space<vmem>>, vector<1x1x16xf32>,
        %parallel_loop3A_686 = vector.shape_cast %parallel_loop3A_685 : vector<1x1x16xf32> to vector<16xf32>
        %parallel_loop3A_687 = arith.addf %parallel_loop3A_655, %parallel_loop3A_686 : vector<16xf32>
        %parallel_loop3A_688 = arith.constant 0 : i32
        %parallel_loop3A_689 = arith.index_cast %parallel_loop3A_688 : i32 to index
        %parallel_loop3A_690 = arith.index_cast %parallel_loop3A_666 : i32 to index
        %parallel_loop3A_691 = arith.constant 48 : index
        %parallel_loop3A_692 = tpu.vector_load %arg6[%parallel_loop3A_689, %parallel_loop3A_690, %parallel_loop3A_691] {strides = array<i32>} : memref<2x640x64xf32, #tpu.memory_space<vmem>>, vector<1x1x16xf32>,
        %parallel_loop3A_693 = vector.shape_cast %parallel_loop3A_692 : vector<1x1x16xf32> to vector<16xf32>
        %parallel_loop3A_694 = arith.addf %parallel_loop3A_662, %parallel_loop3A_693 : vector<16xf32>
        %parallel_loop3A_695 = arith.constant 20 : i32
        %parallel_loop3A_696 = arith.muli %parallel_loop3A_174, %parallel_loop3A_695 : i32
        %parallel_loop3A_697 = arith.constant 16 : i32
        %parallel_loop3A_698 = arith.addi %parallel_loop3A_696, %parallel_loop3A_697 : i32
        %parallel_loop3A_699 = arith.constant 0 : i32
        %parallel_loop3A_700 = arith.index_cast %parallel_loop3A_699 : i32 to index
        %parallel_loop3A_701 = arith.index_cast %parallel_loop3A_698 : i32 to index
        %parallel_loop3A_702 = arith.constant 0 : index
        %parallel_loop3A_703 = tpu.vector_load %arg6[%parallel_loop3A_700, %parallel_loop3A_701, %parallel_loop3A_702] {strides = array<i32>} : memref<2x640x64xf32, #tpu.memory_space<vmem>>, vector<1x1x16xf32>,
        %parallel_loop3A_704 = vector.shape_cast %parallel_loop3A_703 : vector<1x1x16xf32> to vector<16xf32>
        %parallel_loop3A_705 = arith.addf %parallel_loop3A_673, %parallel_loop3A_704 : vector<16xf32>
        %parallel_loop3A_706 = arith.constant 0 : i32
        %parallel_loop3A_707 = arith.index_cast %parallel_loop3A_706 : i32 to index
        %parallel_loop3A_708 = arith.index_cast %parallel_loop3A_698 : i32 to index
        %parallel_loop3A_709 = arith.constant 16 : index
        %parallel_loop3A_710 = tpu.vector_load %arg6[%parallel_loop3A_707, %parallel_loop3A_708, %parallel_loop3A_709] {strides = array<i32>} : memref<2x640x64xf32, #tpu.memory_space<vmem>>, vector<1x1x16xf32>,
        %parallel_loop3A_711 = vector.shape_cast %parallel_loop3A_710 : vector<1x1x16xf32> to vector<16xf32>
        %parallel_loop3A_712 = arith.addf %parallel_loop3A_680, %parallel_loop3A_711 : vector<16xf32>
        %parallel_loop3A_713 = arith.constant 0 : i32
        %parallel_loop3A_714 = arith.index_cast %parallel_loop3A_713 : i32 to index
        %parallel_loop3A_715 = arith.index_cast %parallel_loop3A_698 : i32 to index
        %parallel_loop3A_716 = arith.constant 32 : index
        %parallel_loop3A_717 = tpu.vector_load %arg6[%parallel_loop3A_714, %parallel_loop3A_715, %parallel_loop3A_716] {strides = array<i32>} : memref<2x640x64xf32, #tpu.memory_space<vmem>>, vector<1x1x16xf32>,
        %parallel_loop3A_718 = vector.shape_cast %parallel_loop3A_717 : vector<1x1x16xf32> to vector<16xf32>
        %parallel_loop3A_719 = arith.addf %parallel_loop3A_687, %parallel_loop3A_718 : vector<16xf32>
        %parallel_loop3A_720 = arith.constant 0 : i32
        %parallel_loop3A_721 = arith.index_cast %parallel_loop3A_720 : i32 to index
        %parallel_loop3A_722 = arith.index_cast %parallel_loop3A_698 : i32 to index
        %parallel_loop3A_723 = arith.constant 48 : index
        %parallel_loop3A_724 = tpu.vector_load %arg6[%parallel_loop3A_721, %parallel_loop3A_722, %parallel_loop3A_723] {strides = array<i32>} : memref<2x640x64xf32, #tpu.memory_space<vmem>>, vector<1x1x16xf32>,
        %parallel_loop3A_725 = vector.shape_cast %parallel_loop3A_724 : vector<1x1x16xf32> to vector<16xf32>
        %parallel_loop3A_726 = arith.addf %parallel_loop3A_694, %parallel_loop3A_725 : vector<16xf32>
        %parallel_loop3A_727 = arith.constant 20 : i32
        %parallel_loop3A_728 = arith.muli %parallel_loop3A_174, %parallel_loop3A_727 : i32
        %parallel_loop3A_729 = arith.constant 17 : i32
        %parallel_loop3A_730 = arith.addi %parallel_loop3A_728, %parallel_loop3A_729 : i32
        %parallel_loop3A_731 = arith.constant 0 : i32
        %parallel_loop3A_732 = arith.index_cast %parallel_loop3A_731 : i32 to index
        %parallel_loop3A_733 = arith.index_cast %parallel_loop3A_730 : i32 to index
        %parallel_loop3A_734 = arith.constant 0 : index
        %parallel_loop3A_735 = tpu.vector_load %arg6[%parallel_loop3A_732, %parallel_loop3A_733, %parallel_loop3A_734] {strides = array<i32>} : memref<2x640x64xf32, #tpu.memory_space<vmem>>, vector<1x1x16xf32>,
        %parallel_loop3A_736 = vector.shape_cast %parallel_loop3A_735 : vector<1x1x16xf32> to vector<16xf32>
        %parallel_loop3A_737 = arith.addf %parallel_loop3A_705, %parallel_loop3A_736 : vector<16xf32>
        %parallel_loop3A_738 = arith.constant 0 : i32
        %parallel_loop3A_739 = arith.index_cast %parallel_loop3A_738 : i32 to index
        %parallel_loop3A_740 = arith.index_cast %parallel_loop3A_730 : i32 to index
        %parallel_loop3A_741 = arith.constant 16 : index
        %parallel_loop3A_742 = tpu.vector_load %arg6[%parallel_loop3A_739, %parallel_loop3A_740, %parallel_loop3A_741] {strides = array<i32>} : memref<2x640x64xf32, #tpu.memory_space<vmem>>, vector<1x1x16xf32>,
        %parallel_loop3A_743 = vector.shape_cast %parallel_loop3A_742 : vector<1x1x16xf32> to vector<16xf32>
        %parallel_loop3A_744 = arith.addf %parallel_loop3A_712, %parallel_loop3A_743 : vector<16xf32>
        %parallel_loop3A_745 = arith.constant 0 : i32
        %parallel_loop3A_746 = arith.index_cast %parallel_loop3A_745 : i32 to index
        %parallel_loop3A_747 = arith.index_cast %parallel_loop3A_730 : i32 to index
        %parallel_loop3A_748 = arith.constant 32 : index
        %parallel_loop3A_749 = tpu.vector_load %arg6[%parallel_loop3A_746, %parallel_loop3A_747, %parallel_loop3A_748] {strides = array<i32>} : memref<2x640x64xf32, #tpu.memory_space<vmem>>, vector<1x1x16xf32>,
        %parallel_loop3A_750 = vector.shape_cast %parallel_loop3A_749 : vector<1x1x16xf32> to vector<16xf32>
        %parallel_loop3A_751 = arith.addf %parallel_loop3A_719, %parallel_loop3A_750 : vector<16xf32>
        %parallel_loop3A_752 = arith.constant 0 : i32
        %parallel_loop3A_753 = arith.index_cast %parallel_loop3A_752 : i32 to index
        %parallel_loop3A_754 = arith.index_cast %parallel_loop3A_730 : i32 to index
        %parallel_loop3A_755 = arith.constant 48 : index
        %parallel_loop3A_756 = tpu.vector_load %arg6[%parallel_loop3A_753, %parallel_loop3A_754, %parallel_loop3A_755] {strides = array<i32>} : memref<2x640x64xf32, #tpu.memory_space<vmem>>, vector<1x1x16xf32>,
        %parallel_loop3A_757 = vector.shape_cast %parallel_loop3A_756 : vector<1x1x16xf32> to vector<16xf32>
        %parallel_loop3A_758 = arith.addf %parallel_loop3A_726, %parallel_loop3A_757 : vector<16xf32>
        %parallel_loop3A_759 = arith.constant 20 : i32
        %parallel_loop3A_760 = arith.muli %parallel_loop3A_174, %parallel_loop3A_759 : i32
        %parallel_loop3A_761 = arith.constant 18 : i32
        %parallel_loop3A_762 = arith.addi %parallel_loop3A_760, %parallel_loop3A_761 : i32
        %parallel_loop3A_763 = arith.constant 0 : i32
        %parallel_loop3A_764 = arith.index_cast %parallel_loop3A_763 : i32 to index
        %parallel_loop3A_765 = arith.index_cast %parallel_loop3A_762 : i32 to index
        %parallel_loop3A_766 = arith.constant 0 : index
        %parallel_loop3A_767 = tpu.vector_load %arg6[%parallel_loop3A_764, %parallel_loop3A_765, %parallel_loop3A_766] {strides = array<i32>} : memref<2x640x64xf32, #tpu.memory_space<vmem>>, vector<1x1x16xf32>,
        %parallel_loop3A_768 = vector.shape_cast %parallel_loop3A_767 : vector<1x1x16xf32> to vector<16xf32>
        %parallel_loop3A_769 = arith.addf %parallel_loop3A_737, %parallel_loop3A_768 : vector<16xf32>
        %parallel_loop3A_770 = arith.constant 0 : i32
        %parallel_loop3A_771 = arith.index_cast %parallel_loop3A_770 : i32 to index
        %parallel_loop3A_772 = arith.index_cast %parallel_loop3A_762 : i32 to index
        %parallel_loop3A_773 = arith.constant 16 : index
        %parallel_loop3A_774 = tpu.vector_load %arg6[%parallel_loop3A_771, %parallel_loop3A_772, %parallel_loop3A_773] {strides = array<i32>} : memref<2x640x64xf32, #tpu.memory_space<vmem>>, vector<1x1x16xf32>,
        %parallel_loop3A_775 = vector.shape_cast %parallel_loop3A_774 : vector<1x1x16xf32> to vector<16xf32>
        %parallel_loop3A_776 = arith.addf %parallel_loop3A_744, %parallel_loop3A_775 : vector<16xf32>
        %parallel_loop3A_777 = arith.constant 0 : i32
        %parallel_loop3A_778 = arith.index_cast %parallel_loop3A_777 : i32 to index
        %parallel_loop3A_779 = arith.index_cast %parallel_loop3A_762 : i32 to index
        %parallel_loop3A_780 = arith.constant 32 : index
        %parallel_loop3A_781 = tpu.vector_load %arg6[%parallel_loop3A_778, %parallel_loop3A_779, %parallel_loop3A_780] {strides = array<i32>} : memref<2x640x64xf32, #tpu.memory_space<vmem>>, vector<1x1x16xf32>,
        %parallel_loop3A_782 = vector.shape_cast %parallel_loop3A_781 : vector<1x1x16xf32> to vector<16xf32>
        %parallel_loop3A_783 = arith.addf %parallel_loop3A_751, %parallel_loop3A_782 : vector<16xf32>
        %parallel_loop3A_784 = arith.constant 0 : i32
        %parallel_loop3A_785 = arith.index_cast %parallel_loop3A_784 : i32 to index
        %parallel_loop3A_786 = arith.index_cast %parallel_loop3A_762 : i32 to index
        %parallel_loop3A_787 = arith.constant 48 : index
        %parallel_loop3A_788 = tpu.vector_load %arg6[%parallel_loop3A_785, %parallel_loop3A_786, %parallel_loop3A_787] {strides = array<i32>} : memref<2x640x64xf32, #tpu.memory_space<vmem>>, vector<1x1x16xf32>,
        %parallel_loop3A_789 = vector.shape_cast %parallel_loop3A_788 : vector<1x1x16xf32> to vector<16xf32>
        %parallel_loop3A_790 = arith.addf %parallel_loop3A_758, %parallel_loop3A_789 : vector<16xf32>
        %parallel_loop3A_791 = arith.constant 20 : i32
        %parallel_loop3A_792 = arith.muli %parallel_loop3A_174, %parallel_loop3A_791 : i32
        %parallel_loop3A_793 = arith.constant 19 : i32
        %parallel_loop3A_794 = arith.addi %parallel_loop3A_792, %parallel_loop3A_793 : i32
        %parallel_loop3A_795 = arith.constant 0 : i32
        %parallel_loop3A_796 = arith.index_cast %parallel_loop3A_795 : i32 to index
        %parallel_loop3A_797 = arith.index_cast %parallel_loop3A_794 : i32 to index
        %parallel_loop3A_798 = arith.constant 0 : index
        %parallel_loop3A_799 = tpu.vector_load %arg6[%parallel_loop3A_796, %parallel_loop3A_797, %parallel_loop3A_798] {strides = array<i32>} : memref<2x640x64xf32, #tpu.memory_space<vmem>>, vector<1x1x16xf32>,
        %parallel_loop3A_800 = vector.shape_cast %parallel_loop3A_799 : vector<1x1x16xf32> to vector<16xf32>
        %parallel_loop3A_801 = arith.addf %parallel_loop3A_769, %parallel_loop3A_800 : vector<16xf32>
        %parallel_loop3A_802 = arith.constant 0 : i32
        %parallel_loop3A_803 = arith.index_cast %parallel_loop3A_802 : i32 to index
        %parallel_loop3A_804 = arith.index_cast %parallel_loop3A_794 : i32 to index
        %parallel_loop3A_805 = arith.constant 16 : index
        %parallel_loop3A_806 = tpu.vector_load %arg6[%parallel_loop3A_803, %parallel_loop3A_804, %parallel_loop3A_805] {strides = array<i32>} : memref<2x640x64xf32, #tpu.memory_space<vmem>>, vector<1x1x16xf32>,
        %parallel_loop3A_807 = vector.shape_cast %parallel_loop3A_806 : vector<1x1x16xf32> to vector<16xf32>
        %parallel_loop3A_808 = arith.addf %parallel_loop3A_776, %parallel_loop3A_807 : vector<16xf32>
        %parallel_loop3A_809 = arith.constant 0 : i32
        %parallel_loop3A_810 = arith.index_cast %parallel_loop3A_809 : i32 to index
        %parallel_loop3A_811 = arith.index_cast %parallel_loop3A_794 : i32 to index
        %parallel_loop3A_812 = arith.constant 32 : index
        %parallel_loop3A_813 = tpu.vector_load %arg6[%parallel_loop3A_810, %parallel_loop3A_811, %parallel_loop3A_812] {strides = array<i32>} : memref<2x640x64xf32, #tpu.memory_space<vmem>>, vector<1x1x16xf32>,
        %parallel_loop3A_814 = vector.shape_cast %parallel_loop3A_813 : vector<1x1x16xf32> to vector<16xf32>
        %parallel_loop3A_815 = arith.addf %parallel_loop3A_783, %parallel_loop3A_814 : vector<16xf32>
        %parallel_loop3A_816 = arith.constant 0 : i32
        %parallel_loop3A_817 = arith.index_cast %parallel_loop3A_816 : i32 to index
        %parallel_loop3A_818 = arith.index_cast %parallel_loop3A_794 : i32 to index
        %parallel_loop3A_819 = arith.constant 48 : index
        %parallel_loop3A_820 = tpu.vector_load %arg6[%parallel_loop3A_817, %parallel_loop3A_818, %parallel_loop3A_819] {strides = array<i32>} : memref<2x640x64xf32, #tpu.memory_space<vmem>>, vector<1x1x16xf32>,
        %parallel_loop3A_821 = vector.shape_cast %parallel_loop3A_820 : vector<1x1x16xf32> to vector<16xf32>
        %parallel_loop3A_822 = arith.addf %parallel_loop3A_790, %parallel_loop3A_821 : vector<16xf32>
        %parallel_loop3A_823 = arith.constant 5.000000e-02 : f32
        %parallel_loop3A_824 = vector.broadcast %parallel_loop3A_823 : f32 to vector<16xf32>
        %parallel_loop3A_825 = arith.mulf %parallel_loop3A_801, %parallel_loop3A_824 : vector<16xf32>
        %parallel_loop3A_826 = arith.constant 0 : i32
        %parallel_loop3A_827 = arith.index_cast %parallel_loop3A_826 : i32 to index
        %parallel_loop3A_828 = arith.index_cast %parallel_loop3A_174 : i32 to index
        %parallel_loop3A_829 = arith.constant 0 : index
        %parallel_loop3A_830 = tpu.vector_load %arg7[%parallel_loop3A_827, %parallel_loop3A_828, %parallel_loop3A_829] {strides = array<i32>} : memref<2x32x64xf32, #tpu.memory_space<vmem>>, vector<1x1x16xf32>,
        %parallel_loop3A_831 = vector.shape_cast %parallel_loop3A_830 : vector<1x1x16xf32> to vector<16xf32>
        %parallel_loop3A_832 = vector.shape_cast %parallel_loop3A_825 : vector<16xf32> to vector<1x1x16xf32>
        tpu.vector_store %arg7[%parallel_loop3A_827, %parallel_loop3A_828, %parallel_loop3A_829], %parallel_loop3A_832 {strides = array<i32>} : memref<2x32x64xf32, #tpu.memory_space<vmem>>, vector<1x1x16xf32>,
        %parallel_loop3A_833 = arith.constant 5.000000e-02 : f32
        %parallel_loop3A_834 = vector.broadcast %parallel_loop3A_833 : f32 to vector<16xf32>
        %parallel_loop3A_835 = arith.mulf %parallel_loop3A_808, %parallel_loop3A_834 : vector<16xf32>
        %parallel_loop3A_836 = arith.constant 0 : i32
        %parallel_loop3A_837 = arith.index_cast %parallel_loop3A_836 : i32 to index
        %parallel_loop3A_838 = arith.index_cast %parallel_loop3A_174 : i32 to index
        %parallel_loop3A_839 = arith.constant 16 : index
        %parallel_loop3A_840 = tpu.vector_load %arg7[%parallel_loop3A_837, %parallel_loop3A_838, %parallel_loop3A_839] {strides = array<i32>} : memref<2x32x64xf32, #tpu.memory_space<vmem>>, vector<1x1x16xf32>,
        %parallel_loop3A_841 = vector.shape_cast %parallel_loop3A_840 : vector<1x1x16xf32> to vector<16xf32>
        %parallel_loop3A_842 = vector.shape_cast %parallel_loop3A_835 : vector<16xf32> to vector<1x1x16xf32>
        tpu.vector_store %arg7[%parallel_loop3A_837, %parallel_loop3A_838, %parallel_loop3A_839], %parallel_loop3A_842 {strides = array<i32>} : memref<2x32x64xf32, #tpu.memory_space<vmem>>, vector<1x1x16xf32>,
        %parallel_loop3A_843 = arith.constant 5.000000e-02 : f32
        %parallel_loop3A_844 = vector.broadcast %parallel_loop3A_843 : f32 to vector<16xf32>
        %parallel_loop3A_845 = arith.mulf %parallel_loop3A_815, %parallel_loop3A_844 : vector<16xf32>
        %parallel_loop3A_846 = arith.constant 0 : i32
        %parallel_loop3A_847 = arith.index_cast %parallel_loop3A_846 : i32 to index
        %parallel_loop3A_848 = arith.index_cast %parallel_loop3A_174 : i32 to index
        %parallel_loop3A_849 = arith.constant 32 : index
        %parallel_loop3A_850 = tpu.vector_load %arg7[%parallel_loop3A_847, %parallel_loop3A_848, %parallel_loop3A_849] {strides = array<i32>} : memref<2x32x64xf32, #tpu.memory_space<vmem>>, vector<1x1x16xf32>,
        %parallel_loop3A_851 = vector.shape_cast %parallel_loop3A_850 : vector<1x1x16xf32> to vector<16xf32>
        %parallel_loop3A_852 = vector.shape_cast %parallel_loop3A_845 : vector<16xf32> to vector<1x1x16xf32>
        tpu.vector_store %arg7[%parallel_loop3A_847, %parallel_loop3A_848, %parallel_loop3A_849], %parallel_loop3A_852 {strides = array<i32>} : memref<2x32x64xf32, #tpu.memory_space<vmem>>, vector<1x1x16xf32>,
        %parallel_loop3A_853 = arith.constant 5.000000e-02 : f32
        %parallel_loop3A_854 = vector.broadcast %parallel_loop3A_853 : f32 to vector<16xf32>
        %parallel_loop3A_855 = arith.mulf %parallel_loop3A_822, %parallel_loop3A_854 : vector<16xf32>
        %parallel_loop3A_856 = arith.constant 0 : i32
        %parallel_loop3A_857 = arith.index_cast %parallel_loop3A_856 : i32 to index
        %parallel_loop3A_858 = arith.index_cast %parallel_loop3A_174 : i32 to index
        %parallel_loop3A_859 = arith.constant 48 : index
        %parallel_loop3A_860 = tpu.vector_load %arg7[%parallel_loop3A_857, %parallel_loop3A_858, %parallel_loop3A_859] {strides = array<i32>} : memref<2x32x64xf32, #tpu.memory_space<vmem>>, vector<1x1x16xf32>,
        %parallel_loop3A_861 = vector.shape_cast %parallel_loop3A_860 : vector<1x1x16xf32> to vector<16xf32>
        %parallel_loop3A_862 = vector.shape_cast %parallel_loop3A_855 : vector<16xf32> to vector<1x1x16xf32>
        tpu.vector_store %arg7[%parallel_loop3A_857, %parallel_loop3A_858, %parallel_loop3A_859], %parallel_loop3A_862 {strides = array<i32>} : memref<2x32x64xf32, #tpu.memory_space<vmem>>, vector<1x1x16xf32>,
      } {sc.loop_unroll_factor = 2 : i64, sc.parallel_access}
      %mul3A_145 = arith.constant 32 : i32
      %mul3A_146 = arith.muli %mul3A_61, %mul3A_145 : i32
      %add3A_147 = arith.addi %mul3A_2, %mul3A_146 : i32
      %run_scoped3A = arith.constant 0 : i32
      "tpu.region"() ({
        %run_scoped3A_174 = tpu.sem_alloc : memref<!tpu.dma_semaphore, #tpu.memory_space<semaphore_mem>>
        %dma_start3A_175 = arith.constant 0 : i32
        %dma_start3A_176 = arith.constant 0 : i32
        %dma_start3A_177 = tpu.memref_slice %arg7[%run_scoped3A, %dma_start3A_175, %dma_start3A_176] : memref<2x32x64xf32, #tpu.memory_space<vmem>> -> memref<1x32x64xf32, #tpu.memory_space<vmem>>
        %dma_start3A_178 = tpu.memref_squeeze %dma_start3A_177 : memref<1x32x64xf32, #tpu.memory_space<vmem>> -> memref<32x64xf32, #tpu.memory_space<vmem>>
        %dma_start3A_179 = arith.constant 0 : i32
        %dma_start3A_180 = tpu.memref_slice %arg4[%add3A_147, %dma_start3A_179] : memref<16384x64xf32, #tpu.memory_space<hbm>> -> memref<32x64xf32, #tpu.memory_space<hbm>>
        %dma_start3A_181 = arith.constant 0 : i32
        %dma_start3A_182 = tpu.memref_slice %arg4[%add3A_147, %dma_start3A_181] : memref<16384x64xf32, #tpu.memory_space<hbm>> -> memref<32x64xf32, #tpu.memory_space<hbm>>
        %dma_start3A_183 = arith.constant 0 : i32
        %dma_start3A_184 = arith.constant 0 : i32
        %dma_start3A_185 = tpu.memref_slice %arg7[%run_scoped3A, %dma_start3A_183, %dma_start3A_184] : memref<2x32x64xf32, #tpu.memory_space<vmem>> -> memref<1x32x64xf32, #tpu.memory_space<vmem>>
        %dma_start3A_186 = tpu.memref_squeeze %dma_start3A_185 : memref<1x32x64xf32, #tpu.memory_space<vmem>> -> memref<32x64xf32, #tpu.memory_space<vmem>>
        tpu.enqueue_dma source(%dma_start3A_186 : memref<32x64xf32, #tpu.memory_space<vmem>>) target(%dma_start3A_182 : memref<32x64xf32, #tpu.memory_space<hbm>>) target_semaphore(%run_scoped3A_174 : memref<!tpu.dma_semaphore, #tpu.memory_space<semaphore_mem>>)
        %dma_wait3A_187 = arith.constant 0 : i32
        %dma_wait3A_188 = arith.constant 0 : i32
        %dma_wait3A_189 = tpu.memref_slice %arg7[%run_scoped3A, %dma_wait3A_187, %dma_wait3A_188] : memref<2x32x64xf32, #tpu.memory_space<vmem>> -> memref<1x32x64xf32, #tpu.memory_space<vmem>>
        %dma_wait3A_190 = tpu.memref_squeeze %dma_wait3A_189 : memref<1x32x64xf32, #tpu.memory_space<vmem>> -> memref<32x64xf32, #tpu.memory_space<vmem>>
        %dma_wait3A_191 = arith.constant 0 : i32
        %dma_wait3A_192 = tpu.memref_slice %arg4[%add3A_147, %dma_wait3A_191] : memref<16384x64xf32, #tpu.memory_space<hbm>> -> memref<32x64xf32, #tpu.memory_space<hbm>>
        %dma_wait3A_193 = arith.constant 0 : i32
        %dma_wait3A_194 = tpu.memref_slice %arg4[%add3A_147, %dma_wait3A_193] : memref<16384x64xf32, #tpu.memory_space<hbm>> -> memref<32x64xf32, #tpu.memory_space<hbm>>
        %dma_wait3A_195 = arith.constant 0 : i32
        %dma_wait3A_196 = arith.constant 0 : i32
        %dma_wait3A_197 = tpu.memref_slice %arg7[%run_scoped3A, %dma_wait3A_195, %dma_wait3A_196] : memref<2x32x64xf32, #tpu.memory_space<vmem>> -> memref<1x32x64xf32, #tpu.memory_space<vmem>>
        %dma_wait3A_198 = tpu.memref_squeeze %dma_wait3A_197 : memref<1x32x64xf32, #tpu.memory_space<vmem>> -> memref<32x64xf32, #tpu.memory_space<vmem>>
        tpu.wait_dma2 semaphore(%run_scoped3A_174 : memref<!tpu.dma_semaphore, #tpu.memory_space<semaphore_mem>>) src(%dma_wait3A_198 : memref<32x64xf32, #tpu.memory_space<vmem>>) dst(%dma_wait3A_194 : memref<32x64xf32, #tpu.memory_space<hbm>>)
        tpu.yield
      }) : () -> ()
      %lt3A = arith.constant 7 : i32
      %lt3A_148 = arith.cmpi slt, %scan3A_59, %lt3A : i32
      %convert_element_type3A = arith.extui %lt3A_148 : i1 to i32
      %cond3A = arith.constant 0 : i32
      %cond3A_149 = arith.cmpi ne, %convert_element_type3A, %cond3A : i32
      scf.if %cond3A_149 {
        %add3A_174 = arith.constant 2 : i32
        %add3A_175 = arith.addi %mul3A_61, %add3A_174 : i32
        %mul3A_176 = arith.constant 640 : i32
        %mul3A_177 = arith.muli %add3A_175, %mul3A_176 : i32
        %add3A_178 = arith.constant 0 : i32
        %add3A_179 = arith.addi %mul3A_177, %add3A_178 : i32
        %dma_start3A_180 = arith.constant 0 : i32
        %dma_start3A_181 = arith.constant 0 : i32
        %dma_start3A_182 = arith.constant 0 : i32
        %dma_start3A_183 = tpu.memref_slice %arg6[%dma_start3A_180, %dma_start3A_181, %dma_start3A_182] : memref<2x640x64xf32, #tpu.memory_space<vmem>> -> memref<1x128x64xf32, #tpu.memory_space<vmem>>
        %dma_start3A_184 = tpu.memref_squeeze %dma_start3A_183 : memref<1x128x64xf32, #tpu.memory_space<vmem>> -> memref<128x64xf32, #tpu.memory_space<vmem>>
        %dma_start3A_185 = tpu.memref_slice %arg5[%add3A_179] : memref<10240xi32, #tpu.memory_space<vmem>> -> memref<128xi32, #tpu.memory_space<vmem>>
        %dma_start3A_186 = arith.constant 0 : i32
        %dma_start3A_187 = arith.constant 0 : i32
        %dma_start3A_188 = tpu.memref_slice %arg3[%dma_start3A_186, %dma_start3A_187] : memref<1000192x64xf32, #tpu.memory_space<hbm>> -> memref<1000192x64xf32, #tpu.memory_space<hbm>>
        tpu.enqueue_indirect_dma source(%dma_start3A_188 : memref<1000192x64xf32, #tpu.memory_space<hbm>>) target(%dma_start3A_184 : memref<128x64xf32, #tpu.memory_space<vmem>>) offsets(%dma_start3A_185 : memref<128xi32, #tpu.memory_space<vmem>>) semaphore(%arg8 : memref<!tpu.dma_semaphore, #tpu.memory_space<semaphore_mem>>)
        %mul3A_189 = arith.constant 640 : i32
        %mul3A_190 = arith.muli %add3A_175, %mul3A_189 : i32
        %add3A_191 = arith.constant 128 : i32
        %add3A_192 = arith.addi %mul3A_190, %add3A_191 : i32
        %dma_start3A_193 = arith.constant 0 : i32
        %dma_start3A_194 = arith.constant 128 : i32
        %dma_start3A_195 = arith.constant 0 : i32
        %dma_start3A_196 = tpu.memref_slice %arg6[%dma_start3A_193, %dma_start3A_194, %dma_start3A_195] : memref<2x640x64xf32, #tpu.memory_space<vmem>> -> memref<1x128x64xf32, #tpu.memory_space<vmem>>
        %dma_start3A_197 = tpu.memref_squeeze %dma_start3A_196 : memref<1x128x64xf32, #tpu.memory_space<vmem>> -> memref<128x64xf32, #tpu.memory_space<vmem>>
        %dma_start3A_198 = tpu.memref_slice %arg5[%add3A_192] : memref<10240xi32, #tpu.memory_space<vmem>> -> memref<128xi32, #tpu.memory_space<vmem>>
        %dma_start3A_199 = arith.constant 0 : i32
        %dma_start3A_200 = arith.constant 0 : i32
        %dma_start3A_201 = tpu.memref_slice %arg3[%dma_start3A_199, %dma_start3A_200] : memref<1000192x64xf32, #tpu.memory_space<hbm>> -> memref<1000192x64xf32, #tpu.memory_space<hbm>>
        tpu.enqueue_indirect_dma source(%dma_start3A_201 : memref<1000192x64xf32, #tpu.memory_space<hbm>>) target(%dma_start3A_197 : memref<128x64xf32, #tpu.memory_space<vmem>>) offsets(%dma_start3A_198 : memref<128xi32, #tpu.memory_space<vmem>>) semaphore(%arg8 : memref<!tpu.dma_semaphore, #tpu.memory_space<semaphore_mem>>)
        %mul3A_202 = arith.constant 640 : i32
        %mul3A_203 = arith.muli %add3A_175, %mul3A_202 : i32
        %add3A_204 = arith.constant 256 : i32
        %add3A_205 = arith.addi %mul3A_203, %add3A_204 : i32
        %dma_start3A_206 = arith.constant 0 : i32
        %dma_start3A_207 = arith.constant 256 : i32
        %dma_start3A_208 = arith.constant 0 : i32
        %dma_start3A_209 = tpu.memref_slice %arg6[%dma_start3A_206, %dma_start3A_207, %dma_start3A_208] : memref<2x640x64xf32, #tpu.memory_space<vmem>> -> memref<1x128x64xf32, #tpu.memory_space<vmem>>
        %dma_start3A_210 = tpu.memref_squeeze %dma_start3A_209 : memref<1x128x64xf32, #tpu.memory_space<vmem>> -> memref<128x64xf32, #tpu.memory_space<vmem>>
        %dma_start3A_211 = tpu.memref_slice %arg5[%add3A_205] : memref<10240xi32, #tpu.memory_space<vmem>> -> memref<128xi32, #tpu.memory_space<vmem>>
        %dma_start3A_212 = arith.constant 0 : i32
        %dma_start3A_213 = arith.constant 0 : i32
        %dma_start3A_214 = tpu.memref_slice %arg3[%dma_start3A_212, %dma_start3A_213] : memref<1000192x64xf32, #tpu.memory_space<hbm>> -> memref<1000192x64xf32, #tpu.memory_space<hbm>>
        tpu.enqueue_indirect_dma source(%dma_start3A_214 : memref<1000192x64xf32, #tpu.memory_space<hbm>>) target(%dma_start3A_210 : memref<128x64xf32, #tpu.memory_space<vmem>>) offsets(%dma_start3A_211 : memref<128xi32, #tpu.memory_space<vmem>>) semaphore(%arg8 : memref<!tpu.dma_semaphore, #tpu.memory_space<semaphore_mem>>)
        %mul3A_215 = arith.constant 640 : i32
        %mul3A_216 = arith.muli %add3A_175, %mul3A_215 : i32
        %add3A_217 = arith.constant 384 : i32
        %add3A_218 = arith.addi %mul3A_216, %add3A_217 : i32
        %dma_start3A_219 = arith.constant 0 : i32
        %dma_start3A_220 = arith.constant 384 : i32
        %dma_start3A_221 = arith.constant 0 : i32
        %dma_start3A_222 = tpu.memref_slice %arg6[%dma_start3A_219, %dma_start3A_220, %dma_start3A_221] : memref<2x640x64xf32, #tpu.memory_space<vmem>> -> memref<1x128x64xf32, #tpu.memory_space<vmem>>
        %dma_start3A_223 = tpu.memref_squeeze %dma_start3A_222 : memref<1x128x64xf32, #tpu.memory_space<vmem>> -> memref<128x64xf32, #tpu.memory_space<vmem>>
        %dma_start3A_224 = tpu.memref_slice %arg5[%add3A_218] : memref<10240xi32, #tpu.memory_space<vmem>> -> memref<128xi32, #tpu.memory_space<vmem>>
        %dma_start3A_225 = arith.constant 0 : i32
        %dma_start3A_226 = arith.constant 0 : i32
        %dma_start3A_227 = tpu.memref_slice %arg3[%dma_start3A_225, %dma_start3A_226] : memref<1000192x64xf32, #tpu.memory_space<hbm>> -> memref<1000192x64xf32, #tpu.memory_space<hbm>>
        tpu.enqueue_indirect_dma source(%dma_start3A_227 : memref<1000192x64xf32, #tpu.memory_space<hbm>>) target(%dma_start3A_223 : memref<128x64xf32, #tpu.memory_space<vmem>>) offsets(%dma_start3A_224 : memref<128xi32, #tpu.memory_space<vmem>>) semaphore(%arg8 : memref<!tpu.dma_semaphore, #tpu.memory_space<semaphore_mem>>)
        %mul3A_228 = arith.constant 640 : i32
        %mul3A_229 = arith.muli %add3A_175, %mul3A_228 : i32
        %add3A_230 = arith.constant 512 : i32
        %add3A_231 = arith.addi %mul3A_229, %add3A_230 : i32
        %dma_start3A_232 = arith.constant 0 : i32
        %dma_start3A_233 = arith.constant 512 : i32
        %dma_start3A_234 = arith.constant 0 : i32
        %dma_start3A_235 = tpu.memref_slice %arg6[%dma_start3A_232, %dma_start3A_233, %dma_start3A_234] : memref<2x640x64xf32, #tpu.memory_space<vmem>> -> memref<1x128x64xf32, #tpu.memory_space<vmem>>
        %dma_start3A_236 = tpu.memref_squeeze %dma_start3A_235 : memref<1x128x64xf32, #tpu.memory_space<vmem>> -> memref<128x64xf32, #tpu.memory_space<vmem>>
        %dma_start3A_237 = tpu.memref_slice %arg5[%add3A_231] : memref<10240xi32, #tpu.memory_space<vmem>> -> memref<128xi32, #tpu.memory_space<vmem>>
        %dma_start3A_238 = arith.constant 0 : i32
        %dma_start3A_239 = arith.constant 0 : i32
        %dma_start3A_240 = tpu.memref_slice %arg3[%dma_start3A_238, %dma_start3A_239] : memref<1000192x64xf32, #tpu.memory_space<hbm>> -> memref<1000192x64xf32, #tpu.memory_space<hbm>>
        tpu.enqueue_indirect_dma source(%dma_start3A_240 : memref<1000192x64xf32, #tpu.memory_space<hbm>>) target(%dma_start3A_236 : memref<128x64xf32, #tpu.memory_space<vmem>>) offsets(%dma_start3A_237 : memref<128xi32, #tpu.memory_space<vmem>>) semaphore(%arg8 : memref<!tpu.dma_semaphore, #tpu.memory_space<semaphore_mem>>)
      } else {
      }
      %dma_wait3A_150 = arith.constant 1 : i32
      %dma_wait3A_151 = arith.constant 0 : i32
      %dma_wait3A_152 = arith.constant 0 : i32
      %dma_wait3A_153 = tpu.memref_slice %arg6[%dma_wait3A_150, %dma_wait3A_151, %dma_wait3A_152] : memref<2x640x64xf32, #tpu.memory_space<vmem>> -> memref<1x640x64xf32, #tpu.memory_space<vmem>>
      %dma_wait3A_154 = tpu.memref_squeeze %dma_wait3A_153 : memref<1x640x64xf32, #tpu.memory_space<vmem>> -> memref<640x64xf32, #tpu.memory_space<vmem>>
      %dma_wait3A_155 = arith.constant 0 : i32
      %dma_wait3A_156 = arith.constant 0 : i32
      %dma_wait3A_157 = tpu.memref_slice %arg3[%dma_wait3A_155, %dma_wait3A_156] : memref<1000192x64xf32, #tpu.memory_space<hbm>> -> memref<640x64xf32, #tpu.memory_space<hbm>>
      %dma_wait3A_158 = arith.constant 0 : i32
      %dma_wait3A_159 = arith.constant 0 : i32
      %dma_wait3A_160 = tpu.memref_slice %arg6[%dma_wait3A_150, %dma_wait3A_158, %dma_wait3A_159] : memref<2x640x64xf32, #tpu.memory_space<vmem>> -> memref<1x640x64xf32, #tpu.memory_space<vmem>>
      %dma_wait3A_161 = tpu.memref_squeeze %dma_wait3A_160 : memref<1x640x64xf32, #tpu.memory_space<vmem>> -> memref<640x64xf32, #tpu.memory_space<vmem>>
      %dma_wait3A_162 = arith.constant 0 : i32
      %dma_wait3A_163 = arith.constant 0 : i32
      %dma_wait3A_164 = tpu.memref_slice %arg3[%dma_wait3A_162, %dma_wait3A_163] : memref<1000192x64xf32, #tpu.memory_space<hbm>> -> memref<640x64xf32, #tpu.memory_space<hbm>>
      tpu.wait_dma2 semaphore(%arg9 : memref<!tpu.dma_semaphore, #tpu.memory_space<semaphore_mem>>) src(%dma_wait3A_164 : memref<640x64xf32, #tpu.memory_space<hbm>>) dst(%dma_wait3A_161 : memref<640x64xf32, #tpu.memory_space<vmem>>)
      %add3A_165 = arith.constant 1 : i32
      %add3A_166 = arith.addi %mul3A_61, %add3A_165 : i32
      %parallel_loop3A_167 = arith.constant 0 : i32
      %parallel_loop3A_168 = arith.constant 32 : i32
      %parallel_loop3A_169 = arith.constant 1 : i32
      scf.for %parallel_loop3A_174 = %parallel_loop3A_167 to %parallel_loop3A_168 step %parallel_loop3A_169  : i32 {
        %parallel_loop3A_175 = arith.constant 0.000000e+00 : f32
        %parallel_loop3A_176 = vector.broadcast %parallel_loop3A_175 : f32 to vector<16xf32>
        %parallel_loop3A_177 = arith.constant 0.000000e+00 : f32
        %parallel_loop3A_178 = vector.broadcast %parallel_loop3A_177 : f32 to vector<16xf32>
        %parallel_loop3A_179 = arith.constant 0.000000e+00 : f32
        %parallel_loop3A_180 = vector.broadcast %parallel_loop3A_179 : f32 to vector<16xf32>
        %parallel_loop3A_181 = arith.constant 0.000000e+00 : f32
        %parallel_loop3A_182 = vector.broadcast %parallel_loop3A_181 : f32 to vector<16xf32>
        %parallel_loop3A_183 = arith.constant 20 : i32
        %parallel_loop3A_184 = arith.muli %parallel_loop3A_174, %parallel_loop3A_183 : i32
        %parallel_loop3A_185 = arith.constant 0 : i32
        %parallel_loop3A_186 = arith.addi %parallel_loop3A_184, %parallel_loop3A_185 : i32
        %parallel_loop3A_187 = arith.constant 1 : i32
        %parallel_loop3A_188 = arith.index_cast %parallel_loop3A_187 : i32 to index
        %parallel_loop3A_189 = arith.index_cast %parallel_loop3A_186 : i32 to index
        %parallel_loop3A_190 = arith.constant 0 : index
        %parallel_loop3A_191 = tpu.vector_load %arg6[%parallel_loop3A_188, %parallel_loop3A_189, %parallel_loop3A_190] {strides = array<i32>} : memref<2x640x64xf32, #tpu.memory_space<vmem>>, vector<1x1x16xf32>,
        %parallel_loop3A_192 = vector.shape_cast %parallel_loop3A_191 : vector<1x1x16xf32> to vector<16xf32>
        %parallel_loop3A_193 = arith.addf %parallel_loop3A_176, %parallel_loop3A_192 : vector<16xf32>
        %parallel_loop3A_194 = arith.constant 1 : i32
        %parallel_loop3A_195 = arith.index_cast %parallel_loop3A_194 : i32 to index
        %parallel_loop3A_196 = arith.index_cast %parallel_loop3A_186 : i32 to index
        %parallel_loop3A_197 = arith.constant 16 : index
        %parallel_loop3A_198 = tpu.vector_load %arg6[%parallel_loop3A_195, %parallel_loop3A_196, %parallel_loop3A_197] {strides = array<i32>} : memref<2x640x64xf32, #tpu.memory_space<vmem>>, vector<1x1x16xf32>,
        %parallel_loop3A_199 = vector.shape_cast %parallel_loop3A_198 : vector<1x1x16xf32> to vector<16xf32>
        %parallel_loop3A_200 = arith.addf %parallel_loop3A_178, %parallel_loop3A_199 : vector<16xf32>
        %parallel_loop3A_201 = arith.constant 1 : i32
        %parallel_loop3A_202 = arith.index_cast %parallel_loop3A_201 : i32 to index
        %parallel_loop3A_203 = arith.index_cast %parallel_loop3A_186 : i32 to index
        %parallel_loop3A_204 = arith.constant 32 : index
        %parallel_loop3A_205 = tpu.vector_load %arg6[%parallel_loop3A_202, %parallel_loop3A_203, %parallel_loop3A_204] {strides = array<i32>} : memref<2x640x64xf32, #tpu.memory_space<vmem>>, vector<1x1x16xf32>,
        %parallel_loop3A_206 = vector.shape_cast %parallel_loop3A_205 : vector<1x1x16xf32> to vector<16xf32>
        %parallel_loop3A_207 = arith.addf %parallel_loop3A_180, %parallel_loop3A_206 : vector<16xf32>
        %parallel_loop3A_208 = arith.constant 1 : i32
        %parallel_loop3A_209 = arith.index_cast %parallel_loop3A_208 : i32 to index
        %parallel_loop3A_210 = arith.index_cast %parallel_loop3A_186 : i32 to index
        %parallel_loop3A_211 = arith.constant 48 : index
        %parallel_loop3A_212 = tpu.vector_load %arg6[%parallel_loop3A_209, %parallel_loop3A_210, %parallel_loop3A_211] {strides = array<i32>} : memref<2x640x64xf32, #tpu.memory_space<vmem>>, vector<1x1x16xf32>,
        %parallel_loop3A_213 = vector.shape_cast %parallel_loop3A_212 : vector<1x1x16xf32> to vector<16xf32>
        %parallel_loop3A_214 = arith.addf %parallel_loop3A_182, %parallel_loop3A_213 : vector<16xf32>
        %parallel_loop3A_215 = arith.constant 20 : i32
        %parallel_loop3A_216 = arith.muli %parallel_loop3A_174, %parallel_loop3A_215 : i32
        %parallel_loop3A_217 = arith.constant 1 : i32
        %parallel_loop3A_218 = arith.addi %parallel_loop3A_216, %parallel_loop3A_217 : i32
        %parallel_loop3A_219 = arith.constant 1 : i32
        %parallel_loop3A_220 = arith.index_cast %parallel_loop3A_219 : i32 to index
        %parallel_loop3A_221 = arith.index_cast %parallel_loop3A_218 : i32 to index
        %parallel_loop3A_222 = arith.constant 0 : index
        %parallel_loop3A_223 = tpu.vector_load %arg6[%parallel_loop3A_220, %parallel_loop3A_221, %parallel_loop3A_222] {strides = array<i32>} : memref<2x640x64xf32, #tpu.memory_space<vmem>>, vector<1x1x16xf32>,
        %parallel_loop3A_224 = vector.shape_cast %parallel_loop3A_223 : vector<1x1x16xf32> to vector<16xf32>
        %parallel_loop3A_225 = arith.addf %parallel_loop3A_193, %parallel_loop3A_224 : vector<16xf32>
        %parallel_loop3A_226 = arith.constant 1 : i32
        %parallel_loop3A_227 = arith.index_cast %parallel_loop3A_226 : i32 to index
        %parallel_loop3A_228 = arith.index_cast %parallel_loop3A_218 : i32 to index
        %parallel_loop3A_229 = arith.constant 16 : index
        %parallel_loop3A_230 = tpu.vector_load %arg6[%parallel_loop3A_227, %parallel_loop3A_228, %parallel_loop3A_229] {strides = array<i32>} : memref<2x640x64xf32, #tpu.memory_space<vmem>>, vector<1x1x16xf32>,
        %parallel_loop3A_231 = vector.shape_cast %parallel_loop3A_230 : vector<1x1x16xf32> to vector<16xf32>
        %parallel_loop3A_232 = arith.addf %parallel_loop3A_200, %parallel_loop3A_231 : vector<16xf32>
        %parallel_loop3A_233 = arith.constant 1 : i32
        %parallel_loop3A_234 = arith.index_cast %parallel_loop3A_233 : i32 to index
        %parallel_loop3A_235 = arith.index_cast %parallel_loop3A_218 : i32 to index
        %parallel_loop3A_236 = arith.constant 32 : index
        %parallel_loop3A_237 = tpu.vector_load %arg6[%parallel_loop3A_234, %parallel_loop3A_235, %parallel_loop3A_236] {strides = array<i32>} : memref<2x640x64xf32, #tpu.memory_space<vmem>>, vector<1x1x16xf32>,
        %parallel_loop3A_238 = vector.shape_cast %parallel_loop3A_237 : vector<1x1x16xf32> to vector<16xf32>
        %parallel_loop3A_239 = arith.addf %parallel_loop3A_207, %parallel_loop3A_238 : vector<16xf32>
        %parallel_loop3A_240 = arith.constant 1 : i32
        %parallel_loop3A_241 = arith.index_cast %parallel_loop3A_240 : i32 to index
        %parallel_loop3A_242 = arith.index_cast %parallel_loop3A_218 : i32 to index
        %parallel_loop3A_243 = arith.constant 48 : index
        %parallel_loop3A_244 = tpu.vector_load %arg6[%parallel_loop3A_241, %parallel_loop3A_242, %parallel_loop3A_243] {strides = array<i32>} : memref<2x640x64xf32, #tpu.memory_space<vmem>>, vector<1x1x16xf32>,
        %parallel_loop3A_245 = vector.shape_cast %parallel_loop3A_244 : vector<1x1x16xf32> to vector<16xf32>
        %parallel_loop3A_246 = arith.addf %parallel_loop3A_214, %parallel_loop3A_245 : vector<16xf32>
        %parallel_loop3A_247 = arith.constant 20 : i32
        %parallel_loop3A_248 = arith.muli %parallel_loop3A_174, %parallel_loop3A_247 : i32
        %parallel_loop3A_249 = arith.constant 2 : i32
        %parallel_loop3A_250 = arith.addi %parallel_loop3A_248, %parallel_loop3A_249 : i32
        %parallel_loop3A_251 = arith.constant 1 : i32
        %parallel_loop3A_252 = arith.index_cast %parallel_loop3A_251 : i32 to index
        %parallel_loop3A_253 = arith.index_cast %parallel_loop3A_250 : i32 to index
        %parallel_loop3A_254 = arith.constant 0 : index
        %parallel_loop3A_255 = tpu.vector_load %arg6[%parallel_loop3A_252, %parallel_loop3A_253, %parallel_loop3A_254] {strides = array<i32>} : memref<2x640x64xf32, #tpu.memory_space<vmem>>, vector<1x1x16xf32>,
        %parallel_loop3A_256 = vector.shape_cast %parallel_loop3A_255 : vector<1x1x16xf32> to vector<16xf32>
        %parallel_loop3A_257 = arith.addf %parallel_loop3A_225, %parallel_loop3A_256 : vector<16xf32>
        %parallel_loop3A_258 = arith.constant 1 : i32
        %parallel_loop3A_259 = arith.index_cast %parallel_loop3A_258 : i32 to index
        %parallel_loop3A_260 = arith.index_cast %parallel_loop3A_250 : i32 to index
        %parallel_loop3A_261 = arith.constant 16 : index
        %parallel_loop3A_262 = tpu.vector_load %arg6[%parallel_loop3A_259, %parallel_loop3A_260, %parallel_loop3A_261] {strides = array<i32>} : memref<2x640x64xf32, #tpu.memory_space<vmem>>, vector<1x1x16xf32>,
        %parallel_loop3A_263 = vector.shape_cast %parallel_loop3A_262 : vector<1x1x16xf32> to vector<16xf32>
        %parallel_loop3A_264 = arith.addf %parallel_loop3A_232, %parallel_loop3A_263 : vector<16xf32>
        %parallel_loop3A_265 = arith.constant 1 : i32
        %parallel_loop3A_266 = arith.index_cast %parallel_loop3A_265 : i32 to index
        %parallel_loop3A_267 = arith.index_cast %parallel_loop3A_250 : i32 to index
        %parallel_loop3A_268 = arith.constant 32 : index
        %parallel_loop3A_269 = tpu.vector_load %arg6[%parallel_loop3A_266, %parallel_loop3A_267, %parallel_loop3A_268] {strides = array<i32>} : memref<2x640x64xf32, #tpu.memory_space<vmem>>, vector<1x1x16xf32>,
        %parallel_loop3A_270 = vector.shape_cast %parallel_loop3A_269 : vector<1x1x16xf32> to vector<16xf32>
        %parallel_loop3A_271 = arith.addf %parallel_loop3A_239, %parallel_loop3A_270 : vector<16xf32>
        %parallel_loop3A_272 = arith.constant 1 : i32
        %parallel_loop3A_273 = arith.index_cast %parallel_loop3A_272 : i32 to index
        %parallel_loop3A_274 = arith.index_cast %parallel_loop3A_250 : i32 to index
        %parallel_loop3A_275 = arith.constant 48 : index
        %parallel_loop3A_276 = tpu.vector_load %arg6[%parallel_loop3A_273, %parallel_loop3A_274, %parallel_loop3A_275] {strides = array<i32>} : memref<2x640x64xf32, #tpu.memory_space<vmem>>, vector<1x1x16xf32>,
        %parallel_loop3A_277 = vector.shape_cast %parallel_loop3A_276 : vector<1x1x16xf32> to vector<16xf32>
        %parallel_loop3A_278 = arith.addf %parallel_loop3A_246, %parallel_loop3A_277 : vector<16xf32>
        %parallel_loop3A_279 = arith.constant 20 : i32
        %parallel_loop3A_280 = arith.muli %parallel_loop3A_174, %parallel_loop3A_279 : i32
        %parallel_loop3A_281 = arith.constant 3 : i32
        %parallel_loop3A_282 = arith.addi %parallel_loop3A_280, %parallel_loop3A_281 : i32
        %parallel_loop3A_283 = arith.constant 1 : i32
        %parallel_loop3A_284 = arith.index_cast %parallel_loop3A_283 : i32 to index
        %parallel_loop3A_285 = arith.index_cast %parallel_loop3A_282 : i32 to index
        %parallel_loop3A_286 = arith.constant 0 : index
        %parallel_loop3A_287 = tpu.vector_load %arg6[%parallel_loop3A_284, %parallel_loop3A_285, %parallel_loop3A_286] {strides = array<i32>} : memref<2x640x64xf32, #tpu.memory_space<vmem>>, vector<1x1x16xf32>,
        %parallel_loop3A_288 = vector.shape_cast %parallel_loop3A_287 : vector<1x1x16xf32> to vector<16xf32>
        %parallel_loop3A_289 = arith.addf %parallel_loop3A_257, %parallel_loop3A_288 : vector<16xf32>
        %parallel_loop3A_290 = arith.constant 1 : i32
        %parallel_loop3A_291 = arith.index_cast %parallel_loop3A_290 : i32 to index
        %parallel_loop3A_292 = arith.index_cast %parallel_loop3A_282 : i32 to index
        %parallel_loop3A_293 = arith.constant 16 : index
        %parallel_loop3A_294 = tpu.vector_load %arg6[%parallel_loop3A_291, %parallel_loop3A_292, %parallel_loop3A_293] {strides = array<i32>} : memref<2x640x64xf32, #tpu.memory_space<vmem>>, vector<1x1x16xf32>,
        %parallel_loop3A_295 = vector.shape_cast %parallel_loop3A_294 : vector<1x1x16xf32> to vector<16xf32>
        %parallel_loop3A_296 = arith.addf %parallel_loop3A_264, %parallel_loop3A_295 : vector<16xf32>
        %parallel_loop3A_297 = arith.constant 1 : i32
        %parallel_loop3A_298 = arith.index_cast %parallel_loop3A_297 : i32 to index
        %parallel_loop3A_299 = arith.index_cast %parallel_loop3A_282 : i32 to index
        %parallel_loop3A_300 = arith.constant 32 : index
        %parallel_loop3A_301 = tpu.vector_load %arg6[%parallel_loop3A_298, %parallel_loop3A_299, %parallel_loop3A_300] {strides = array<i32>} : memref<2x640x64xf32, #tpu.memory_space<vmem>>, vector<1x1x16xf32>,
        %parallel_loop3A_302 = vector.shape_cast %parallel_loop3A_301 : vector<1x1x16xf32> to vector<16xf32>
        %parallel_loop3A_303 = arith.addf %parallel_loop3A_271, %parallel_loop3A_302 : vector<16xf32>
        %parallel_loop3A_304 = arith.constant 1 : i32
        %parallel_loop3A_305 = arith.index_cast %parallel_loop3A_304 : i32 to index
        %parallel_loop3A_306 = arith.index_cast %parallel_loop3A_282 : i32 to index
        %parallel_loop3A_307 = arith.constant 48 : index
        %parallel_loop3A_308 = tpu.vector_load %arg6[%parallel_loop3A_305, %parallel_loop3A_306, %parallel_loop3A_307] {strides = array<i32>} : memref<2x640x64xf32, #tpu.memory_space<vmem>>, vector<1x1x16xf32>,
        %parallel_loop3A_309 = vector.shape_cast %parallel_loop3A_308 : vector<1x1x16xf32> to vector<16xf32>
        %parallel_loop3A_310 = arith.addf %parallel_loop3A_278, %parallel_loop3A_309 : vector<16xf32>
        %parallel_loop3A_311 = arith.constant 20 : i32
        %parallel_loop3A_312 = arith.muli %parallel_loop3A_174, %parallel_loop3A_311 : i32
        %parallel_loop3A_313 = arith.constant 4 : i32
        %parallel_loop3A_314 = arith.addi %parallel_loop3A_312, %parallel_loop3A_313 : i32
        %parallel_loop3A_315 = arith.constant 1 : i32
        %parallel_loop3A_316 = arith.index_cast %parallel_loop3A_315 : i32 to index
        %parallel_loop3A_317 = arith.index_cast %parallel_loop3A_314 : i32 to index
        %parallel_loop3A_318 = arith.constant 0 : index
        %parallel_loop3A_319 = tpu.vector_load %arg6[%parallel_loop3A_316, %parallel_loop3A_317, %parallel_loop3A_318] {strides = array<i32>} : memref<2x640x64xf32, #tpu.memory_space<vmem>>, vector<1x1x16xf32>,
        %parallel_loop3A_320 = vector.shape_cast %parallel_loop3A_319 : vector<1x1x16xf32> to vector<16xf32>
        %parallel_loop3A_321 = arith.addf %parallel_loop3A_289, %parallel_loop3A_320 : vector<16xf32>
        %parallel_loop3A_322 = arith.constant 1 : i32
        %parallel_loop3A_323 = arith.index_cast %parallel_loop3A_322 : i32 to index
        %parallel_loop3A_324 = arith.index_cast %parallel_loop3A_314 : i32 to index
        %parallel_loop3A_325 = arith.constant 16 : index
        %parallel_loop3A_326 = tpu.vector_load %arg6[%parallel_loop3A_323, %parallel_loop3A_324, %parallel_loop3A_325] {strides = array<i32>} : memref<2x640x64xf32, #tpu.memory_space<vmem>>, vector<1x1x16xf32>,
        %parallel_loop3A_327 = vector.shape_cast %parallel_loop3A_326 : vector<1x1x16xf32> to vector<16xf32>
        %parallel_loop3A_328 = arith.addf %parallel_loop3A_296, %parallel_loop3A_327 : vector<16xf32>
        %parallel_loop3A_329 = arith.constant 1 : i32
        %parallel_loop3A_330 = arith.index_cast %parallel_loop3A_329 : i32 to index
        %parallel_loop3A_331 = arith.index_cast %parallel_loop3A_314 : i32 to index
        %parallel_loop3A_332 = arith.constant 32 : index
        %parallel_loop3A_333 = tpu.vector_load %arg6[%parallel_loop3A_330, %parallel_loop3A_331, %parallel_loop3A_332] {strides = array<i32>} : memref<2x640x64xf32, #tpu.memory_space<vmem>>, vector<1x1x16xf32>,
        %parallel_loop3A_334 = vector.shape_cast %parallel_loop3A_333 : vector<1x1x16xf32> to vector<16xf32>
        %parallel_loop3A_335 = arith.addf %parallel_loop3A_303, %parallel_loop3A_334 : vector<16xf32>
        %parallel_loop3A_336 = arith.constant 1 : i32
        %parallel_loop3A_337 = arith.index_cast %parallel_loop3A_336 : i32 to index
        %parallel_loop3A_338 = arith.index_cast %parallel_loop3A_314 : i32 to index
        %parallel_loop3A_339 = arith.constant 48 : index
        %parallel_loop3A_340 = tpu.vector_load %arg6[%parallel_loop3A_337, %parallel_loop3A_338, %parallel_loop3A_339] {strides = array<i32>} : memref<2x640x64xf32, #tpu.memory_space<vmem>>, vector<1x1x16xf32>,
        %parallel_loop3A_341 = vector.shape_cast %parallel_loop3A_340 : vector<1x1x16xf32> to vector<16xf32>
        %parallel_loop3A_342 = arith.addf %parallel_loop3A_310, %parallel_loop3A_341 : vector<16xf32>
        %parallel_loop3A_343 = arith.constant 20 : i32
        %parallel_loop3A_344 = arith.muli %parallel_loop3A_174, %parallel_loop3A_343 : i32
        %parallel_loop3A_345 = arith.constant 5 : i32
        %parallel_loop3A_346 = arith.addi %parallel_loop3A_344, %parallel_loop3A_345 : i32
        %parallel_loop3A_347 = arith.constant 1 : i32
        %parallel_loop3A_348 = arith.index_cast %parallel_loop3A_347 : i32 to index
        %parallel_loop3A_349 = arith.index_cast %parallel_loop3A_346 : i32 to index
        %parallel_loop3A_350 = arith.constant 0 : index
        %parallel_loop3A_351 = tpu.vector_load %arg6[%parallel_loop3A_348, %parallel_loop3A_349, %parallel_loop3A_350] {strides = array<i32>} : memref<2x640x64xf32, #tpu.memory_space<vmem>>, vector<1x1x16xf32>,
        %parallel_loop3A_352 = vector.shape_cast %parallel_loop3A_351 : vector<1x1x16xf32> to vector<16xf32>
        %parallel_loop3A_353 = arith.addf %parallel_loop3A_321, %parallel_loop3A_352 : vector<16xf32>
        %parallel_loop3A_354 = arith.constant 1 : i32
        %parallel_loop3A_355 = arith.index_cast %parallel_loop3A_354 : i32 to index
        %parallel_loop3A_356 = arith.index_cast %parallel_loop3A_346 : i32 to index
        %parallel_loop3A_357 = arith.constant 16 : index
        %parallel_loop3A_358 = tpu.vector_load %arg6[%parallel_loop3A_355, %parallel_loop3A_356, %parallel_loop3A_357] {strides = array<i32>} : memref<2x640x64xf32, #tpu.memory_space<vmem>>, vector<1x1x16xf32>,
        %parallel_loop3A_359 = vector.shape_cast %parallel_loop3A_358 : vector<1x1x16xf32> to vector<16xf32>
        %parallel_loop3A_360 = arith.addf %parallel_loop3A_328, %parallel_loop3A_359 : vector<16xf32>
        %parallel_loop3A_361 = arith.constant 1 : i32
        %parallel_loop3A_362 = arith.index_cast %parallel_loop3A_361 : i32 to index
        %parallel_loop3A_363 = arith.index_cast %parallel_loop3A_346 : i32 to index
        %parallel_loop3A_364 = arith.constant 32 : index
        %parallel_loop3A_365 = tpu.vector_load %arg6[%parallel_loop3A_362, %parallel_loop3A_363, %parallel_loop3A_364] {strides = array<i32>} : memref<2x640x64xf32, #tpu.memory_space<vmem>>, vector<1x1x16xf32>,
        %parallel_loop3A_366 = vector.shape_cast %parallel_loop3A_365 : vector<1x1x16xf32> to vector<16xf32>
        %parallel_loop3A_367 = arith.addf %parallel_loop3A_335, %parallel_loop3A_366 : vector<16xf32>
        %parallel_loop3A_368 = arith.constant 1 : i32
        %parallel_loop3A_369 = arith.index_cast %parallel_loop3A_368 : i32 to index
        %parallel_loop3A_370 = arith.index_cast %parallel_loop3A_346 : i32 to index
        %parallel_loop3A_371 = arith.constant 48 : index
        %parallel_loop3A_372 = tpu.vector_load %arg6[%parallel_loop3A_369, %parallel_loop3A_370, %parallel_loop3A_371] {strides = array<i32>} : memref<2x640x64xf32, #tpu.memory_space<vmem>>, vector<1x1x16xf32>,
        %parallel_loop3A_373 = vector.shape_cast %parallel_loop3A_372 : vector<1x1x16xf32> to vector<16xf32>
        %parallel_loop3A_374 = arith.addf %parallel_loop3A_342, %parallel_loop3A_373 : vector<16xf32>
        %parallel_loop3A_375 = arith.constant 20 : i32
        %parallel_loop3A_376 = arith.muli %parallel_loop3A_174, %parallel_loop3A_375 : i32
        %parallel_loop3A_377 = arith.constant 6 : i32
        %parallel_loop3A_378 = arith.addi %parallel_loop3A_376, %parallel_loop3A_377 : i32
        %parallel_loop3A_379 = arith.constant 1 : i32
        %parallel_loop3A_380 = arith.index_cast %parallel_loop3A_379 : i32 to index
        %parallel_loop3A_381 = arith.index_cast %parallel_loop3A_378 : i32 to index
        %parallel_loop3A_382 = arith.constant 0 : index
        %parallel_loop3A_383 = tpu.vector_load %arg6[%parallel_loop3A_380, %parallel_loop3A_381, %parallel_loop3A_382] {strides = array<i32>} : memref<2x640x64xf32, #tpu.memory_space<vmem>>, vector<1x1x16xf32>,
        %parallel_loop3A_384 = vector.shape_cast %parallel_loop3A_383 : vector<1x1x16xf32> to vector<16xf32>
        %parallel_loop3A_385 = arith.addf %parallel_loop3A_353, %parallel_loop3A_384 : vector<16xf32>
        %parallel_loop3A_386 = arith.constant 1 : i32
        %parallel_loop3A_387 = arith.index_cast %parallel_loop3A_386 : i32 to index
        %parallel_loop3A_388 = arith.index_cast %parallel_loop3A_378 : i32 to index
        %parallel_loop3A_389 = arith.constant 16 : index
        %parallel_loop3A_390 = tpu.vector_load %arg6[%parallel_loop3A_387, %parallel_loop3A_388, %parallel_loop3A_389] {strides = array<i32>} : memref<2x640x64xf32, #tpu.memory_space<vmem>>, vector<1x1x16xf32>,
        %parallel_loop3A_391 = vector.shape_cast %parallel_loop3A_390 : vector<1x1x16xf32> to vector<16xf32>
        %parallel_loop3A_392 = arith.addf %parallel_loop3A_360, %parallel_loop3A_391 : vector<16xf32>
        %parallel_loop3A_393 = arith.constant 1 : i32
        %parallel_loop3A_394 = arith.index_cast %parallel_loop3A_393 : i32 to index
        %parallel_loop3A_395 = arith.index_cast %parallel_loop3A_378 : i32 to index
        %parallel_loop3A_396 = arith.constant 32 : index
        %parallel_loop3A_397 = tpu.vector_load %arg6[%parallel_loop3A_394, %parallel_loop3A_395, %parallel_loop3A_396] {strides = array<i32>} : memref<2x640x64xf32, #tpu.memory_space<vmem>>, vector<1x1x16xf32>,
        %parallel_loop3A_398 = vector.shape_cast %parallel_loop3A_397 : vector<1x1x16xf32> to vector<16xf32>
        %parallel_loop3A_399 = arith.addf %parallel_loop3A_367, %parallel_loop3A_398 : vector<16xf32>
        %parallel_loop3A_400 = arith.constant 1 : i32
        %parallel_loop3A_401 = arith.index_cast %parallel_loop3A_400 : i32 to index
        %parallel_loop3A_402 = arith.index_cast %parallel_loop3A_378 : i32 to index
        %parallel_loop3A_403 = arith.constant 48 : index
        %parallel_loop3A_404 = tpu.vector_load %arg6[%parallel_loop3A_401, %parallel_loop3A_402, %parallel_loop3A_403] {strides = array<i32>} : memref<2x640x64xf32, #tpu.memory_space<vmem>>, vector<1x1x16xf32>,
        %parallel_loop3A_405 = vector.shape_cast %parallel_loop3A_404 : vector<1x1x16xf32> to vector<16xf32>
        %parallel_loop3A_406 = arith.addf %parallel_loop3A_374, %parallel_loop3A_405 : vector<16xf32>
        %parallel_loop3A_407 = arith.constant 20 : i32
        %parallel_loop3A_408 = arith.muli %parallel_loop3A_174, %parallel_loop3A_407 : i32
        %parallel_loop3A_409 = arith.constant 7 : i32
        %parallel_loop3A_410 = arith.addi %parallel_loop3A_408, %parallel_loop3A_409 : i32
        %parallel_loop3A_411 = arith.constant 1 : i32
        %parallel_loop3A_412 = arith.index_cast %parallel_loop3A_411 : i32 to index
        %parallel_loop3A_413 = arith.index_cast %parallel_loop3A_410 : i32 to index
        %parallel_loop3A_414 = arith.constant 0 : index
        %parallel_loop3A_415 = tpu.vector_load %arg6[%parallel_loop3A_412, %parallel_loop3A_413, %parallel_loop3A_414] {strides = array<i32>} : memref<2x640x64xf32, #tpu.memory_space<vmem>>, vector<1x1x16xf32>,
        %parallel_loop3A_416 = vector.shape_cast %parallel_loop3A_415 : vector<1x1x16xf32> to vector<16xf32>
        %parallel_loop3A_417 = arith.addf %parallel_loop3A_385, %parallel_loop3A_416 : vector<16xf32>
        %parallel_loop3A_418 = arith.constant 1 : i32
        %parallel_loop3A_419 = arith.index_cast %parallel_loop3A_418 : i32 to index
        %parallel_loop3A_420 = arith.index_cast %parallel_loop3A_410 : i32 to index
        %parallel_loop3A_421 = arith.constant 16 : index
        %parallel_loop3A_422 = tpu.vector_load %arg6[%parallel_loop3A_419, %parallel_loop3A_420, %parallel_loop3A_421] {strides = array<i32>} : memref<2x640x64xf32, #tpu.memory_space<vmem>>, vector<1x1x16xf32>,
        %parallel_loop3A_423 = vector.shape_cast %parallel_loop3A_422 : vector<1x1x16xf32> to vector<16xf32>
        %parallel_loop3A_424 = arith.addf %parallel_loop3A_392, %parallel_loop3A_423 : vector<16xf32>
        %parallel_loop3A_425 = arith.constant 1 : i32
        %parallel_loop3A_426 = arith.index_cast %parallel_loop3A_425 : i32 to index
        %parallel_loop3A_427 = arith.index_cast %parallel_loop3A_410 : i32 to index
        %parallel_loop3A_428 = arith.constant 32 : index
        %parallel_loop3A_429 = tpu.vector_load %arg6[%parallel_loop3A_426, %parallel_loop3A_427, %parallel_loop3A_428] {strides = array<i32>} : memref<2x640x64xf32, #tpu.memory_space<vmem>>, vector<1x1x16xf32>,
        %parallel_loop3A_430 = vector.shape_cast %parallel_loop3A_429 : vector<1x1x16xf32> to vector<16xf32>
        %parallel_loop3A_431 = arith.addf %parallel_loop3A_399, %parallel_loop3A_430 : vector<16xf32>
        %parallel_loop3A_432 = arith.constant 1 : i32
        %parallel_loop3A_433 = arith.index_cast %parallel_loop3A_432 : i32 to index
        %parallel_loop3A_434 = arith.index_cast %parallel_loop3A_410 : i32 to index
        %parallel_loop3A_435 = arith.constant 48 : index
        %parallel_loop3A_436 = tpu.vector_load %arg6[%parallel_loop3A_433, %parallel_loop3A_434, %parallel_loop3A_435] {strides = array<i32>} : memref<2x640x64xf32, #tpu.memory_space<vmem>>, vector<1x1x16xf32>,
        %parallel_loop3A_437 = vector.shape_cast %parallel_loop3A_436 : vector<1x1x16xf32> to vector<16xf32>
        %parallel_loop3A_438 = arith.addf %parallel_loop3A_406, %parallel_loop3A_437 : vector<16xf32>
        %parallel_loop3A_439 = arith.constant 20 : i32
        %parallel_loop3A_440 = arith.muli %parallel_loop3A_174, %parallel_loop3A_439 : i32
        %parallel_loop3A_441 = arith.constant 8 : i32
        %parallel_loop3A_442 = arith.addi %parallel_loop3A_440, %parallel_loop3A_441 : i32
        %parallel_loop3A_443 = arith.constant 1 : i32
        %parallel_loop3A_444 = arith.index_cast %parallel_loop3A_443 : i32 to index
        %parallel_loop3A_445 = arith.index_cast %parallel_loop3A_442 : i32 to index
        %parallel_loop3A_446 = arith.constant 0 : index
        %parallel_loop3A_447 = tpu.vector_load %arg6[%parallel_loop3A_444, %parallel_loop3A_445, %parallel_loop3A_446] {strides = array<i32>} : memref<2x640x64xf32, #tpu.memory_space<vmem>>, vector<1x1x16xf32>,
        %parallel_loop3A_448 = vector.shape_cast %parallel_loop3A_447 : vector<1x1x16xf32> to vector<16xf32>
        %parallel_loop3A_449 = arith.addf %parallel_loop3A_417, %parallel_loop3A_448 : vector<16xf32>
        %parallel_loop3A_450 = arith.constant 1 : i32
        %parallel_loop3A_451 = arith.index_cast %parallel_loop3A_450 : i32 to index
        %parallel_loop3A_452 = arith.index_cast %parallel_loop3A_442 : i32 to index
        %parallel_loop3A_453 = arith.constant 16 : index
        %parallel_loop3A_454 = tpu.vector_load %arg6[%parallel_loop3A_451, %parallel_loop3A_452, %parallel_loop3A_453] {strides = array<i32>} : memref<2x640x64xf32, #tpu.memory_space<vmem>>, vector<1x1x16xf32>,
        %parallel_loop3A_455 = vector.shape_cast %parallel_loop3A_454 : vector<1x1x16xf32> to vector<16xf32>
        %parallel_loop3A_456 = arith.addf %parallel_loop3A_424, %parallel_loop3A_455 : vector<16xf32>
        %parallel_loop3A_457 = arith.constant 1 : i32
        %parallel_loop3A_458 = arith.index_cast %parallel_loop3A_457 : i32 to index
        %parallel_loop3A_459 = arith.index_cast %parallel_loop3A_442 : i32 to index
        %parallel_loop3A_460 = arith.constant 32 : index
        %parallel_loop3A_461 = tpu.vector_load %arg6[%parallel_loop3A_458, %parallel_loop3A_459, %parallel_loop3A_460] {strides = array<i32>} : memref<2x640x64xf32, #tpu.memory_space<vmem>>, vector<1x1x16xf32>,
        %parallel_loop3A_462 = vector.shape_cast %parallel_loop3A_461 : vector<1x1x16xf32> to vector<16xf32>
        %parallel_loop3A_463 = arith.addf %parallel_loop3A_431, %parallel_loop3A_462 : vector<16xf32>
        %parallel_loop3A_464 = arith.constant 1 : i32
        %parallel_loop3A_465 = arith.index_cast %parallel_loop3A_464 : i32 to index
        %parallel_loop3A_466 = arith.index_cast %parallel_loop3A_442 : i32 to index
        %parallel_loop3A_467 = arith.constant 48 : index
        %parallel_loop3A_468 = tpu.vector_load %arg6[%parallel_loop3A_465, %parallel_loop3A_466, %parallel_loop3A_467] {strides = array<i32>} : memref<2x640x64xf32, #tpu.memory_space<vmem>>, vector<1x1x16xf32>,
        %parallel_loop3A_469 = vector.shape_cast %parallel_loop3A_468 : vector<1x1x16xf32> to vector<16xf32>
        %parallel_loop3A_470 = arith.addf %parallel_loop3A_438, %parallel_loop3A_469 : vector<16xf32>
        %parallel_loop3A_471 = arith.constant 20 : i32
        %parallel_loop3A_472 = arith.muli %parallel_loop3A_174, %parallel_loop3A_471 : i32
        %parallel_loop3A_473 = arith.constant 9 : i32
        %parallel_loop3A_474 = arith.addi %parallel_loop3A_472, %parallel_loop3A_473 : i32
        %parallel_loop3A_475 = arith.constant 1 : i32
        %parallel_loop3A_476 = arith.index_cast %parallel_loop3A_475 : i32 to index
        %parallel_loop3A_477 = arith.index_cast %parallel_loop3A_474 : i32 to index
        %parallel_loop3A_478 = arith.constant 0 : index
        %parallel_loop3A_479 = tpu.vector_load %arg6[%parallel_loop3A_476, %parallel_loop3A_477, %parallel_loop3A_478] {strides = array<i32>} : memref<2x640x64xf32, #tpu.memory_space<vmem>>, vector<1x1x16xf32>,
        %parallel_loop3A_480 = vector.shape_cast %parallel_loop3A_479 : vector<1x1x16xf32> to vector<16xf32>
        %parallel_loop3A_481 = arith.addf %parallel_loop3A_449, %parallel_loop3A_480 : vector<16xf32>
        %parallel_loop3A_482 = arith.constant 1 : i32
        %parallel_loop3A_483 = arith.index_cast %parallel_loop3A_482 : i32 to index
        %parallel_loop3A_484 = arith.index_cast %parallel_loop3A_474 : i32 to index
        %parallel_loop3A_485 = arith.constant 16 : index
        %parallel_loop3A_486 = tpu.vector_load %arg6[%parallel_loop3A_483, %parallel_loop3A_484, %parallel_loop3A_485] {strides = array<i32>} : memref<2x640x64xf32, #tpu.memory_space<vmem>>, vector<1x1x16xf32>,
        %parallel_loop3A_487 = vector.shape_cast %parallel_loop3A_486 : vector<1x1x16xf32> to vector<16xf32>
        %parallel_loop3A_488 = arith.addf %parallel_loop3A_456, %parallel_loop3A_487 : vector<16xf32>
        %parallel_loop3A_489 = arith.constant 1 : i32
        %parallel_loop3A_490 = arith.index_cast %parallel_loop3A_489 : i32 to index
        %parallel_loop3A_491 = arith.index_cast %parallel_loop3A_474 : i32 to index
        %parallel_loop3A_492 = arith.constant 32 : index
        %parallel_loop3A_493 = tpu.vector_load %arg6[%parallel_loop3A_490, %parallel_loop3A_491, %parallel_loop3A_492] {strides = array<i32>} : memref<2x640x64xf32, #tpu.memory_space<vmem>>, vector<1x1x16xf32>,
        %parallel_loop3A_494 = vector.shape_cast %parallel_loop3A_493 : vector<1x1x16xf32> to vector<16xf32>
        %parallel_loop3A_495 = arith.addf %parallel_loop3A_463, %parallel_loop3A_494 : vector<16xf32>
        %parallel_loop3A_496 = arith.constant 1 : i32
        %parallel_loop3A_497 = arith.index_cast %parallel_loop3A_496 : i32 to index
        %parallel_loop3A_498 = arith.index_cast %parallel_loop3A_474 : i32 to index
        %parallel_loop3A_499 = arith.constant 48 : index
        %parallel_loop3A_500 = tpu.vector_load %arg6[%parallel_loop3A_497, %parallel_loop3A_498, %parallel_loop3A_499] {strides = array<i32>} : memref<2x640x64xf32, #tpu.memory_space<vmem>>, vector<1x1x16xf32>,
        %parallel_loop3A_501 = vector.shape_cast %parallel_loop3A_500 : vector<1x1x16xf32> to vector<16xf32>
        %parallel_loop3A_502 = arith.addf %parallel_loop3A_470, %parallel_loop3A_501 : vector<16xf32>
        %parallel_loop3A_503 = arith.constant 20 : i32
        %parallel_loop3A_504 = arith.muli %parallel_loop3A_174, %parallel_loop3A_503 : i32
        %parallel_loop3A_505 = arith.constant 10 : i32
        %parallel_loop3A_506 = arith.addi %parallel_loop3A_504, %parallel_loop3A_505 : i32
        %parallel_loop3A_507 = arith.constant 1 : i32
        %parallel_loop3A_508 = arith.index_cast %parallel_loop3A_507 : i32 to index
        %parallel_loop3A_509 = arith.index_cast %parallel_loop3A_506 : i32 to index
        %parallel_loop3A_510 = arith.constant 0 : index
        %parallel_loop3A_511 = tpu.vector_load %arg6[%parallel_loop3A_508, %parallel_loop3A_509, %parallel_loop3A_510] {strides = array<i32>} : memref<2x640x64xf32, #tpu.memory_space<vmem>>, vector<1x1x16xf32>,
        %parallel_loop3A_512 = vector.shape_cast %parallel_loop3A_511 : vector<1x1x16xf32> to vector<16xf32>
        %parallel_loop3A_513 = arith.addf %parallel_loop3A_481, %parallel_loop3A_512 : vector<16xf32>
        %parallel_loop3A_514 = arith.constant 1 : i32
        %parallel_loop3A_515 = arith.index_cast %parallel_loop3A_514 : i32 to index
        %parallel_loop3A_516 = arith.index_cast %parallel_loop3A_506 : i32 to index
        %parallel_loop3A_517 = arith.constant 16 : index
        %parallel_loop3A_518 = tpu.vector_load %arg6[%parallel_loop3A_515, %parallel_loop3A_516, %parallel_loop3A_517] {strides = array<i32>} : memref<2x640x64xf32, #tpu.memory_space<vmem>>, vector<1x1x16xf32>,
        %parallel_loop3A_519 = vector.shape_cast %parallel_loop3A_518 : vector<1x1x16xf32> to vector<16xf32>
        %parallel_loop3A_520 = arith.addf %parallel_loop3A_488, %parallel_loop3A_519 : vector<16xf32>
        %parallel_loop3A_521 = arith.constant 1 : i32
        %parallel_loop3A_522 = arith.index_cast %parallel_loop3A_521 : i32 to index
        %parallel_loop3A_523 = arith.index_cast %parallel_loop3A_506 : i32 to index
        %parallel_loop3A_524 = arith.constant 32 : index
        %parallel_loop3A_525 = tpu.vector_load %arg6[%parallel_loop3A_522, %parallel_loop3A_523, %parallel_loop3A_524] {strides = array<i32>} : memref<2x640x64xf32, #tpu.memory_space<vmem>>, vector<1x1x16xf32>,
        %parallel_loop3A_526 = vector.shape_cast %parallel_loop3A_525 : vector<1x1x16xf32> to vector<16xf32>
        %parallel_loop3A_527 = arith.addf %parallel_loop3A_495, %parallel_loop3A_526 : vector<16xf32>
        %parallel_loop3A_528 = arith.constant 1 : i32
        %parallel_loop3A_529 = arith.index_cast %parallel_loop3A_528 : i32 to index
        %parallel_loop3A_530 = arith.index_cast %parallel_loop3A_506 : i32 to index
        %parallel_loop3A_531 = arith.constant 48 : index
        %parallel_loop3A_532 = tpu.vector_load %arg6[%parallel_loop3A_529, %parallel_loop3A_530, %parallel_loop3A_531] {strides = array<i32>} : memref<2x640x64xf32, #tpu.memory_space<vmem>>, vector<1x1x16xf32>,
        %parallel_loop3A_533 = vector.shape_cast %parallel_loop3A_532 : vector<1x1x16xf32> to vector<16xf32>
        %parallel_loop3A_534 = arith.addf %parallel_loop3A_502, %parallel_loop3A_533 : vector<16xf32>
        %parallel_loop3A_535 = arith.constant 20 : i32
        %parallel_loop3A_536 = arith.muli %parallel_loop3A_174, %parallel_loop3A_535 : i32
        %parallel_loop3A_537 = arith.constant 11 : i32
        %parallel_loop3A_538 = arith.addi %parallel_loop3A_536, %parallel_loop3A_537 : i32
        %parallel_loop3A_539 = arith.constant 1 : i32
        %parallel_loop3A_540 = arith.index_cast %parallel_loop3A_539 : i32 to index
        %parallel_loop3A_541 = arith.index_cast %parallel_loop3A_538 : i32 to index
        %parallel_loop3A_542 = arith.constant 0 : index
        %parallel_loop3A_543 = tpu.vector_load %arg6[%parallel_loop3A_540, %parallel_loop3A_541, %parallel_loop3A_542] {strides = array<i32>} : memref<2x640x64xf32, #tpu.memory_space<vmem>>, vector<1x1x16xf32>,
        %parallel_loop3A_544 = vector.shape_cast %parallel_loop3A_543 : vector<1x1x16xf32> to vector<16xf32>
        %parallel_loop3A_545 = arith.addf %parallel_loop3A_513, %parallel_loop3A_544 : vector<16xf32>
        %parallel_loop3A_546 = arith.constant 1 : i32
        %parallel_loop3A_547 = arith.index_cast %parallel_loop3A_546 : i32 to index
        %parallel_loop3A_548 = arith.index_cast %parallel_loop3A_538 : i32 to index
        %parallel_loop3A_549 = arith.constant 16 : index
        %parallel_loop3A_550 = tpu.vector_load %arg6[%parallel_loop3A_547, %parallel_loop3A_548, %parallel_loop3A_549] {strides = array<i32>} : memref<2x640x64xf32, #tpu.memory_space<vmem>>, vector<1x1x16xf32>,
        %parallel_loop3A_551 = vector.shape_cast %parallel_loop3A_550 : vector<1x1x16xf32> to vector<16xf32>
        %parallel_loop3A_552 = arith.addf %parallel_loop3A_520, %parallel_loop3A_551 : vector<16xf32>
        %parallel_loop3A_553 = arith.constant 1 : i32
        %parallel_loop3A_554 = arith.index_cast %parallel_loop3A_553 : i32 to index
        %parallel_loop3A_555 = arith.index_cast %parallel_loop3A_538 : i32 to index
        %parallel_loop3A_556 = arith.constant 32 : index
        %parallel_loop3A_557 = tpu.vector_load %arg6[%parallel_loop3A_554, %parallel_loop3A_555, %parallel_loop3A_556] {strides = array<i32>} : memref<2x640x64xf32, #tpu.memory_space<vmem>>, vector<1x1x16xf32>,
        %parallel_loop3A_558 = vector.shape_cast %parallel_loop3A_557 : vector<1x1x16xf32> to vector<16xf32>
        %parallel_loop3A_559 = arith.addf %parallel_loop3A_527, %parallel_loop3A_558 : vector<16xf32>
        %parallel_loop3A_560 = arith.constant 1 : i32
        %parallel_loop3A_561 = arith.index_cast %parallel_loop3A_560 : i32 to index
        %parallel_loop3A_562 = arith.index_cast %parallel_loop3A_538 : i32 to index
        %parallel_loop3A_563 = arith.constant 48 : index
        %parallel_loop3A_564 = tpu.vector_load %arg6[%parallel_loop3A_561, %parallel_loop3A_562, %parallel_loop3A_563] {strides = array<i32>} : memref<2x640x64xf32, #tpu.memory_space<vmem>>, vector<1x1x16xf32>,
        %parallel_loop3A_565 = vector.shape_cast %parallel_loop3A_564 : vector<1x1x16xf32> to vector<16xf32>
        %parallel_loop3A_566 = arith.addf %parallel_loop3A_534, %parallel_loop3A_565 : vector<16xf32>
        %parallel_loop3A_567 = arith.constant 20 : i32
        %parallel_loop3A_568 = arith.muli %parallel_loop3A_174, %parallel_loop3A_567 : i32
        %parallel_loop3A_569 = arith.constant 12 : i32
        %parallel_loop3A_570 = arith.addi %parallel_loop3A_568, %parallel_loop3A_569 : i32
        %parallel_loop3A_571 = arith.constant 1 : i32
        %parallel_loop3A_572 = arith.index_cast %parallel_loop3A_571 : i32 to index
        %parallel_loop3A_573 = arith.index_cast %parallel_loop3A_570 : i32 to index
        %parallel_loop3A_574 = arith.constant 0 : index
        %parallel_loop3A_575 = tpu.vector_load %arg6[%parallel_loop3A_572, %parallel_loop3A_573, %parallel_loop3A_574] {strides = array<i32>} : memref<2x640x64xf32, #tpu.memory_space<vmem>>, vector<1x1x16xf32>,
        %parallel_loop3A_576 = vector.shape_cast %parallel_loop3A_575 : vector<1x1x16xf32> to vector<16xf32>
        %parallel_loop3A_577 = arith.addf %parallel_loop3A_545, %parallel_loop3A_576 : vector<16xf32>
        %parallel_loop3A_578 = arith.constant 1 : i32
        %parallel_loop3A_579 = arith.index_cast %parallel_loop3A_578 : i32 to index
        %parallel_loop3A_580 = arith.index_cast %parallel_loop3A_570 : i32 to index
        %parallel_loop3A_581 = arith.constant 16 : index
        %parallel_loop3A_582 = tpu.vector_load %arg6[%parallel_loop3A_579, %parallel_loop3A_580, %parallel_loop3A_581] {strides = array<i32>} : memref<2x640x64xf32, #tpu.memory_space<vmem>>, vector<1x1x16xf32>,
        %parallel_loop3A_583 = vector.shape_cast %parallel_loop3A_582 : vector<1x1x16xf32> to vector<16xf32>
        %parallel_loop3A_584 = arith.addf %parallel_loop3A_552, %parallel_loop3A_583 : vector<16xf32>
        %parallel_loop3A_585 = arith.constant 1 : i32
        %parallel_loop3A_586 = arith.index_cast %parallel_loop3A_585 : i32 to index
        %parallel_loop3A_587 = arith.index_cast %parallel_loop3A_570 : i32 to index
        %parallel_loop3A_588 = arith.constant 32 : index
        %parallel_loop3A_589 = tpu.vector_load %arg6[%parallel_loop3A_586, %parallel_loop3A_587, %parallel_loop3A_588] {strides = array<i32>} : memref<2x640x64xf32, #tpu.memory_space<vmem>>, vector<1x1x16xf32>,
        %parallel_loop3A_590 = vector.shape_cast %parallel_loop3A_589 : vector<1x1x16xf32> to vector<16xf32>
        %parallel_loop3A_591 = arith.addf %parallel_loop3A_559, %parallel_loop3A_590 : vector<16xf32>
        %parallel_loop3A_592 = arith.constant 1 : i32
        %parallel_loop3A_593 = arith.index_cast %parallel_loop3A_592 : i32 to index
        %parallel_loop3A_594 = arith.index_cast %parallel_loop3A_570 : i32 to index
        %parallel_loop3A_595 = arith.constant 48 : index
        %parallel_loop3A_596 = tpu.vector_load %arg6[%parallel_loop3A_593, %parallel_loop3A_594, %parallel_loop3A_595] {strides = array<i32>} : memref<2x640x64xf32, #tpu.memory_space<vmem>>, vector<1x1x16xf32>,
        %parallel_loop3A_597 = vector.shape_cast %parallel_loop3A_596 : vector<1x1x16xf32> to vector<16xf32>
        %parallel_loop3A_598 = arith.addf %parallel_loop3A_566, %parallel_loop3A_597 : vector<16xf32>
        %parallel_loop3A_599 = arith.constant 20 : i32
        %parallel_loop3A_600 = arith.muli %parallel_loop3A_174, %parallel_loop3A_599 : i32
        %parallel_loop3A_601 = arith.constant 13 : i32
        %parallel_loop3A_602 = arith.addi %parallel_loop3A_600, %parallel_loop3A_601 : i32
        %parallel_loop3A_603 = arith.constant 1 : i32
        %parallel_loop3A_604 = arith.index_cast %parallel_loop3A_603 : i32 to index
        %parallel_loop3A_605 = arith.index_cast %parallel_loop3A_602 : i32 to index
        %parallel_loop3A_606 = arith.constant 0 : index
        %parallel_loop3A_607 = tpu.vector_load %arg6[%parallel_loop3A_604, %parallel_loop3A_605, %parallel_loop3A_606] {strides = array<i32>} : memref<2x640x64xf32, #tpu.memory_space<vmem>>, vector<1x1x16xf32>,
        %parallel_loop3A_608 = vector.shape_cast %parallel_loop3A_607 : vector<1x1x16xf32> to vector<16xf32>
        %parallel_loop3A_609 = arith.addf %parallel_loop3A_577, %parallel_loop3A_608 : vector<16xf32>
        %parallel_loop3A_610 = arith.constant 1 : i32
        %parallel_loop3A_611 = arith.index_cast %parallel_loop3A_610 : i32 to index
        %parallel_loop3A_612 = arith.index_cast %parallel_loop3A_602 : i32 to index
        %parallel_loop3A_613 = arith.constant 16 : index
        %parallel_loop3A_614 = tpu.vector_load %arg6[%parallel_loop3A_611, %parallel_loop3A_612, %parallel_loop3A_613] {strides = array<i32>} : memref<2x640x64xf32, #tpu.memory_space<vmem>>, vector<1x1x16xf32>,
        %parallel_loop3A_615 = vector.shape_cast %parallel_loop3A_614 : vector<1x1x16xf32> to vector<16xf32>
        %parallel_loop3A_616 = arith.addf %parallel_loop3A_584, %parallel_loop3A_615 : vector<16xf32>
        %parallel_loop3A_617 = arith.constant 1 : i32
        %parallel_loop3A_618 = arith.index_cast %parallel_loop3A_617 : i32 to index
        %parallel_loop3A_619 = arith.index_cast %parallel_loop3A_602 : i32 to index
        %parallel_loop3A_620 = arith.constant 32 : index
        %parallel_loop3A_621 = tpu.vector_load %arg6[%parallel_loop3A_618, %parallel_loop3A_619, %parallel_loop3A_620] {strides = array<i32>} : memref<2x640x64xf32, #tpu.memory_space<vmem>>, vector<1x1x16xf32>,
        %parallel_loop3A_622 = vector.shape_cast %parallel_loop3A_621 : vector<1x1x16xf32> to vector<16xf32>
        %parallel_loop3A_623 = arith.addf %parallel_loop3A_591, %parallel_loop3A_622 : vector<16xf32>
        %parallel_loop3A_624 = arith.constant 1 : i32
        %parallel_loop3A_625 = arith.index_cast %parallel_loop3A_624 : i32 to index
        %parallel_loop3A_626 = arith.index_cast %parallel_loop3A_602 : i32 to index
        %parallel_loop3A_627 = arith.constant 48 : index
        %parallel_loop3A_628 = tpu.vector_load %arg6[%parallel_loop3A_625, %parallel_loop3A_626, %parallel_loop3A_627] {strides = array<i32>} : memref<2x640x64xf32, #tpu.memory_space<vmem>>, vector<1x1x16xf32>,
        %parallel_loop3A_629 = vector.shape_cast %parallel_loop3A_628 : vector<1x1x16xf32> to vector<16xf32>
        %parallel_loop3A_630 = arith.addf %parallel_loop3A_598, %parallel_loop3A_629 : vector<16xf32>
        %parallel_loop3A_631 = arith.constant 20 : i32
        %parallel_loop3A_632 = arith.muli %parallel_loop3A_174, %parallel_loop3A_631 : i32
        %parallel_loop3A_633 = arith.constant 14 : i32
        %parallel_loop3A_634 = arith.addi %parallel_loop3A_632, %parallel_loop3A_633 : i32
        %parallel_loop3A_635 = arith.constant 1 : i32
        %parallel_loop3A_636 = arith.index_cast %parallel_loop3A_635 : i32 to index
        %parallel_loop3A_637 = arith.index_cast %parallel_loop3A_634 : i32 to index
        %parallel_loop3A_638 = arith.constant 0 : index
        %parallel_loop3A_639 = tpu.vector_load %arg6[%parallel_loop3A_636, %parallel_loop3A_637, %parallel_loop3A_638] {strides = array<i32>} : memref<2x640x64xf32, #tpu.memory_space<vmem>>, vector<1x1x16xf32>,
        %parallel_loop3A_640 = vector.shape_cast %parallel_loop3A_639 : vector<1x1x16xf32> to vector<16xf32>
        %parallel_loop3A_641 = arith.addf %parallel_loop3A_609, %parallel_loop3A_640 : vector<16xf32>
        %parallel_loop3A_642 = arith.constant 1 : i32
        %parallel_loop3A_643 = arith.index_cast %parallel_loop3A_642 : i32 to index
        %parallel_loop3A_644 = arith.index_cast %parallel_loop3A_634 : i32 to index
        %parallel_loop3A_645 = arith.constant 16 : index
        %parallel_loop3A_646 = tpu.vector_load %arg6[%parallel_loop3A_643, %parallel_loop3A_644, %parallel_loop3A_645] {strides = array<i32>} : memref<2x640x64xf32, #tpu.memory_space<vmem>>, vector<1x1x16xf32>,
        %parallel_loop3A_647 = vector.shape_cast %parallel_loop3A_646 : vector<1x1x16xf32> to vector<16xf32>
        %parallel_loop3A_648 = arith.addf %parallel_loop3A_616, %parallel_loop3A_647 : vector<16xf32>
        %parallel_loop3A_649 = arith.constant 1 : i32
        %parallel_loop3A_650 = arith.index_cast %parallel_loop3A_649 : i32 to index
        %parallel_loop3A_651 = arith.index_cast %parallel_loop3A_634 : i32 to index
        %parallel_loop3A_652 = arith.constant 32 : index
        %parallel_loop3A_653 = tpu.vector_load %arg6[%parallel_loop3A_650, %parallel_loop3A_651, %parallel_loop3A_652] {strides = array<i32>} : memref<2x640x64xf32, #tpu.memory_space<vmem>>, vector<1x1x16xf32>,
        %parallel_loop3A_654 = vector.shape_cast %parallel_loop3A_653 : vector<1x1x16xf32> to vector<16xf32>
        %parallel_loop3A_655 = arith.addf %parallel_loop3A_623, %parallel_loop3A_654 : vector<16xf32>
        %parallel_loop3A_656 = arith.constant 1 : i32
        %parallel_loop3A_657 = arith.index_cast %parallel_loop3A_656 : i32 to index
        %parallel_loop3A_658 = arith.index_cast %parallel_loop3A_634 : i32 to index
        %parallel_loop3A_659 = arith.constant 48 : index
        %parallel_loop3A_660 = tpu.vector_load %arg6[%parallel_loop3A_657, %parallel_loop3A_658, %parallel_loop3A_659] {strides = array<i32>} : memref<2x640x64xf32, #tpu.memory_space<vmem>>, vector<1x1x16xf32>,
        %parallel_loop3A_661 = vector.shape_cast %parallel_loop3A_660 : vector<1x1x16xf32> to vector<16xf32>
        %parallel_loop3A_662 = arith.addf %parallel_loop3A_630, %parallel_loop3A_661 : vector<16xf32>
        %parallel_loop3A_663 = arith.constant 20 : i32
        %parallel_loop3A_664 = arith.muli %parallel_loop3A_174, %parallel_loop3A_663 : i32
        %parallel_loop3A_665 = arith.constant 15 : i32
        %parallel_loop3A_666 = arith.addi %parallel_loop3A_664, %parallel_loop3A_665 : i32
        %parallel_loop3A_667 = arith.constant 1 : i32
        %parallel_loop3A_668 = arith.index_cast %parallel_loop3A_667 : i32 to index
        %parallel_loop3A_669 = arith.index_cast %parallel_loop3A_666 : i32 to index
        %parallel_loop3A_670 = arith.constant 0 : index
        %parallel_loop3A_671 = tpu.vector_load %arg6[%parallel_loop3A_668, %parallel_loop3A_669, %parallel_loop3A_670] {strides = array<i32>} : memref<2x640x64xf32, #tpu.memory_space<vmem>>, vector<1x1x16xf32>,
        %parallel_loop3A_672 = vector.shape_cast %parallel_loop3A_671 : vector<1x1x16xf32> to vector<16xf32>
        %parallel_loop3A_673 = arith.addf %parallel_loop3A_641, %parallel_loop3A_672 : vector<16xf32>
        %parallel_loop3A_674 = arith.constant 1 : i32
        %parallel_loop3A_675 = arith.index_cast %parallel_loop3A_674 : i32 to index
        %parallel_loop3A_676 = arith.index_cast %parallel_loop3A_666 : i32 to index
        %parallel_loop3A_677 = arith.constant 16 : index
        %parallel_loop3A_678 = tpu.vector_load %arg6[%parallel_loop3A_675, %parallel_loop3A_676, %parallel_loop3A_677] {strides = array<i32>} : memref<2x640x64xf32, #tpu.memory_space<vmem>>, vector<1x1x16xf32>,
        %parallel_loop3A_679 = vector.shape_cast %parallel_loop3A_678 : vector<1x1x16xf32> to vector<16xf32>
        %parallel_loop3A_680 = arith.addf %parallel_loop3A_648, %parallel_loop3A_679 : vector<16xf32>
        %parallel_loop3A_681 = arith.constant 1 : i32
        %parallel_loop3A_682 = arith.index_cast %parallel_loop3A_681 : i32 to index
        %parallel_loop3A_683 = arith.index_cast %parallel_loop3A_666 : i32 to index
        %parallel_loop3A_684 = arith.constant 32 : index
        %parallel_loop3A_685 = tpu.vector_load %arg6[%parallel_loop3A_682, %parallel_loop3A_683, %parallel_loop3A_684] {strides = array<i32>} : memref<2x640x64xf32, #tpu.memory_space<vmem>>, vector<1x1x16xf32>,
        %parallel_loop3A_686 = vector.shape_cast %parallel_loop3A_685 : vector<1x1x16xf32> to vector<16xf32>
        %parallel_loop3A_687 = arith.addf %parallel_loop3A_655, %parallel_loop3A_686 : vector<16xf32>
        %parallel_loop3A_688 = arith.constant 1 : i32
        %parallel_loop3A_689 = arith.index_cast %parallel_loop3A_688 : i32 to index
        %parallel_loop3A_690 = arith.index_cast %parallel_loop3A_666 : i32 to index
        %parallel_loop3A_691 = arith.constant 48 : index
        %parallel_loop3A_692 = tpu.vector_load %arg6[%parallel_loop3A_689, %parallel_loop3A_690, %parallel_loop3A_691] {strides = array<i32>} : memref<2x640x64xf32, #tpu.memory_space<vmem>>, vector<1x1x16xf32>,
        %parallel_loop3A_693 = vector.shape_cast %parallel_loop3A_692 : vector<1x1x16xf32> to vector<16xf32>
        %parallel_loop3A_694 = arith.addf %parallel_loop3A_662, %parallel_loop3A_693 : vector<16xf32>
        %parallel_loop3A_695 = arith.constant 20 : i32
        %parallel_loop3A_696 = arith.muli %parallel_loop3A_174, %parallel_loop3A_695 : i32
        %parallel_loop3A_697 = arith.constant 16 : i32
        %parallel_loop3A_698 = arith.addi %parallel_loop3A_696, %parallel_loop3A_697 : i32
        %parallel_loop3A_699 = arith.constant 1 : i32
        %parallel_loop3A_700 = arith.index_cast %parallel_loop3A_699 : i32 to index
        %parallel_loop3A_701 = arith.index_cast %parallel_loop3A_698 : i32 to index
        %parallel_loop3A_702 = arith.constant 0 : index
        %parallel_loop3A_703 = tpu.vector_load %arg6[%parallel_loop3A_700, %parallel_loop3A_701, %parallel_loop3A_702] {strides = array<i32>} : memref<2x640x64xf32, #tpu.memory_space<vmem>>, vector<1x1x16xf32>,
        %parallel_loop3A_704 = vector.shape_cast %parallel_loop3A_703 : vector<1x1x16xf32> to vector<16xf32>
        %parallel_loop3A_705 = arith.addf %parallel_loop3A_673, %parallel_loop3A_704 : vector<16xf32>
        %parallel_loop3A_706 = arith.constant 1 : i32
        %parallel_loop3A_707 = arith.index_cast %parallel_loop3A_706 : i32 to index
        %parallel_loop3A_708 = arith.index_cast %parallel_loop3A_698 : i32 to index
        %parallel_loop3A_709 = arith.constant 16 : index
        %parallel_loop3A_710 = tpu.vector_load %arg6[%parallel_loop3A_707, %parallel_loop3A_708, %parallel_loop3A_709] {strides = array<i32>} : memref<2x640x64xf32, #tpu.memory_space<vmem>>, vector<1x1x16xf32>,
        %parallel_loop3A_711 = vector.shape_cast %parallel_loop3A_710 : vector<1x1x16xf32> to vector<16xf32>
        %parallel_loop3A_712 = arith.addf %parallel_loop3A_680, %parallel_loop3A_711 : vector<16xf32>
        %parallel_loop3A_713 = arith.constant 1 : i32
        %parallel_loop3A_714 = arith.index_cast %parallel_loop3A_713 : i32 to index
        %parallel_loop3A_715 = arith.index_cast %parallel_loop3A_698 : i32 to index
        %parallel_loop3A_716 = arith.constant 32 : index
        %parallel_loop3A_717 = tpu.vector_load %arg6[%parallel_loop3A_714, %parallel_loop3A_715, %parallel_loop3A_716] {strides = array<i32>} : memref<2x640x64xf32, #tpu.memory_space<vmem>>, vector<1x1x16xf32>,
        %parallel_loop3A_718 = vector.shape_cast %parallel_loop3A_717 : vector<1x1x16xf32> to vector<16xf32>
        %parallel_loop3A_719 = arith.addf %parallel_loop3A_687, %parallel_loop3A_718 : vector<16xf32>
        %parallel_loop3A_720 = arith.constant 1 : i32
        %parallel_loop3A_721 = arith.index_cast %parallel_loop3A_720 : i32 to index
        %parallel_loop3A_722 = arith.index_cast %parallel_loop3A_698 : i32 to index
        %parallel_loop3A_723 = arith.constant 48 : index
        %parallel_loop3A_724 = tpu.vector_load %arg6[%parallel_loop3A_721, %parallel_loop3A_722, %parallel_loop3A_723] {strides = array<i32>} : memref<2x640x64xf32, #tpu.memory_space<vmem>>, vector<1x1x16xf32>,
        %parallel_loop3A_725 = vector.shape_cast %parallel_loop3A_724 : vector<1x1x16xf32> to vector<16xf32>
        %parallel_loop3A_726 = arith.addf %parallel_loop3A_694, %parallel_loop3A_725 : vector<16xf32>
        %parallel_loop3A_727 = arith.constant 20 : i32
        %parallel_loop3A_728 = arith.muli %parallel_loop3A_174, %parallel_loop3A_727 : i32
        %parallel_loop3A_729 = arith.constant 17 : i32
        %parallel_loop3A_730 = arith.addi %parallel_loop3A_728, %parallel_loop3A_729 : i32
        %parallel_loop3A_731 = arith.constant 1 : i32
        %parallel_loop3A_732 = arith.index_cast %parallel_loop3A_731 : i32 to index
        %parallel_loop3A_733 = arith.index_cast %parallel_loop3A_730 : i32 to index
        %parallel_loop3A_734 = arith.constant 0 : index
        %parallel_loop3A_735 = tpu.vector_load %arg6[%parallel_loop3A_732, %parallel_loop3A_733, %parallel_loop3A_734] {strides = array<i32>} : memref<2x640x64xf32, #tpu.memory_space<vmem>>, vector<1x1x16xf32>,
        %parallel_loop3A_736 = vector.shape_cast %parallel_loop3A_735 : vector<1x1x16xf32> to vector<16xf32>
        %parallel_loop3A_737 = arith.addf %parallel_loop3A_705, %parallel_loop3A_736 : vector<16xf32>
        %parallel_loop3A_738 = arith.constant 1 : i32
        %parallel_loop3A_739 = arith.index_cast %parallel_loop3A_738 : i32 to index
        %parallel_loop3A_740 = arith.index_cast %parallel_loop3A_730 : i32 to index
        %parallel_loop3A_741 = arith.constant 16 : index
        %parallel_loop3A_742 = tpu.vector_load %arg6[%parallel_loop3A_739, %parallel_loop3A_740, %parallel_loop3A_741] {strides = array<i32>} : memref<2x640x64xf32, #tpu.memory_space<vmem>>, vector<1x1x16xf32>,
        %parallel_loop3A_743 = vector.shape_cast %parallel_loop3A_742 : vector<1x1x16xf32> to vector<16xf32>
        %parallel_loop3A_744 = arith.addf %parallel_loop3A_712, %parallel_loop3A_743 : vector<16xf32>
        %parallel_loop3A_745 = arith.constant 1 : i32
        %parallel_loop3A_746 = arith.index_cast %parallel_loop3A_745 : i32 to index
        %parallel_loop3A_747 = arith.index_cast %parallel_loop3A_730 : i32 to index
        %parallel_loop3A_748 = arith.constant 32 : index
        %parallel_loop3A_749 = tpu.vector_load %arg6[%parallel_loop3A_746, %parallel_loop3A_747, %parallel_loop3A_748] {strides = array<i32>} : memref<2x640x64xf32, #tpu.memory_space<vmem>>, vector<1x1x16xf32>,
        %parallel_loop3A_750 = vector.shape_cast %parallel_loop3A_749 : vector<1x1x16xf32> to vector<16xf32>
        %parallel_loop3A_751 = arith.addf %parallel_loop3A_719, %parallel_loop3A_750 : vector<16xf32>
        %parallel_loop3A_752 = arith.constant 1 : i32
        %parallel_loop3A_753 = arith.index_cast %parallel_loop3A_752 : i32 to index
        %parallel_loop3A_754 = arith.index_cast %parallel_loop3A_730 : i32 to index
        %parallel_loop3A_755 = arith.constant 48 : index
        %parallel_loop3A_756 = tpu.vector_load %arg6[%parallel_loop3A_753, %parallel_loop3A_754, %parallel_loop3A_755] {strides = array<i32>} : memref<2x640x64xf32, #tpu.memory_space<vmem>>, vector<1x1x16xf32>,
        %parallel_loop3A_757 = vector.shape_cast %parallel_loop3A_756 : vector<1x1x16xf32> to vector<16xf32>
        %parallel_loop3A_758 = arith.addf %parallel_loop3A_726, %parallel_loop3A_757 : vector<16xf32>
        %parallel_loop3A_759 = arith.constant 20 : i32
        %parallel_loop3A_760 = arith.muli %parallel_loop3A_174, %parallel_loop3A_759 : i32
        %parallel_loop3A_761 = arith.constant 18 : i32
        %parallel_loop3A_762 = arith.addi %parallel_loop3A_760, %parallel_loop3A_761 : i32
        %parallel_loop3A_763 = arith.constant 1 : i32
        %parallel_loop3A_764 = arith.index_cast %parallel_loop3A_763 : i32 to index
        %parallel_loop3A_765 = arith.index_cast %parallel_loop3A_762 : i32 to index
        %parallel_loop3A_766 = arith.constant 0 : index
        %parallel_loop3A_767 = tpu.vector_load %arg6[%parallel_loop3A_764, %parallel_loop3A_765, %parallel_loop3A_766] {strides = array<i32>} : memref<2x640x64xf32, #tpu.memory_space<vmem>>, vector<1x1x16xf32>,
        %parallel_loop3A_768 = vector.shape_cast %parallel_loop3A_767 : vector<1x1x16xf32> to vector<16xf32>
        %parallel_loop3A_769 = arith.addf %parallel_loop3A_737, %parallel_loop3A_768 : vector<16xf32>
        %parallel_loop3A_770 = arith.constant 1 : i32
        %parallel_loop3A_771 = arith.index_cast %parallel_loop3A_770 : i32 to index
        %parallel_loop3A_772 = arith.index_cast %parallel_loop3A_762 : i32 to index
        %parallel_loop3A_773 = arith.constant 16 : index
        %parallel_loop3A_774 = tpu.vector_load %arg6[%parallel_loop3A_771, %parallel_loop3A_772, %parallel_loop3A_773] {strides = array<i32>} : memref<2x640x64xf32, #tpu.memory_space<vmem>>, vector<1x1x16xf32>,
        %parallel_loop3A_775 = vector.shape_cast %parallel_loop3A_774 : vector<1x1x16xf32> to vector<16xf32>
        %parallel_loop3A_776 = arith.addf %parallel_loop3A_744, %parallel_loop3A_775 : vector<16xf32>
        %parallel_loop3A_777 = arith.constant 1 : i32
        %parallel_loop3A_778 = arith.index_cast %parallel_loop3A_777 : i32 to index
        %parallel_loop3A_779 = arith.index_cast %parallel_loop3A_762 : i32 to index
        %parallel_loop3A_780 = arith.constant 32 : index
        %parallel_loop3A_781 = tpu.vector_load %arg6[%parallel_loop3A_778, %parallel_loop3A_779, %parallel_loop3A_780] {strides = array<i32>} : memref<2x640x64xf32, #tpu.memory_space<vmem>>, vector<1x1x16xf32>,
        %parallel_loop3A_782 = vector.shape_cast %parallel_loop3A_781 : vector<1x1x16xf32> to vector<16xf32>
        %parallel_loop3A_783 = arith.addf %parallel_loop3A_751, %parallel_loop3A_782 : vector<16xf32>
        %parallel_loop3A_784 = arith.constant 1 : i32
        %parallel_loop3A_785 = arith.index_cast %parallel_loop3A_784 : i32 to index
        %parallel_loop3A_786 = arith.index_cast %parallel_loop3A_762 : i32 to index
        %parallel_loop3A_787 = arith.constant 48 : index
        %parallel_loop3A_788 = tpu.vector_load %arg6[%parallel_loop3A_785, %parallel_loop3A_786, %parallel_loop3A_787] {strides = array<i32>} : memref<2x640x64xf32, #tpu.memory_space<vmem>>, vector<1x1x16xf32>,
        %parallel_loop3A_789 = vector.shape_cast %parallel_loop3A_788 : vector<1x1x16xf32> to vector<16xf32>
        %parallel_loop3A_790 = arith.addf %parallel_loop3A_758, %parallel_loop3A_789 : vector<16xf32>
        %parallel_loop3A_791 = arith.constant 20 : i32
        %parallel_loop3A_792 = arith.muli %parallel_loop3A_174, %parallel_loop3A_791 : i32
        %parallel_loop3A_793 = arith.constant 19 : i32
        %parallel_loop3A_794 = arith.addi %parallel_loop3A_792, %parallel_loop3A_793 : i32
        %parallel_loop3A_795 = arith.constant 1 : i32
        %parallel_loop3A_796 = arith.index_cast %parallel_loop3A_795 : i32 to index
        %parallel_loop3A_797 = arith.index_cast %parallel_loop3A_794 : i32 to index
        %parallel_loop3A_798 = arith.constant 0 : index
        %parallel_loop3A_799 = tpu.vector_load %arg6[%parallel_loop3A_796, %parallel_loop3A_797, %parallel_loop3A_798] {strides = array<i32>} : memref<2x640x64xf32, #tpu.memory_space<vmem>>, vector<1x1x16xf32>,
        %parallel_loop3A_800 = vector.shape_cast %parallel_loop3A_799 : vector<1x1x16xf32> to vector<16xf32>
        %parallel_loop3A_801 = arith.addf %parallel_loop3A_769, %parallel_loop3A_800 : vector<16xf32>
        %parallel_loop3A_802 = arith.constant 1 : i32
        %parallel_loop3A_803 = arith.index_cast %parallel_loop3A_802 : i32 to index
        %parallel_loop3A_804 = arith.index_cast %parallel_loop3A_794 : i32 to index
        %parallel_loop3A_805 = arith.constant 16 : index
        %parallel_loop3A_806 = tpu.vector_load %arg6[%parallel_loop3A_803, %parallel_loop3A_804, %parallel_loop3A_805] {strides = array<i32>} : memref<2x640x64xf32, #tpu.memory_space<vmem>>, vector<1x1x16xf32>,
        %parallel_loop3A_807 = vector.shape_cast %parallel_loop3A_806 : vector<1x1x16xf32> to vector<16xf32>
        %parallel_loop3A_808 = arith.addf %parallel_loop3A_776, %parallel_loop3A_807 : vector<16xf32>
        %parallel_loop3A_809 = arith.constant 1 : i32
        %parallel_loop3A_810 = arith.index_cast %parallel_loop3A_809 : i32 to index
        %parallel_loop3A_811 = arith.index_cast %parallel_loop3A_794 : i32 to index
        %parallel_loop3A_812 = arith.constant 32 : index
        %parallel_loop3A_813 = tpu.vector_load %arg6[%parallel_loop3A_810, %parallel_loop3A_811, %parallel_loop3A_812] {strides = array<i32>} : memref<2x640x64xf32, #tpu.memory_space<vmem>>, vector<1x1x16xf32>,
        %parallel_loop3A_814 = vector.shape_cast %parallel_loop3A_813 : vector<1x1x16xf32> to vector<16xf32>
        %parallel_loop3A_815 = arith.addf %parallel_loop3A_783, %parallel_loop3A_814 : vector<16xf32>
        %parallel_loop3A_816 = arith.constant 1 : i32
        %parallel_loop3A_817 = arith.index_cast %parallel_loop3A_816 : i32 to index
        %parallel_loop3A_818 = arith.index_cast %parallel_loop3A_794 : i32 to index
        %parallel_loop3A_819 = arith.constant 48 : index
        %parallel_loop3A_820 = tpu.vector_load %arg6[%parallel_loop3A_817, %parallel_loop3A_818, %parallel_loop3A_819] {strides = array<i32>} : memref<2x640x64xf32, #tpu.memory_space<vmem>>, vector<1x1x16xf32>,
        %parallel_loop3A_821 = vector.shape_cast %parallel_loop3A_820 : vector<1x1x16xf32> to vector<16xf32>
        %parallel_loop3A_822 = arith.addf %parallel_loop3A_790, %parallel_loop3A_821 : vector<16xf32>
        %parallel_loop3A_823 = arith.constant 5.000000e-02 : f32
        %parallel_loop3A_824 = vector.broadcast %parallel_loop3A_823 : f32 to vector<16xf32>
        %parallel_loop3A_825 = arith.mulf %parallel_loop3A_801, %parallel_loop3A_824 : vector<16xf32>
        %parallel_loop3A_826 = arith.constant 1 : i32
        %parallel_loop3A_827 = arith.index_cast %parallel_loop3A_826 : i32 to index
        %parallel_loop3A_828 = arith.index_cast %parallel_loop3A_174 : i32 to index
        %parallel_loop3A_829 = arith.constant 0 : index
        %parallel_loop3A_830 = tpu.vector_load %arg7[%parallel_loop3A_827, %parallel_loop3A_828, %parallel_loop3A_829] {strides = array<i32>} : memref<2x32x64xf32, #tpu.memory_space<vmem>>, vector<1x1x16xf32>,
        %parallel_loop3A_831 = vector.shape_cast %parallel_loop3A_830 : vector<1x1x16xf32> to vector<16xf32>
        %parallel_loop3A_832 = vector.shape_cast %parallel_loop3A_825 : vector<16xf32> to vector<1x1x16xf32>
        tpu.vector_store %arg7[%parallel_loop3A_827, %parallel_loop3A_828, %parallel_loop3A_829], %parallel_loop3A_832 {strides = array<i32>} : memref<2x32x64xf32, #tpu.memory_space<vmem>>, vector<1x1x16xf32>,
        %parallel_loop3A_833 = arith.constant 5.000000e-02 : f32
        %parallel_loop3A_834 = vector.broadcast %parallel_loop3A_833 : f32 to vector<16xf32>
        %parallel_loop3A_835 = arith.mulf %parallel_loop3A_808, %parallel_loop3A_834 : vector<16xf32>
        %parallel_loop3A_836 = arith.constant 1 : i32
        %parallel_loop3A_837 = arith.index_cast %parallel_loop3A_836 : i32 to index
        %parallel_loop3A_838 = arith.index_cast %parallel_loop3A_174 : i32 to index
        %parallel_loop3A_839 = arith.constant 16 : index
        %parallel_loop3A_840 = tpu.vector_load %arg7[%parallel_loop3A_837, %parallel_loop3A_838, %parallel_loop3A_839] {strides = array<i32>} : memref<2x32x64xf32, #tpu.memory_space<vmem>>, vector<1x1x16xf32>,
        %parallel_loop3A_841 = vector.shape_cast %parallel_loop3A_840 : vector<1x1x16xf32> to vector<16xf32>
        %parallel_loop3A_842 = vector.shape_cast %parallel_loop3A_835 : vector<16xf32> to vector<1x1x16xf32>
        tpu.vector_store %arg7[%parallel_loop3A_837, %parallel_loop3A_838, %parallel_loop3A_839], %parallel_loop3A_842 {strides = array<i32>} : memref<2x32x64xf32, #tpu.memory_space<vmem>>, vector<1x1x16xf32>,
        %parallel_loop3A_843 = arith.constant 5.000000e-02 : f32
        %parallel_loop3A_844 = vector.broadcast %parallel_loop3A_843 : f32 to vector<16xf32>
        %parallel_loop3A_845 = arith.mulf %parallel_loop3A_815, %parallel_loop3A_844 : vector<16xf32>
        %parallel_loop3A_846 = arith.constant 1 : i32
        %parallel_loop3A_847 = arith.index_cast %parallel_loop3A_846 : i32 to index
        %parallel_loop3A_848 = arith.index_cast %parallel_loop3A_174 : i32 to index
        %parallel_loop3A_849 = arith.constant 32 : index
        %parallel_loop3A_850 = tpu.vector_load %arg7[%parallel_loop3A_847, %parallel_loop3A_848, %parallel_loop3A_849] {strides = array<i32>} : memref<2x32x64xf32, #tpu.memory_space<vmem>>, vector<1x1x16xf32>,
        %parallel_loop3A_851 = vector.shape_cast %parallel_loop3A_850 : vector<1x1x16xf32> to vector<16xf32>
        %parallel_loop3A_852 = vector.shape_cast %parallel_loop3A_845 : vector<16xf32> to vector<1x1x16xf32>
        tpu.vector_store %arg7[%parallel_loop3A_847, %parallel_loop3A_848, %parallel_loop3A_849], %parallel_loop3A_852 {strides = array<i32>} : memref<2x32x64xf32, #tpu.memory_space<vmem>>, vector<1x1x16xf32>,
        %parallel_loop3A_853 = arith.constant 5.000000e-02 : f32
        %parallel_loop3A_854 = vector.broadcast %parallel_loop3A_853 : f32 to vector<16xf32>
        %parallel_loop3A_855 = arith.mulf %parallel_loop3A_822, %parallel_loop3A_854 : vector<16xf32>
        %parallel_loop3A_856 = arith.constant 1 : i32
        %parallel_loop3A_857 = arith.index_cast %parallel_loop3A_856 : i32 to index
        %parallel_loop3A_858 = arith.index_cast %parallel_loop3A_174 : i32 to index
        %parallel_loop3A_859 = arith.constant 48 : index
        %parallel_loop3A_860 = tpu.vector_load %arg7[%parallel_loop3A_857, %parallel_loop3A_858, %parallel_loop3A_859] {strides = array<i32>} : memref<2x32x64xf32, #tpu.memory_space<vmem>>, vector<1x1x16xf32>,
        %parallel_loop3A_861 = vector.shape_cast %parallel_loop3A_860 : vector<1x1x16xf32> to vector<16xf32>
        %parallel_loop3A_862 = vector.shape_cast %parallel_loop3A_855 : vector<16xf32> to vector<1x1x16xf32>
        tpu.vector_store %arg7[%parallel_loop3A_857, %parallel_loop3A_858, %parallel_loop3A_859], %parallel_loop3A_862 {strides = array<i32>} : memref<2x32x64xf32, #tpu.memory_space<vmem>>, vector<1x1x16xf32>,
      } {sc.loop_unroll_factor = 2 : i64, sc.parallel_access}
      %mul3A_170 = arith.constant 32 : i32
      %mul3A_171 = arith.muli %add3A_166, %mul3A_170 : i32
      %add3A_172 = arith.addi %mul3A_2, %mul3A_171 : i32
      %run_scoped3A_173 = arith.constant 1 : i32
      "tpu.region"() ({
        %run_scoped3A_174 = tpu.sem_alloc : memref<!tpu.dma_semaphore, #tpu.memory_space<semaphore_mem>>
        %dma_start3A_175 = arith.constant 0 : i32
        %dma_start3A_176 = arith.constant 0 : i32
        %dma_start3A_177 = tpu.memref_slice %arg7[%run_scoped3A_173, %dma_start3A_175, %dma_start3A_176] : memref<2x32x64xf32, #tpu.memory_space<vmem>> -> memref<1x32x64xf32, #tpu.memory_space<vmem>>
        %dma_start3A_178 = tpu.memref_squeeze %dma_start3A_177 : memref<1x32x64xf32, #tpu.memory_space<vmem>> -> memref<32x64xf32, #tpu.memory_space<vmem>>
        %dma_start3A_179 = arith.constant 0 : i32
        %dma_start3A_180 = tpu.memref_slice %arg4[%add3A_172, %dma_start3A_179] : memref<16384x64xf32, #tpu.memory_space<hbm>> -> memref<32x64xf32, #tpu.memory_space<hbm>>
        %dma_start3A_181 = arith.constant 0 : i32
        %dma_start3A_182 = tpu.memref_slice %arg4[%add3A_172, %dma_start3A_181] : memref<16384x64xf32, #tpu.memory_space<hbm>> -> memref<32x64xf32, #tpu.memory_space<hbm>>
        %dma_start3A_183 = arith.constant 0 : i32
        %dma_start3A_184 = arith.constant 0 : i32
        %dma_start3A_185 = tpu.memref_slice %arg7[%run_scoped3A_173, %dma_start3A_183, %dma_start3A_184] : memref<2x32x64xf32, #tpu.memory_space<vmem>> -> memref<1x32x64xf32, #tpu.memory_space<vmem>>
        %dma_start3A_186 = tpu.memref_squeeze %dma_start3A_185 : memref<1x32x64xf32, #tpu.memory_space<vmem>> -> memref<32x64xf32, #tpu.memory_space<vmem>>
        tpu.enqueue_dma source(%dma_start3A_186 : memref<32x64xf32, #tpu.memory_space<vmem>>) target(%dma_start3A_182 : memref<32x64xf32, #tpu.memory_space<hbm>>) target_semaphore(%run_scoped3A_174 : memref<!tpu.dma_semaphore, #tpu.memory_space<semaphore_mem>>)
        %dma_wait3A_187 = arith.constant 0 : i32
        %dma_wait3A_188 = arith.constant 0 : i32
        %dma_wait3A_189 = tpu.memref_slice %arg7[%run_scoped3A_173, %dma_wait3A_187, %dma_wait3A_188] : memref<2x32x64xf32, #tpu.memory_space<vmem>> -> memref<1x32x64xf32, #tpu.memory_space<vmem>>
        %dma_wait3A_190 = tpu.memref_squeeze %dma_wait3A_189 : memref<1x32x64xf32, #tpu.memory_space<vmem>> -> memref<32x64xf32, #tpu.memory_space<vmem>>
        %dma_wait3A_191 = arith.constant 0 : i32
        %dma_wait3A_192 = tpu.memref_slice %arg4[%add3A_172, %dma_wait3A_191] : memref<16384x64xf32, #tpu.memory_space<hbm>> -> memref<32x64xf32, #tpu.memory_space<hbm>>
        %dma_wait3A_193 = arith.constant 0 : i32
        %dma_wait3A_194 = tpu.memref_slice %arg4[%add3A_172, %dma_wait3A_193] : memref<16384x64xf32, #tpu.memory_space<hbm>> -> memref<32x64xf32, #tpu.memory_space<hbm>>
        %dma_wait3A_195 = arith.constant 0 : i32
        %dma_wait3A_196 = arith.constant 0 : i32
        %dma_wait3A_197 = tpu.memref_slice %arg7[%run_scoped3A_173, %dma_wait3A_195, %dma_wait3A_196] : memref<2x32x64xf32, #tpu.memory_space<vmem>> -> memref<1x32x64xf32, #tpu.memory_space<vmem>>
        %dma_wait3A_198 = tpu.memref_squeeze %dma_wait3A_197 : memref<1x32x64xf32, #tpu.memory_space<vmem>> -> memref<32x64xf32, #tpu.memory_space<vmem>>
        tpu.wait_dma2 semaphore(%run_scoped3A_174 : memref<!tpu.dma_semaphore, #tpu.memory_space<semaphore_mem>>) src(%dma_wait3A_198 : memref<32x64xf32, #tpu.memory_space<vmem>>) dst(%dma_wait3A_194 : memref<32x64xf32, #tpu.memory_space<hbm>>)
        tpu.yield
      }) : () -> ()
    }
    %scan3A_58 = arith.constant 8 : i32
    return
  }
}

</mosaic_0001>

<sc_bundles>
// kernel: _run.3.cloned.1.call-start
scs
__scs_entry_jumppad:
0x0: {  	(pc) =	sbr.rel $0x88, $3  }
0x1: {  	(tag) =	ssettag $0x0;
	lr =	simm.s32 $0x1  }
0x2: {  	[smem:$0x3F9F] =	sst lr;
	_ =	strace $0xD0000000  }
0x3: {  	_ = 	snop  }
0x4: {  	_ = 	snop  }
0x5: {  	_ = 	snop  }
0x6: {  	_ = 	snop  }
0x7: {  	_ = 	snop  }
__scs_overlays_trampoline_lowered:
0x8: {  	[smem:$0x3FAE] =	sst s0  }
0x9: {  	[smem:$0x3FAF] =	sst s1  }
0xa: {  	[smem:$0x3FB0] =	sst s2  }
0xb: {  	[smem:$0x3FB1] =	sst s3  }
0xc: {  	[smem:$0x3FB2] =	sst s4  }
0xd: {  	[smem:$0x3FB3] =	sst s5  }
0xe: {  	[smem:$0x3FB4] =	sst s6  }
0xf: {  	[smem:$0x3FB5] =	sst s7  }
0x10: {  	[smem:$0x3FB6] =	sst s8  }
0x11: {  	[smem:$0x3FB7] =	sst s9;
	s0 =	simm.s32 @!p0 $0x0  }
0x12: {  	s1 =	sld [smem:$0x3F9D];
	s0 =	simm.s32 @p0 $0x1  }
0x13: {  	[smem:$0x3FB8] =	sst s0;
	s0 =	simm.s32 @!p1 $0x0  }
0x14: {  	s2 =	sld [smem:$0x3F9C];
	s0 =	simm.s32 @p1 $0x1  }
0x15: {  	[smem:$0x3FB9] =	sst s0;
	s0 =	simm.s32 @!p2 $0x0  }
0x16: {  	s3 =	sld [smem:$0x3FDB];
	s0 =	simm.s32 @p2 $0x1  }
0x17: {  	s4 =	simm.s32 $0x1BF5;
	[smem:$0x3FBB] =	sst s0  }
0x18: {  	s0 =	sld [smem:$0x3F9E];
	_ =	swait.ge [sflag:s4], $0x0  }
0x19: {  	s7 =	sld [smem:$0x3F9F]  }
0x1a: {  	s8 =	sadd.s32 $0xFFFFE003, lr  }
0x1b: {  	s9 =	sadd.s32 $0xFFFFFEF7, lr;
	s5 =	simm.s32 $0xFFFFFFFF;
	p2 =	slt.u32 s8, $0xFFFFF086  }
0x1c: {  	p1 =	slt.u32 s9, $0xF7A;
	s5 =	simm.s32 @!p2 $0x0  }
0x1d: {  	s5 =	simm.s32 @p1 $0x1;
	p0 =	seq.s32 s7, s2  }
0x1e: {  	s7 =	smul.u32 @!p0 $0xF7A, s2;
	p2 =	seq.s32 @!p0 s5, $0x0  }
0x1f: {  	s9 =	smul.u32 $0xF7A, s1;
	s8 =	simm.s32 @!p0 $0x1BF5;
	p2 =	por !p2, p0  }
0x20: {  	[sflag:s8] =	ssyncset.s32 @!p0 $0xFFFFF086;
	s6 =	sadd.s32 @!p0 s3, s7;
	s7 =	simm.s32 @!p0 $0x108  }
0x21: {  	s3 =	sadd.s32 s3, s9;
	s6 =	sadd.s32 @!p0 $0x88, s6;
	s7 =	simm.s32 @p2 $0x1082  }
0x22: {  	[simem:s7], [sflag:s8] =	dma.local @!p0 [hbm:s6], $0xF7A  }
0x23: {  	s9 =	sor.u32 $0xD0000000, s2;
	s6 =	simm.s32 $0x108;
	_ =	swait.ge @!p0 [sflag:s8], $0x0  }
0x24: {  	s3 =	sadd.s32 $0x88, s3;
	s6 =	simm.s32 @!p1 $0x1082;
	[sflag:s4] =	ssyncset.s32 $0xFFFFF086  }
0x25: {  	[simem:s6], [sflag:s4] =	dma.local [hbm:s3], $0xF7A  }
0x26: {  	[smem:$0x3F9F] =	sst s1;
	(tag) =	ssettag s2;
	_ =	strace s9  }
0x27: {  	s1 =	sld [smem:$0x3FAF]  }
0x28: {  	s2 =	sld [smem:$0x3FB0]  }
0x29: {  	s4 =	sld [smem:$0x3FB2]  }
0x2a: {  	p0 =	seq.s32 s5, $0x0;
	s5 =	sld [smem:$0x3FB3]  }
0x2b: {  	s6 =	sld [smem:$0x3FB4]  }
0x2c: {  	s7 =	sld [smem:$0x3FB5]  }
0x2d: {  	s3 =	simm.s32 $0x108;
	s8 =	sld [smem:$0x3FB6]  }
0x2e: {  	s3 =	simm.s32 @!p0 $0x1082;
	s9 =	sld [smem:$0x3FB7]  }
0x2f: {  	lr =	sadd.s32 s0, s3;
	s0 =	sld [smem:$0x3FAE]  }
0x30: {  	s3 =	sld [smem:$0x3FB1]  }
0x31: {  	[smem:$0x3FBA] =	sst s10  }
0x32: {  	s10 =	sld [smem:$0x3FB8];
	_ =	sdelay $0x3  }
0x33: {  	p0 =	seq.s32 s10, $0x1;
	s10 =	sld [smem:$0x3FBA];
	_ =	sdelay $0x3  }
0x34: {  	[smem:$0x3FBA] =	sst s10  }
0x35: {  	s10 =	sld [smem:$0x3FB9];
	_ =	sdelay $0x3  }
0x36: {  	p1 =	seq.s32 s10, $0x1;
	s10 =	sld [smem:$0x3FBA];
	_ =	sdelay $0x3  }
0x37: {  	[smem:$0x3FBA] =	sst s10  }
0x38: {  	s10 =	sld [smem:$0x3FBB]  }
0x39: {  	_ = 	snop;
	(pc) =	sbr.ind lr, $3  }
0x3a: {  	_ = 	snop  }
0x3b: {  	_ = 	snop  }
0x3c: {  	p2 =	seq.s32 s10, $0x1;
	s10 =	sld [smem:$0x3FBA]  }
0x3d: {  	_ =	shalt  }
0x3e: {  	_ =	shalt  }
0x3f: {  	_ =	shalt  }
0x40: {  	_ =	shalt  }
0x41: {  	_ =	shalt  }
0x42: {  	_ =	shalt  }
0x43: {  	_ =	shalt  }
0x44: {  	_ =	shalt  }
0x45: {  	_ =	shalt  }
0x46: {  	_ =	shalt  }
0x47: {  	_ =	shalt  }
0x48: {  	_ =	shalt  }
0x49: {  	_ =	shalt  }
0x4a: {  	_ =	shalt  }
0x4b: {  	_ =	shalt  }
0x4c: {  	_ =	shalt  }
0x4d: {  	_ =	shalt  }
0x4e: {  	_ =	shalt  }
0x4f: {  	_ =	shalt  }
0x50: {  	_ =	shalt  }
0x51: {  	_ =	shalt  }
0x52: {  	_ =	shalt  }
0x53: {  	_ =	shalt  }
0x54: {  	_ =	shalt  }
0x55: {  	_ =	shalt  }
0x56: {  	_ =	shalt  }
0x57: {  	_ =	shalt  }
0x58: {  	_ =	shalt  }
0x59: {  	_ =	shalt  }
0x5a: {  	_ =	shalt  }
0x5b: {  	_ =	shalt  }
0x5c: {  	_ =	shalt  }
0x5d: {  	_ =	shalt  }
0x5e: {  	_ =	shalt  }
0x5f: {  	_ =	shalt  }
0x60: {  	_ =	shalt  }
0x61: {  	_ =	shalt  }
0x62: {  	_ =	shalt  }
0x63: {  	_ =	shalt  }
0x64: {  	_ =	shalt  }
0x65: {  	_ =	shalt  }
0x66: {  	_ =	shalt  }
0x67: {  	_ =	shalt  }
0x68: {  	_ =	shalt  }
0x69: {  	_ =	shalt  }
0x6a: {  	_ =	shalt  }
0x6b: {  	_ =	shalt  }
0x6c: {  	_ =	shalt  }
0x6d: {  	_ =	shalt  }
0x6e: {  	_ =	shalt  }
0x6f: {  	_ =	shalt  }
0x70: {  	_ =	shalt  }
0x71: {  	_ =	shalt  }
0x72: {  	_ =	shalt  }
0x73: {  	_ =	shalt  }
0x74: {  	_ =	shalt  }
0x75: {  	_ =	shalt  }
0x76: {  	_ =	shalt  }
0x77: {  	_ =	shalt  }
0x78: {  	_ =	shalt  }
0x79: {  	_ =	shalt  }
0x7a: {  	_ =	shalt  }
0x7b: {  	_ =	shalt  }
0x7c: {  	_ =	shalt  }
0x7d: {  	_ =	shalt  }
0x7e: {  	_ =	shalt  }
0x7f: {  	_ =	shalt  }
0x80: {  	_ =	shalt  }
0x81: {  	_ =	shalt  }
0x82: {  	_ =	shalt  }
0x83: {  	_ =	shalt  }
0x84: {  	_ =	shalt  }
0x85: {  	_ =	shalt  }
0x86: {  	_ =	shalt  }
0x87: {  	_ =	shalt  }
.Lfunc_end0:
.L_simem_size_0:
called_computation_lowered:
.L_overlay_start_0:
0x88: {  	s2 =	sld [smem:$0x3FD9]  }
0x89: {  	s3 =	sld [smem:$0x3FFE];
	_ =	sdelay $0x1  }
0x8a: {  	s1 =	srdreg.scid  }
0x8b: {  	s0 =	sand.u32 $0x1, s1  }
0x8c: {  	s17 =	sshll.u32 s0, $0xA;
	s2 =	sadd.s32 s3, s2  }
0x8d: {  	s2 =	sadd.s32 s2, s17  }
0x8e: {  	[smem:$0x3FC6] =	sst s2  }
0x8f: {  	_ = 	snop  }
0x90: {  	s2 =	sld [smem:$0x3FC9]  }
0x91: {  	s18 =	sld [smem:$0x3FD0];
	(tm) =	ssettm $0x1  }
0x92: {  	s4 =	sld [smem:$0x3FFB];
	_ =	sdelay $0x3  }
0x93: {  	_ =	strace s4  }
0x94: {  	s4 =	sld [smem:$0x3FFC];
	_ =	sdelay $0x3  }
0x95: {  	_ =	strace s4  }
0x96: {  	s4 =	sld [smem:$0x3FFD];
	_ =	sdelay $0x3  }
0x97: {  	_ =	strace s4  }
0x98: {  	_ =	strace $0x8FFFFFFF  }
0x99: {  	s19 =	sld [smem:$0x3FDB];
	_ =	sdelay $0x1  }
0x9a: {  	s5 =	simm.s32 $_scs_section_size  }
0x9b: {  	s6 =	simm.s32 $_size__tile_overlayer_lowered;
	s7 =	simm.s32 $_tile_overlayer_lowered  }
0x9c: {  	s22 =	simm.s32 $0x1BFF;
	s21 =	sshll.u32 s7, $0x1;
	s4 =	sadd.s32 s5, s19  }
0x9d: {  	s8 =	simm.s32 $0x0;
	s20 =	sshll.u32 s6, $0x1;
	s6 =	sadd.s32 s21, s4  }
0x9e: {  	[timem:s8], [sflag:s22] =	dma.local [hbm:s6], s20  }
0x9f: {  	_ =	swait.ge [sflag:s22], s20  }
0xa0: {  	s5 =	ssub.s32 $0x0, s20;
	[sflag:s22] =	ssyncset.done $0x0  }
0xa1: {  	[sflag:s22] =	ssyncadd.s32 s5;
	_ =	sdelay $0x1  }
0xa2: {  	s23 =	simm.s32 $0x1B8B  }
0xa3: {  	_ =	swait.ge [sflag:s23], $0x1  }
0xa4: {  	[sflag:s23] =	ssyncset.done $0x0  }
0xa5: {  	s25 =	simm.s32 $0x1B8E;
	s24 =	sld [smem:$0x3FFE];
	[sflag:s23] =	ssyncadd.s32 $0xFFFFFFFF  }
0xa6: {  	s26 =	simm.s32 $execute0_lowered;
	[smem:$0x3FD2] =	sst s25  }
0xa7: {  	s6 =	sshll.u32 s26, $0x1;
	_ =	strace $0x80000046;
	[dreg:$0x1] =	wrdreg $0xFFFFFFFF  }
0xa8: {  	s28 =	simm.s32 $_size_execute0_lowered;
	s4 =	sadd.s32 s4, s6;
	[dreg:$0x0] =	wrdreg $0x0  }
0xa9: {  	s6 =	sshll.u32 s28, $0x1;
	[dreg:$0x2] =	wrdreg s4  }
0xaa: {  	[dreg:$0x3] =	wrdreg s6  }
0xab: {  	[dreg:$0x4] =	wrdreg $0xC0  }
0xac: {  	_ =	task [dreg:s8], $0x5FFFF  }
0xad: {  	[dreg:$0x1] =	wrdreg $0xFFFFFFFF  }
0xae: {  	[dreg:$0x0] =	wrdreg $0x60  }
0xaf: {  	[dreg:$0x2] =	wrdreg s2  }
0xb0: {  	[dreg:$0x3] =	wrdreg s24  }
0xb1: {  	[dreg:$0x4] =	wrdreg s18  }
0xb2: {  	[dreg:$0x5] =	wrdreg $0x9  }
0xb3: {  	_ =	task.clear_ibuf [dreg:s8], $0x6FFFF;
	_ =	strace $0x90000046  }
0xb4: {  	s29 =	simm.s32 $0x9;
	_ =	strace $0x80000048  }
0xb5: {  	_ =	swait.ge [sflag:s29], $0x1  }
0xb6: {  	[sflag:s29] =	ssyncadd.s32 $0xFFFFFFFF  }
0xb7: {  	_ =	strace $0x90000048  }
0xb8: {  	_ =	sfence  }
0xb9: {  	s30 =	sld [smem:$0x0];
	_ =	sdelay $0x2  }
0xba: {  	s31 =	sshll.u32 s1, $0xD;
	s1 =	sshrl.u32 s1, $0x2  }
0xbb: {  	s3 =	sand.u32 $0x4000, s31;
	s1 =	sadd.s32 s1, s30  }
0xbc: {  	s0 =	sor.u32 s3, s0;
	s1 =	sshll.u32 s1, $0x11  }
0xbd: {  	s0 =	sor.u32 s1, s0  }
0xbe: {  	s0 =	sadd.s32 $0x8F2B, s0  }
0xbf: {  	[sflag:s0] =	ssyncadd.remote.s32 $0x1  }
0xc0: {  	_ =	sfence.sel $0xFFFF  }
0xc1: {  	[dreg:$0x0] =	wrdreg $0xFFFFFFFF;
	(pc) =	sbr.abs _section_cstart, $3  }
0xc2: {  	[dreg:$0x1] =	wrdreg $0xFFFFFFFF  }
0xc3: {  	_ =	task.clear_ibuf [dreg:s8], $0x2FFFF;
	_ =	strace $0x9FFFFFFF  }
0xc4: {  	(tm) =	ssettm $0x7FFFFFFF  }
0xc5: {  	_ =	shalt  }
tec
execute0_lowered:
.L_overlay_start_1:
0x0: {  	(tag) =	ssettag $0x1  }
0x1: {  	s0 =	rddreg [dreg:$0x0]  }
0x2: {  	s3 =	rddreg [dreg:$0x1]  }
0x3: {  	s5 =	rddreg [dreg:$0x2];
	s4 =	srdreg.scid  }
0x4: {  	s1 =	stileid.u32;
	s2 =	simm.s32 $0x0;
	s9 =	simm.s32 $0x2800  }
0x5: {  	s10 =	simm.s32 $0x4800;
	s11 =	simm.s32 $0x100;
	s12 =	simm.s32 $0x6800  }
0x6: {  	s13 =	simm.s32 $0x180;
	s14 =	simm.s32 $0x8800;
	s15 =	simm.s32 $0x200  }
0x7: {  	s16 =	simm.s32 $0xA800;
	s17 =	simm.s32 $0xC800;
	s18 =	simm.s32 $0xE800  }
0x8: {  	s19 =	simm.s32 $0x10800;
	s20 =	simm.s32 $0x12800;
	s21 =	simm.s32 $0x14800  }
0x9: {  	s22 =	simm.s32 $0x1;
	s23 =	simm.s32 $0x16800;
	s24 =	simm.s32 $0x2  }
0xa: {  	s25 =	simm.s32 $0x17000;
	s4 =	sand.u32 $0x1, s4;
	s6 =	sshll.u32 s1, $0x1  }
0xb: {  	s26 =	simm.s32 $0x0;
	[smem:$0x7FF] =	sst s2;
	s6 =	sor.u32 s4, s6  }
0xc: {  	s3 =	sadd.s32 $0xF43400, s3;
	s4 =	ssub.s32 $0x2, s4;
	s7 =	smul.u32 $0x500, s6  }
0xd: {  	_ =	strace $0x80000047;
	s8 =	sshrl.u32 s4, $0x1;
	s6 =	sshll.u32 s6, $0xC  }
0xe: {  	s8 =	ssub.s32 s4, s8;
	s5 =	sadd.s32 s5, s6;
	s4 =	sadd.s32 s0, s7  }
0xf: {  	s6 =	smax.u32 s8, $0x1;
	s7 =	simm.s32 $0x3;
	s8 =	simm.s32 $0x80  }
.LBB2_1:
0x10: {  	[tilespmem:s2], [sflag:$0x3] =	stream.linear.gather [hbm4b:s4+s2], $0x2800, $0x38;
	[tilespmem:$0x17800] =	vst v63  }
0x11: {  	_ =	swait.ge [sflag:s7], $0x2800  }
0x12: {  	[sflag:s7] =	ssyncset.done $0x0  }
0x13: {  	[sflag:s7] =	ssyncadd.s32 $0xFFFFD800  }
0x14: {  	[tilespmem:s9], [sflag:$0x1] =	stream.indirect.gather [hbm4b:s3+s8], $0x40, s2, s8, $0xb8;
	[tilespmem:$0x17800] =	vst v63  }
0x15: {  	_ = 	snop  }
0x16: {  	[tilespmem:s10], [sflag:$0x1] =	stream.indirect.gather [hbm4b:s3+s8], $0x40, s8, s8, $0xb8;
	[tilespmem:$0x17800] =	vst v63  }
0x17: {  	_ = 	snop  }
0x18: {  	[tilespmem:s12], [sflag:$0x1] =	stream.indirect.gather [hbm4b:s3+s8], $0x40, s11, s8, $0xb8;
	[tilespmem:$0x17800] =	vst v63  }
0x19: {  	_ = 	snop  }
0x1a: {  	[tilespmem:s14], [sflag:$0x1] =	stream.indirect.gather [hbm4b:s3+s8], $0x40, s13, s8, $0xb8;
	[tilespmem:$0x17800] =	vst v63  }
0x1b: {  	s28 =	simm.s32 $0x0  }
0x1c: {  	[tilespmem:s16], [sflag:$0x1] =	stream.indirect.gather [hbm4b:s3+s8], $0x40, s15, s8, $0xb8;
	[tilespmem:$0x17800] =	vst v63  }
.LBB2_2:
0x1d: {  	s29 =	sshllo.u32 s28, $0x1  }
0x1e: {  	s0 =	smul.u32 $0xA00, s29;
	_ =	sdelay $0x1  }
0x1f: {  	s0 =	sshra.s32 s0, $0x2  }
0x20: {  	[tilespmem:s17], [sflag:$0x2] =	stream.indirect.gather [hbm4b:s3+s8], $0x40, s0, s8, $0xb8;
	[tilespmem:$0x17800] =	vst v63  }
0x21: {  	s30 =	sadd.s32 $0x80, s0  }
0x22: {  	[tilespmem:s18], [sflag:$0x2] =	stream.indirect.gather [hbm4b:s3+s8], $0x40, s30, s8, $0xb8;
	[tilespmem:$0x17800] =	vst v63  }
0x23: {  	s30 =	sadd.s32 $0x100, s0  }
0x24: {  	[tilespmem:s19], [sflag:$0x2] =	stream.indirect.gather [hbm4b:s3+s8], $0x40, s30, s8, $0xb8;
	[tilespmem:$0x17800] =	vst v63  }
0x25: {  	s30 =	sadd.s32 $0x180, s0  }
0x26: {  	[tilespmem:s20], [sflag:$0x2] =	stream.indirect.gather [hbm4b:s3+s8], $0x40, s30, s8, $0xb8;
	[tilespmem:$0x17800] =	vst v63  }
0x27: {  	s0 =	sadd.s32 $0x200, s0  }
0x28: {  	[tilespmem:s21], [sflag:$0x2] =	stream.indirect.gather [hbm4b:s3+s8], $0x40, s0, s8, $0xb8;
	[tilespmem:$0x17800] =	vst v63  }
0x29: {  	_ =	swait.ge [sflag:s22], $0xA000  }
0x2a: {  	[sflag:s22] =	ssyncset.done $0x0  }
0x2b: {  	s1 =	simm.s32 $0x2D00;
	[sflag:s22] =	ssyncadd.s32 $0xFFFF6000  }
0x2c: {  	v0 =	vld [tilespmem:s1+$0x4C0];
	_ =	sdelay $0x4  }
0x2d: {  	[tilespmem:$0x1FFD0] =	vst v0  }
0x2e: {  	v0 =	vld [tilespmem:s1+$0x4D0];
	_ =	sdelay $0x4  }
0x2f: {  	[tilespmem:$0x1FFE0] =	vst v0  }
0x30: {  	v0 =	vld [tilespmem:s1+$0x4E0];
	_ =	sdelay $0x4  }
0x31: {  	[tilespmem:$0x1FFF0] =	vst v0  }
0x32: {  	v0 =	vld [tilespmem:s1+$0x480];
	_ =	sdelay $0x4  }
0x33: {  	v24 =	vld [tilespmem:s1+$0x4F0];
	[tilespmem:$0x1FFA0] =	vst v0  }
0x34: {  	v0 =	vld [tilespmem:s1+$0x490];
	_ =	sdelay $0x4  }
0x35: {  	[tilespmem:$0x1FFB0] =	vst v0  }
0x36: {  	v0 =	vld [tilespmem:s1+$0x4A0];
	_ =	sdelay $0x4  }
0x37: {  	[tilespmem:$0x1FFC0] =	vst v0  }
0x38: {  	v0 =	vld [tilespmem:s1+$0x440];
	_ =	sdelay $0x4  }
0x39: {  	v36 =	vld [tilespmem:s1+$0x4B0];
	[tilespmem:$0x1FF70] =	vst v0  }
0x3a: {  	v0 =	vld [tilespmem:s1+$0x450];
	_ =	sdelay $0x4  }
0x3b: {  	[tilespmem:$0x1FF80] =	vst v0  }
0x3c: {  	v0 =	vld [tilespmem:s1+$0x460];
	_ =	sdelay $0x4  }
0x3d: {  	[tilespmem:$0x1FF90] =	vst v0  }
0x3e: {  	v0 =	vld [tilespmem:s1+$0x400];
	_ =	sdelay $0x4  }
0x3f: {  	v37 =	vld [tilespmem:s1+$0x470];
	[tilespmem:$0x1FF40] =	vst v0  }
0x40: {  	v0 =	vld [tilespmem:s1+$0x410];
	_ =	sdelay $0x4  }
0x41: {  	[tilespmem:$0x1FF50] =	vst v0  }
0x42: {  	v0 =	vld [tilespmem:s1+$0x420];
	_ =	sdelay $0x4  }
0x43: {  	[tilespmem:$0x1FF60] =	vst v0  }
0x44: {  	v38 =	vld [tilespmem:s1+$0x430]  }
0x45: {  	v14 =	vld [tilespmem:s1+$0x3C0]  }
0x46: {  	v13 =	vld [tilespmem:s1+$0x3D0]  }
0x47: {  	v12 =	vld [tilespmem:s1+$0x3E0]  }
0x48: {  	v39 =	vld [tilespmem:s1+$0x3F0]  }
0x49: {  	v17 =	vld [tilespmem:s1+$0x380]  }
0x4a: {  	v16 =	vld [tilespmem:s1+$0x390]  }
0x4b: {  	v15 =	vld [tilespmem:s1+$0x3A0]  }
0x4c: {  	v40 =	vld [tilespmem:s1+$0x3B0]  }
0x4d: {  	v20 =	vld [tilespmem:s1+$0x340]  }
0x4e: {  	v19 =	vld [tilespmem:s1+$0x350]  }
0x4f: {  	v18 =	vld [tilespmem:s1+$0x360]  }
0x50: {  	v41 =	vld [tilespmem:s1+$0x370]  }
0x51: {  	v23 =	vld [tilespmem:s1+$0x300]  }
0x52: {  	v22 =	vld [tilespmem:s1+$0x310]  }
0x53: {  	v21 =	vld [tilespmem:s1+$0x320]  }
0x54: {  	v42 =	vld [tilespmem:s1+$0x330]  }
0x55: {  	v43 =	vld [tilespmem:s1+$0x30]  }
0x56: {  	v27 =	vld [tilespmem:s1+$0x2C0]  }
0x57: {  	v44 =	vld [tilespmem:s1+$0x70]  }
0x58: {  	v26 =	vld [tilespmem:s1+$0x2D0]  }
0x59: {  	v45 =	vld [tilespmem:s1+$0xB0]  }
0x5a: {  	v25 =	vld [tilespmem:s1+$0x2E0]  }
0x5b: {  	v46 =	vld [tilespmem:s1+$0xF0]  }
0x5c: {  	v47 =	vld [tilespmem:s1+$0x2F0]  }
0x5d: {  	v48 =	vld [tilespmem:s1+$0x130]  }
0x5e: {  	v30 =	vld [tilespmem:s1+$0x280]  }
0x5f: {  	v49 =	vld [tilespmem:s1+$0x170]  }
0x60: {  	v29 =	vld [tilespmem:s1+$0x290]  }
0x61: {  	v50 =	vld [tilespmem:s1+$0x1B0]  }
0x62: {  	v28 =	vld [tilespmem:s1+$0x2A0]  }
0x63: {  	v51 =	vld [tilespmem:s1+$0x1F0]  }
0x64: {  	v52 =	vld [tilespmem:s1+$0x2B0]  }
0x65: {  	v53 =	vld [tilespmem:s1+$0x230]  }
0x66: {  	v33 =	vld [tilespmem:s1+$0x240]  }
0x67: {  	v54 =	vld [tilespmem:s1+$0x270]  }
0x68: {  	v32 =	vld [tilespmem:s1+$0x250]  }
0x69: {  	v31 =	vld [tilespmem:s1+$0x260]  }
0x6a: {  	v55 =	vld [tilespmem:s1+$0x200]  }
0x6b: {  	v35 =	vld [tilespmem:s1+$0x210]  }
0x6c: {  	v34 =	vld [tilespmem:s1+$0x220]  }
0x6d: {  	v56 =	vld [tilespmem:s1+$0x1C0]  }
0x6e: {  	v57 =	vld [tilespmem:s1+$0x1D0]  }
0x6f: {  	v58 =	vld [tilespmem:s1+$0x1E0]  }
0x70: {  	v59 =	vld [tilespmem:s1+$0x190]  }
0x71: {  	v60 =	vld [tilespmem:s1+$0x140]  }
0x72: {  	v61 =	vld [tilespmem:s1+$0x160]  }
0x73: {  	v62 =	vld [tilespmem:s1+$0x110]  }
0x74: {  	v63 =	vld [tilespmem:s1+$0xC0]  }
0x75: {  	v11 =	vld [tilespmem:s1+$0xE0];
	v43 =	vadd.f32 $0.0e+00, v43  }
0x76: {  	v10 =	vld [tilespmem:s1+$0x90]  }
0x77: {  	v2 =	vld [tilespmem:s1+$0x40];
	v43 =	vadd.f32 v44, v43  }
0x78: {  	v1 =	vld [tilespmem:s1+$0x60]  }
0x79: {  	v0 =	vld [tilespmem:s1+$0x10];
	v43 =	vadd.f32 v45, v43  }
0x7a: {  	v5 =	vld [tilespmem:s1+$0xFFFFFB10]  }
0x7b: {  	v6 =	vld [tilespmem:s1+$0xFFFFFB30];
	v43 =	vadd.f32 v46, v43  }
0x7c: {  	v3 =	vld [tilespmem:s1+$0xFFFFFB40]  }
0x7d: {  	v4 =	vld [tilespmem:s1+$0xFFFFFB60];
	v43 =	vadd.f32 v48, v43  }
0x7e: {  	v7 =	vld [tilespmem:s1+$0xFFFFFB80]  }
0x7f: {  	v8 =	vld [tilespmem:s1+$0xFFFFFBA0];
	v43 =	vadd.f32 v49, v43  }
0x80: {  	v9 =	vld [tilespmem:s1+$0xFFFFFBC0]  }
0x81: {  	v44 =	vld [tilespmem:s1+$0x180];
	v43 =	vadd.f32 v50, v43  }
0x82: {  	v45 =	vld [tilespmem:s1+$0x1A0]  }
0x83: {  	v46 =	vld [tilespmem:s1+$0x150];
	v43 =	vadd.f32 v51, v43  }
0x84: {  	v48 =	vld [tilespmem:s1+$0x100]  }
0x85: {  	v49 =	vld [tilespmem:s1+$0x120];
	v43 =	vadd.f32 v53, v43  }
0x86: {  	v50 =	vld [tilespmem:s1+$0xD0]  }
0x87: {  	v43 =	vadd.f32 v54, v43;
	v54 =	vld [tilespmem:s1+$0x50]  }
0x88: {  	v51 =	vld [tilespmem:s1+$0x80]  }
0x89: {  	v53 =	vld [tilespmem:s1+$0xA0];
	v43 =	vadd.f32 v52, v43  }
0x8a: {  	v0 =	vadd.f32 $0.0e+00, v0;
	v52 =	vld [tilespmem:s1+$0x0]  }
0x8b: {  	v43 =	vadd.f32 v47, v43;
	v47 =	vld [tilespmem:s1+$0x20]  }
0x8c: {  	v0 =	vadd.f32 v54, v0;
	v54 =	vld [tilespmem:s1+$0xFFFFFC20]  }
0x8d: {  	v42 =	vadd.f32 v42, v43;
	v43 =	vld [tilespmem:s1+$0xFFFFFB20]  }
0x8e: {  	v0 =	vadd.f32 v10, v0;
	v10 =	vld [tilespmem:s1+$0xFFFFFC00]  }
0x8f: {  	v41 =	vadd.f32 v41, v42;
	v42 =	vld [tilespmem:s1+$0xFFFFFB00]  }
0x90: {  	v47 =	vadd.f32 $0.0e+00, v47;
	v0 =	vadd.f32 v50, v0;
	v50 =	vld [tilespmem:s1+$0xFFFFFCC0]  }
0x91: {  	v40 =	vadd.f32 v40, v41;
	v41 =	vld [tilespmem:s1+$0xFFFFFB50]  }
0x92: {  	v1 =	vadd.f32 v1, v47;
	v47 =	vld [tilespmem:s1+$0xFFFFFC10]  }
0x93: {  	v0 =	vadd.f32 v62, v0;
	v62 =	vld [tilespmem:s1+$0xFFFFFDB0]  }
0x94: {  	v43 =	vadd.f32 $0.0e+00, v43;
	v39 =	vadd.f32 v39, v40;
	v40 =	vld [tilespmem:s1+$0xFFFFFB70]  }
0x95: {  	v1 =	vadd.f32 v53, v1;
	v53 =	vld [tilespmem:s1+$0xFFFFFCF0]  }
0x96: {  	v4 =	vadd.f32 v4, v43;
	v43 =	vld [tilespmem:s1+$0xFFFFFEC0]  }
0x97: {  	v42 =	vadd.f32 $0.0e+00, v42;
	v0 =	vadd.f32 v46, v0;
	v46 =	vld [tilespmem:$0x1FF70]  }
0x98: {  	v5 =	vadd.f32 $0.0e+00, v5;
	v38 =	vadd.f32 v38, v39;
	v39 =	vld [tilespmem:s1+$0xFFFFFB90]  }
0x99: {  	v3 =	vadd.f32 v3, v42;
	v42 =	vld [tilespmem:s1+$0xFFFFFC30]  }
0x9a: {  	v5 =	vadd.f32 v41, v5;
	v41 =	vld [tilespmem:s1+$0xFFFFFC40]  }
0x9b: {  	v1 =	vadd.f32 v11, v1;
	v11 =	vld [tilespmem:s1+$0xFFFFFC70]  }
0x9c: {  	v4 =	vadd.f32 v8, v4;
	v8 =	vld [tilespmem:s1+$0xFFFFFC80]  }
0x9d: {  	v0 =	vadd.f32 v59, v0;
	v59 =	vld [tilespmem:s1+$0xFFFFFD70]  }
0x9e: {  	v37 =	vadd.f32 v37, v38;
	v38 =	vadd.f32 $0.0e+00, v52;
	v52 =	vld [tilespmem:s1+$0xFFFFFBB0]  }
0x9f: {  	v3 =	vadd.f32 v7, v3;
	v7 =	vld [tilespmem:s1+$0xFFFFFC60]  }
0xa0: {  	v6 =	vadd.f32 $0.0e+00, v6;
	v1 =	vadd.f32 v49, v1;
	v49 =	vld [tilespmem:s1+$0xFFFFFCB0]  }
0xa1: {  	v0 =	vadd.f32 v57, v0;
	v57 =	vld [tilespmem:s1+$0xFFFFFD20]  }
0xa2: {  	v6 =	vadd.f32 v40, v6;
	v40 =	vld [tilespmem:$0x1FF40]  }
0xa3: {  	v36 =	vadd.f32 v36, v37;
	v37 =	vld [tilespmem:s1+$0xFFFFFBD0]  }
0xa4: {  	v2 =	vadd.f32 v2, v38;
	v38 =	vld [tilespmem:s1+$0xFFFFFBE0]  }
0xa5: {  	v3 =	vadd.f32 v9, v3;
	v9 =	vld [tilespmem:s1+$0xFFFFFCA0]  }
0xa6: {  	v1 =	vadd.f32 v61, v1;
	v61 =	vld [tilespmem:s1+$0xFFFFFDA0]  }
0xa7: {  	v0 =	vadd.f32 v35, v0;
	v35 =	vld [tilespmem:s1+$0xFFFFFE10]  }
0xa8: {  	v5 =	vadd.f32 v39, v5;
	v39 =	vld [tilespmem:s1+$0xFFFFFE90]  }
0xa9: {  	v24 =	vadd.f32 v24, v36;
	v36 =	vld [tilespmem:s1+$0xFFFFFBF0]  }
0xaa: {  	v2 =	vadd.f32 v51, v2;
	v51 =	vld [tilespmem:$0x1FFA0]  }
0xab: {  	v6 =	vadd.f32 v52, v6;
	v52 =	vld [tilespmem:s1+$0xFFFFFCD0]  }
0xac: {  	v3 =	vadd.f32 v10, v3;
	v10 =	vld [tilespmem:s1+$0xFFFFFCE0]  }
0xad: {  	v1 =	vadd.f32 v45, v1;
	v0 =	vadd.f32 v32, v0;
	v45 =	vld [tilespmem:s1+$0xFFFFFED0]  }
0xae: {  	v2 =	vadd.f32 v63, v2;
	v63 =	vld [tilespmem:s1+$0xFFFFFC50];
	v5 =	vadd.f32 v37, v5  }
0xaf: {  	v4 =	vadd.f32 v38, v4;
	v1 =	vadd.f32 v58, v1;
	v58 =	vld [tilespmem:s1+$0xFFFFFD30]  }
0xb0: {  	v3 =	vadd.f32 v41, v3;
	v0 =	vadd.f32 v29, v0;
	v37 =	vld [tilespmem:s1+$0xFFFFFE70]  }
0xb1: {  	v38 =	vld [tilespmem:s1+$0xFFFFFE80];
	v2 =	vadd.f32 v48, v2;
	v6 =	vadd.f32 v36, v6  }
0xb2: {  	v41 =	vld [tilespmem:s1+$0xFFFFFEB0];
	v5 =	vadd.f32 v47, v5;
	v4 =	vadd.f32 v54, v4  }
0xb3: {  	v48 =	vld [tilespmem:s1+$0xFFFFFC90];
	v1 =	vadd.f32 v34, v1;
	v3 =	vadd.f32 v8, v3  }
0xb4: {  	v54 =	vld [tilespmem:s1+$0xFFFFFD00];
	v0 =	vadd.f32 v26, v0;
	v2 =	vadd.f32 v60, v2  }
0xb5: {  	v8 =	vld [tilespmem:s1+$0xFFFFFD60];
	v6 =	vadd.f32 v42, v6;
	v5 =	vadd.f32 v63, v5  }
0xb6: {  	v34 =	vld [tilespmem:s1+$0xFFFFFE00];
	v4 =	vadd.f32 v7, v4;
	v1 =	vadd.f32 v31, v1  }
0xb7: {  	v36 =	vld [tilespmem:s1+$0xFFFFFE50];
	v3 =	vadd.f32 v50, v3;
	v0 =	vadd.f32 v22, v0  }
0xb8: {  	v47 =	vld [tilespmem:s1+$0xFFFFFEE0];
	v2 =	vadd.f32 v44, v2;
	v6 =	vadd.f32 v11, v6  }
0xb9: {  	v60 =	vld [tilespmem:s1+$0xFFFFFD90];
	v5 =	vadd.f32 v48, v5;
	v4 =	vadd.f32 v9, v4  }
0xba: {  	v7 =	vld [tilespmem:s1+$0xFFFFFD40];
	v1 =	vadd.f32 v28, v1;
	v0 =	vadd.f32 v19, v0  }
0xbb: {  	v63 =	vld [tilespmem:s1+$0xFFFFFDD0];
	v2 =	vadd.f32 v56, v2;
	v3 =	vadd.f32 v54, v3  }
0xbc: {  	v9 =	vld [tilespmem:s1+$0xFFFFFD80];
	v6 =	vadd.f32 v49, v6;
	v5 =	vadd.f32 v52, v5  }
0xbd: {  	v56 =	vld [tilespmem:s1+$0xFFFFFD10];
	v4 =	vadd.f32 v10, v4;
	v1 =	vadd.f32 v25, v1  }
0xbe: {  	v31 =	vld [tilespmem:s1+$0xFFFFFDE0];
	v0 =	vadd.f32 v16, v0;
	v2 =	vadd.f32 v55, v2  }
0xbf: {  	v42 =	vld [tilespmem:$0x1FF50];
	v3 =	vadd.f32 v7, v3;
	v6 =	vadd.f32 v53, v6  }
0xc0: {  	v10 =	vld [tilespmem:s1+$0xFFFFFDC0];
	v4 =	vadd.f32 v57, v4;
	v1 =	vadd.f32 v21, v1  }
0xc1: {  	v11 =	vld [tilespmem:s1+$0xFFFFFD50];
	v0 =	vadd.f32 v13, v0;
	v2 =	vadd.f32 v33, v2  }
0xc2: {  	v50 =	vld [tilespmem:$0x1FF90];
	v3 =	vadd.f32 v9, v3;
	v5 =	vadd.f32 v56, v5  }
0xc3: {  	v48 =	vld [tilespmem:$0x1FF80];
	v6 =	vadd.f32 v58, v6;
	v1 =	vadd.f32 v18, v1  }
0xc4: {  	v44 =	vld [tilespmem:$0x1FF60];
	v4 =	vadd.f32 v8, v4;
	v0 =	vadd.f32 v42, v0  }
0xc5: {  	v54 =	vld [tilespmem:s1+$0xFFFFFF30];
	v2 =	vadd.f32 v30, v2;
	v3 =	vadd.f32 v10, v3  }
0xc6: {  	v52 =	vld [tilespmem:$0x1FFB0];
	v5 =	vadd.f32 v11, v5;
	v6 =	vadd.f32 v59, v6  }
0xc7: {  	v8 =	vld [tilespmem:s1+$0xFFFFFE40];
	v1 =	vadd.f32 v15, v1;
	v4 =	vadd.f32 v61, v4  }
0xc8: {  	v7 =	vld [tilespmem:s1+$0xFFFFFE20];
	v0 =	vadd.f32 v48, v0;
	v2 =	vadd.f32 v27, v2  }
0xc9: {  	v33 =	vld [tilespmem:s1+$0xFFFFFDF0];
	v3 =	vadd.f32 v34, v3;
	v5 =	vadd.f32 v60, v5  }
0xca: {  	v56 =	vld [tilespmem:$0x1FFE0];
	v6 =	vadd.f32 v62, v6;
	v1 =	vadd.f32 v12, v1  }
0xcb: {  	v49 =	vld [tilespmem:s1+$0xFFFFFEF0];
	v4 =	vadd.f32 v31, v4;
	v0 =	vadd.f32 v52, v0  }
0xcc: {  	v55 =	vld [tilespmem:$0x1FFD0];
	v2 =	vadd.f32 v23, v2;
	v3 =	vadd.f32 v8, v3  }
0xcd: {  	v11 =	vld [tilespmem:s1+$0xFFFFFE30];
	v5 =	vadd.f32 v63, v5;
	v1 =	vadd.f32 v44, v1  }
0xce: {  	v9 =	vld [tilespmem:s1+$0xFFFFFE60];
	v6 =	vadd.f32 v33, v6;
	v2 =	vadd.f32 v20, v2  }
0xcf: {  	v53 =	vld [tilespmem:$0x1FFC0];
	v4 =	vadd.f32 v7, v4;
	v21 =	vadd.f32 v56, v0  }
0xd0: {  	v57 =	vld [tilespmem:$0x1FFF0];
	v3 =	vadd.f32 v38, v3;
	v2 =	vadd.f32 v17, v2  }
0xd1: {  	v10 =	vld [tilespmem:s1+$0xFFFFFEA0];
	v5 =	vadd.f32 v35, v5;
	v1 =	vadd.f32 v50, v1  }
0xd2: {  	v7 =	vld [tilespmem:s1+$0xFFFFFF00];
	v6 =	vadd.f32 v11, v6;
	v2 =	vadd.f32 v14, v2  }
0xd3: {  	v58 =	vld [tilespmem:s1+$0xFFFFFF60];
	v4 =	vadd.f32 v9, v4;
	v3 =	vadd.f32 v43, v3  }
0xd4: {  	v59 =	vld [tilespmem:s1+$0xFFFFFF80];
	v1 =	vadd.f32 v53, v1;
	v2 =	vadd.f32 v40, v2  }
0xd5: {  	v8 =	vld [tilespmem:s1+$0xFFFFFF20];
	v5 =	vadd.f32 v36, v5;
	v0 =	vadd.f32 v37, v6  }
0xd6: {  	v9 =	vld [tilespmem:s1+$0xFFFFFF40];
	v4 =	vadd.f32 v10, v4;
	v2 =	vadd.f32 v46, v2  }
0xd7: {  	v11 =	vld [tilespmem:s1+$0xFFFFFF10];
	v3 =	vadd.f32 v7, v3;
	v1 =	vadd.f32 v57, v1  }
0xd8: {  	v60 =	vld [tilespmem:s1+$0xFFFFFF90];
	v5 =	vadd.f32 v39, v5;
	v2 =	vadd.f32 v51, v2  }
0xd9: {  	v6 =	vld [tilespmem:s1+$0xFFFFFF50];
	v0 =	vadd.f32 v41, v0;
	v4 =	vadd.f32 v47, v4  }
0xda: {  	v10 =	vld [tilespmem:s1+$0xFFFFFF70];
	v5 =	vadd.f32 v45, v5;
	v2 =	vadd.f32 v55, v2  }
0xdb: {  	v62 =	vmul.f32 $5.000000070e-02, v24;
	v63 =	vld [tilespmem:s1+$0xFFFFFFA0];
	v9 =	vadd.f32 v9, v3;
	v61 =	vadd.f32 v49, v0  }
0xdc: {  	s30 =	simm.s32 $0x16840;
	v3 =	vld [tilespmem:s1+$0xFFFFFFC0];
	v4 =	vadd.f32 v8, v4;
	v5 =	vadd.f32 v11, v5;
	v2 =	vmul.f32 $5.000000070e-02, v2  }
0xdd: {  	[tilespmem:s30+$0x30] =	vst v62;
	v0 =	vld [tilespmem:s1+$0xFFFFFFB0];
	v8 =	vmul.f32 $5.000000070e-02, v21;
	v7 =	vadd.f32 v54, v61  }
0xde: {  	v11 =	vadd.f32 v58, v4;
	v4 =	vld [tilespmem:s1+$0xFFFFFFD0];
	[tilespmem:s30+$0x0] =	vst v2;
	v2 =	vadd.f32 v6, v5;
	v6 =	vmul.f32 $5.000000070e-02, v1  }
0xdf: {  	[tilespmem:s30+$0x10] =	vst v8;
	v1 =	vadd.f32 v10, v7;
	v7 =	vadd.f32 v59, v9;
	v5 =	vld [tilespmem:s1+$0xFFFFFFE0]  }
0xe0: {  	s31 =	simm.s32 $0x0;
	s0 =	simm.s32 $0x3700;
	v9 =	vadd.f32 v63, v11;
	[tilespmem:s30+$0x20] =	vst v6;
	v8 =	vadd.f32 v60, v2;
	v6 =	vld [tilespmem:s1+$0xFFFFFFF0]  }
.LBB2_3:
0xe1: {  	v2 =	vld [tilespmem:s0+$0x4C0]  }
0xe2: {  	v33 =	vld [tilespmem:s0+$0x4F0]  }
0xe3: {  	v37 =	vld [tilespmem:s0+$0x4B0]  }
0xe4: {  	v41 =	vld [tilespmem:s0+$0x470]  }
0xe5: {  	v11 =	vld [tilespmem:s0+$0x400]  }
0xe6: {  	v43 =	vld [tilespmem:s0+$0x430]  }
0xe7: {  	v14 =	vld [tilespmem:s0+$0x3C0]  }
0xe8: {  	v13 =	vld [tilespmem:s0+$0x3D0]  }
0xe9: {  	v12 =	vld [tilespmem:s0+$0x3E0]  }
0xea: {  	v44 =	vld [tilespmem:s0+$0x3F0]  }
0xeb: {  	v17 =	vld [tilespmem:s0+$0x380]  }
0xec: {  	v16 =	vld [tilespmem:s0+$0x390]  }
0xed: {  	v15 =	vld [tilespmem:s0+$0x3A0]  }
0xee: {  	v45 =	vld [tilespmem:s0+$0x3B0]  }
0xef: {  	v20 =	vld [tilespmem:s0+$0x340]  }
0xf0: {  	v19 =	vld [tilespmem:s0+$0x350]  }
0xf1: {  	v18 =	vld [tilespmem:s0+$0x360]  }
0xf2: {  	v46 =	vld [tilespmem:s0+$0x370]  }
0xf3: {  	v23 =	vld [tilespmem:s0+$0x300]  }
0xf4: {  	v22 =	vld [tilespmem:s0+$0x310]  }
0xf5: {  	v21 =	vld [tilespmem:s0+$0x320]  }
0xf6: {  	v47 =	vld [tilespmem:s0+$0x330]  }
0xf7: {  	v26 =	vld [tilespmem:s0+$0x30]  }
0xf8: {  	v24 =	vld [tilespmem:s0+$0x2C0]  }
0xf9: {  	v27 =	vld [tilespmem:s0+$0x70]  }
0xfa: {  	v25 =	vld [tilespmem:s0+$0x2D0]  }
0xfb: {  	v28 =	vld [tilespmem:s0+$0xB0]  }
0xfc: {  	v30 =	vld [tilespmem:s0+$0xF0]  }
0xfd: {  	v42 =	vld [tilespmem:s0+$0x2F0]  }
0xfe: {  	v60 =	vld [tilespmem:s0+$0x130]  }
0xff: {  	v31 =	vld [tilespmem:s0+$0x170]  }
0x100: {  	v32 =	vld [tilespmem:s0+$0x1B0]  }
0x101: {  	v34 =	vld [tilespmem:s0+$0x1F0]  }
0x102: {  	v38 =	vld [tilespmem:s0+$0x2B0]  }
0x103: {  	v35 =	vld [tilespmem:s0+$0x230]  }
0x104: {  	v39 =	vld [tilespmem:s0+$0x270]  }
0x105: {  	v36 =	vld [tilespmem:s0+$0x200]  }
0x106: {  	v49 =	vld [tilespmem:s0+$0x180]  }
0x107: {  	v50 =	vld [tilespmem:s0+$0x190]  }
0x108: {  	v51 =	vld [tilespmem:s0+$0x150]  }
0x109: {  	v52 =	vld [tilespmem:s0+$0x100]  }
0x10a: {  	v53 =	vld [tilespmem:s0+$0x120]  }
0x10b: {  	v54 =	vld [tilespmem:s0+$0xD0]  }
0x10c: {  	v55 =	vld [tilespmem:s0+$0x80]  }
0x10d: {  	v56 =	vld [tilespmem:s0+$0xA0]  }
0x10e: {  	v57 =	vld [tilespmem:s0+$0x50];
	v29 =	vadd.f32 $0.0e+00, v26  }
0x10f: {  	v58 =	vld [tilespmem:s0+$0x0]  }
0x110: {  	v59 =	vld [tilespmem:s0+$0x10];
	v27 =	vadd.f32 v27, v29  }
0x111: {  	v10 =	vadd.f32 v0, v1;
	v1 =	vld [tilespmem:s0+$0x4D0]  }
0x112: {  	v0 =	vld [tilespmem:s0+$0x4E0];
	v28 =	vadd.f32 v28, v27  }
0x113: {  	v3 =	vadd.f32 v3, v7;
	v5 =	vadd.f32 v5, v9;
	v9 =	vld [tilespmem:s0+$0x420]  }
0x114: {  	v4 =	vadd.f32 v4, v8;
	v26 =	vld [tilespmem:s0+$0x2E0];
	v30 =	vadd.f32 v30, v28  }
0x115: {  	v7 =	vmul.f32 $5.000000070e-02, v3;
	v3 =	vld [tilespmem:s0+$0x480]  }
0x116: {  	v8 =	vmul.f32 $5.000000070e-02, v4;
	v4 =	vld [tilespmem:s0+$0x490];
	v30 =	vadd.f32 v60, v30  }
0x117: {  	v6 =	vadd.f32 v6, v10;
	v10 =	vld [tilespmem:s0+$0x410]  }
0x118: {  	v29 =	vld [tilespmem:s0+$0x2A0];
	v30 =	vadd.f32 v31, v30  }
0x119: {  	[tilespmem:s30+$0xFFFFFFC0] =	vst v7;
	v7 =	vmul.f32 $5.000000070e-02, v5;
	v5 =	vld [tilespmem:s0+$0x4A0]  }
0x11a: {  	[tilespmem:s30+$0xFFFFFFD0] =	vst v8;
	v8 =	vld [tilespmem:s0+$0x440];
	v30 =	vadd.f32 v32, v30  }
0x11b: {  	v6 =	vmul.f32 $5.000000070e-02, v6;
	v27 =	vld [tilespmem:s0+$0x280]  }
0x11c: {  	[tilespmem:s30+$0xFFFFFFE0] =	vst v7;
	v7 =	vld [tilespmem:s0+$0x450];
	v34 =	vadd.f32 v34, v30  }
0x11d: {  	[tilespmem:s30+$0xFFFFFFF0] =	vst v6;
	v6 =	vld [tilespmem:s0+$0x460]  }
0x11e: {  	v28 =	vld [tilespmem:s0+$0x290];
	v40 =	vadd.f32 v35, v34  }
0x11f: {  	v61 =	vld [tilespmem:s0+$0xFFFFFB20]  }
0x120: {  	v62 =	vld [tilespmem:s0+$0xFFFFFB30];
	v48 =	vadd.f32 v39, v40  }
0x121: {  	v63 =	vld [tilespmem:s0+$0xFFFFFB00]  }
0x122: {  	[tilespmem:$0x1FF30] =	vst v0;
	v0 =	vld [tilespmem:s0+$0xFFFFFB40];
	v48 =	vadd.f32 v38, v48  }
0x123: {  	v59 =	vadd.f32 $0.0e+00, v59;
	v60 =	vld [tilespmem:s0+$0x20]  }
0x124: {  	v31 =	vld [tilespmem:s0+$0x240];
	v48 =	vadd.f32 v42, v48  }
0x125: {  	v57 =	vadd.f32 v57, v59;
	v59 =	vadd.f32 $0.0e+00, v61;
	v61 =	vld [tilespmem:s0+$0xFFFFFB60]  }
0x126: {  	v32 =	vld [tilespmem:s0+$0x250];
	v47 =	vadd.f32 v47, v48  }
0x127: {  	v30 =	vld [tilespmem:s0+$0x260]  }
0x128: {  	v35 =	vld [tilespmem:s0+$0x210];
	v46 =	vadd.f32 v46, v47  }
0x129: {  	v34 =	vld [tilespmem:s0+$0x220]  }
0x12a: {  	v40 =	vld [tilespmem:s0+$0x1C0];
	v45 =	vadd.f32 v45, v46  }
0x12b: {  	v39 =	vld [tilespmem:s0+$0x1D0]  }
0x12c: {  	v38 =	vld [tilespmem:s0+$0x1E0];
	v44 =	vadd.f32 v44, v45  }
0x12d: {  	v42 =	vld [tilespmem:s0+$0x1A0]  }
0x12e: {  	v48 =	vld [tilespmem:s0+$0x140];
	v43 =	vadd.f32 v43, v44  }
0x12f: {  	v47 =	vld [tilespmem:s0+$0x160]  }
0x130: {  	v46 =	vld [tilespmem:s0+$0x110];
	v41 =	vadd.f32 v41, v43  }
0x131: {  	v43 =	vld [tilespmem:s0+$0x90]  }
0x132: {  	v37 =	vadd.f32 v37, v41;
	v41 =	vld [tilespmem:s0+$0x40]  }
0x133: {  	v45 =	vld [tilespmem:s0+$0xC0]  }
0x134: {  	v33 =	vadd.f32 v33, v37;
	v37 =	vld [tilespmem:s0+$0x60]  }
0x135: {  	v58 =	vadd.f32 $0.0e+00, v58;
	v44 =	vld [tilespmem:s0+$0xE0]  }
0x136: {  	v43 =	vadd.f32 v43, v57;
	v57 =	vld [tilespmem:s0+$0xFFFFFB90]  }
0x137: {  	v60 =	vadd.f32 $0.0e+00, v60;
	v33 =	vmul.f32 $5.000000070e-02, v33;
	v41 =	vadd.f32 v41, v58;
	v58 =	vld [tilespmem:s0+$0xFFFFFB50]  }
0x138: {  	s30 =	sadd.s32 $0x80, s30;
	v43 =	vadd.f32 v54, v43;
	v54 =	vld [tilespmem:s0+$0xFFFFFD00]  }
0x139: {  	[tilespmem:s30+$0x30] =	vst v33;
	v33 =	vld [tilespmem:s0+$0xFFFFFB10];
	v37 =	vadd.f32 v37, v60;
	v60 =	vadd.f32 $0.0e+00, v62  }
0x13a: {  	v62 =	vld [tilespmem:s0+$0xFFFFFB70];
	v41 =	vadd.f32 v55, v41;
	v55 =	vadd.f32 $0.0e+00, v63  }
0x13b: {  	v63 =	vld [tilespmem:s0+$0xFFFFFB80];
	v43 =	vadd.f32 v46, v43;
	v37 =	vadd.f32 v56, v37  }
0x13c: {  	v41 =	vadd.f32 v45, v41;
	v0 =	vadd.f32 v0, v55;
	v45 =	vld [tilespmem:s0+$0xFFFFFBA0]  }
0x13d: {  	v55 =	vadd.f32 v61, v59;
	v56 =	vld [tilespmem:s0+$0xFFFFFBB0];
	v43 =	vadd.f32 v51, v43  }
0x13e: {  	v59 =	vld [tilespmem:s0+$0xFFFFFBF0];
	v33 =	vadd.f32 $0.0e+00, v33;
	v37 =	vadd.f32 v44, v37  }
0x13f: {  	v41 =	vadd.f32 v52, v41;
	v52 =	vld [tilespmem:s0+$0xFFFFFC30];
	v43 =	vadd.f32 v50, v43  }
0x140: {  	v50 =	vld [tilespmem:s0+$0xFFFFFCE0];
	v61 =	vadd.f32 v62, v60;
	v0 =	vadd.f32 v63, v0  }
0x141: {  	v62 =	vld [tilespmem:s0+$0xFFFFFBC0];
	v33 =	vadd.f32 v58, v33;
	v37 =	vadd.f32 v53, v37  }
0x142: {  	v63 =	vld [tilespmem:s0+$0xFFFFFBD0];
	v41 =	vadd.f32 v48, v41;
	v39 =	vadd.f32 v39, v43  }
0x143: {  	v44 =	vld [tilespmem:s0+$0xFFFFFDB0];
	v45 =	vadd.f32 v45, v55;
	v60 =	vadd.f32 v56, v61  }
0x144: {  	v61 =	vld [tilespmem:s0+$0xFFFFFC00];
	v33 =	vadd.f32 v57, v33;
	v37 =	vadd.f32 v47, v37  }
0x145: {  	v53 =	vld [tilespmem:s0+$0xFFFFFC40];
	v41 =	vadd.f32 v49, v41;
	v35 =	vadd.f32 v35, v39  }
0x146: {  	v57 =	vld [tilespmem:s0+$0xFFFFFBE0];
	v46 =	vadd.f32 v59, v60;
	v0 =	vadd.f32 v62, v0  }
0x147: {  	v58 =	vld [tilespmem:s0+$0xFFFFFC70];
	v33 =	vadd.f32 v63, v33;
	v37 =	vadd.f32 v42, v37  }
0x148: {  	v60 =	vld [tilespmem:s0+$0xFFFFFC80];
	v40 =	vadd.f32 v40, v41;
	v32 =	vadd.f32 v32, v35  }
0x149: {  	v62 =	vld [tilespmem:s0+$0xFFFFFC10];
	v59 =	vadd.f32 v52, v46;
	v0 =	vadd.f32 v61, v0  }
0x14a: {  	v63 =	vld [tilespmem:s0+$0xFFFFFC20];
	v37 =	vadd.f32 v38, v37;
	v36 =	vadd.f32 v36, v40  }
0x14b: {  	v55 =	vld [tilespmem:s0+$0xFFFFFC50];
	v28 =	vadd.f32 v28, v32;
	v45 =	vadd.f32 v57, v45  }
0x14c: {  	v46 =	vld [tilespmem:s0+$0xFFFFFCB0];
	v47 =	vadd.f32 v58, v59;
	v0 =	vadd.f32 v53, v0  }
0x14d: {  	v56 =	vld [tilespmem:s0+$0xFFFFFC60];
	v34 =	vadd.f32 v34, v37;
	v31 =	vadd.f32 v31, v36  }
0x14e: {  	v48 =	vld [tilespmem:s0+$0xFFFFFCC0];
	v25 =	vadd.f32 v25, v28;
	v33 =	vadd.f32 v62, v33  }
0x14f: {  	v52 =	vld [tilespmem:s0+$0xFFFFFCF0];
	v57 =	vadd.f32 v63, v45;
	v0 =	vadd.f32 v60, v0  }
0x150: {  	v61 =	vld [tilespmem:s0+$0xFFFFFC90];
	v30 =	vadd.f32 v30, v34;
	v27 =	vadd.f32 v27, v31  }
0x151: {  	v62 =	vld [tilespmem:s0+$0xFFFFFCA0];
	v53 =	vadd.f32 v46, v47;
	v22 =	vadd.f32 v22, v25  }
0x152: {  	v49 =	vld [tilespmem:s0+$0xFFFFFCD0];
	v33 =	vadd.f32 v55, v33;
	v63 =	vadd.f32 v56, v57  }
0x153: {  	v59 =	vld [tilespmem:s0+$0xFFFFFD30];
	v0 =	vadd.f32 v48, v0;
	v29 =	vadd.f32 v29, v30  }
0x154: {  	v39 =	vld [tilespmem:s0+$0xFFFFFD80];
	v24 =	vadd.f32 v24, v27;
	v60 =	vadd.f32 v52, v53  }
0x155: {  	v37 =	vld [tilespmem:s0+$0xFFFFFD70];
	v19 =	vadd.f32 v19, v22;
	v33 =	vadd.f32 v61, v33  }
0x156: {  	v55 =	vld [tilespmem:s0+$0xFFFFFD10];
	v51 =	vadd.f32 v62, v63;
	v26 =	vadd.f32 v26, v29  }
0x157: {  	v57 =	vld [tilespmem:s0+$0xFFFFFD20];
	v0 =	vadd.f32 v54, v0;
	v23 =	vadd.f32 v23, v24  }
0x158: {  	v61 =	vld [tilespmem:s0+$0xFFFFFD40];
	v38 =	vadd.f32 v59, v60;
	v16 =	vadd.f32 v16, v19  }
0x159: {  	v35 =	vld [tilespmem:s0+$0xFFFFFD60];
	v56 =	vadd.f32 v49, v33;
	v58 =	vadd.f32 v50, v51  }
0x15a: {  	v62 =	vld [tilespmem:s0+$0xFFFFFD50];
	v21 =	vadd.f32 v21, v26;
	v20 =	vadd.f32 v20, v23  }
0x15b: {  	v42 =	vld [tilespmem:s0+$0xFFFFFDA0];
	v45 =	vadd.f32 v37, v38;
	v13 =	vadd.f32 v13, v16  }
0x15c: {  	v40 =	vld [tilespmem:s0+$0xFFFFFD90];
	v63 =	vadd.f32 v55, v56;
	v36 =	vadd.f32 v57, v58  }
0x15d: {  	v46 =	vld [tilespmem:s0+$0xFFFFFDC0];
	v0 =	vadd.f32 v61, v0;
	v18 =	vadd.f32 v18, v21  }
0x15e: {  	v51 =	vld [tilespmem:s0+$0xFFFFFDF0];
	v17 =	vadd.f32 v17, v20;
	v52 =	vadd.f32 v44, v45  }
0x15f: {  	v47 =	vld [tilespmem:s0+$0xFFFFFDD0];
	v10 =	vadd.f32 v10, v13;
	v41 =	vadd.f32 v62, v63  }
0x160: {  	v53 =	vld [tilespmem:s0+$0xFFFFFE00];
	v43 =	vadd.f32 v35, v36;
	v0 =	vadd.f32 v39, v0  }
0x161: {  	v54 =	vld [tilespmem:s0+$0xFFFFFE10];
	v15 =	vadd.f32 v15, v18;
	v14 =	vadd.f32 v14, v17  }
0x162: {  	v49 =	vld [tilespmem:s0+$0xFFFFFDE0];
	v7 =	vadd.f32 v7, v10;
	v48 =	vadd.f32 v40, v41  }
0x163: {  	v60 =	vld [tilespmem:s0+$0xFFFFFE40];
	v59 =	vadd.f32 v51, v52;
	v50 =	vadd.f32 v42, v43  }
0x164: {  	v56 =	vld [tilespmem:s0+$0xFFFFFE20];
	v12 =	vadd.f32 v12, v15;
	v0 =	vadd.f32 v46, v0  }
0x165: {  	v58 =	vld [tilespmem:s0+$0xFFFFFE30];
	v11 =	vadd.f32 v11, v14;
	v4 =	vadd.f32 v4, v7  }
0x166: {  	v61 =	vld [tilespmem:s0+$0xFFFFFE60];
	v55 =	vadd.f32 v47, v48;
	v9 =	vadd.f32 v9, v12  }
0x167: {  	v62 =	vld [tilespmem:s0+$0xFFFFFE70];
	v57 =	vadd.f32 v49, v50;
	v8 =	vadd.f32 v8, v11  }
0x168: {  	v0 =	vadd.f32 v53, v0;
	v11 =	vld [tilespmem:s0+$0xFFFFFE50];
	v6 =	vadd.f32 v6, v9  }
0x169: {  	v63 =	vld [tilespmem:s0+$0xFFFFFE80];
	v9 =	vadd.f32 v56, v57;
	v3 =	vadd.f32 v3, v8  }
0x16a: {  	v7 =	vld [tilespmem:s0+$0xFFFFFE90];
	v10 =	vadd.f32 v54, v55;
	v8 =	vadd.f32 v58, v59  }
0x16b: {  	v2 =	vadd.f32 v2, v3;
	v3 =	vadd.f32 v61, v9;
	v9 =	vld [tilespmem:s0+$0xFFFFFEB0]  }
0x16c: {  	v1 =	vadd.f32 v1, v4;
	v4 =	vadd.f32 v62, v8;
	v8 =	vld [tilespmem:s0+$0xFFFFFEC0]  }
0x16d: {  	v5 =	vadd.f32 v5, v6;
	v6 =	vadd.f32 v11, v10;
	v11 =	vld [tilespmem:$0x1FF30]  }
0x16e: {  	v0 =	vadd.f32 v60, v0  }
0x16f: {  	v1 =	vmul.f32 $5.000000070e-02, v1;
	v10 =	vld [tilespmem:s0+$0xFFFFFEA0]  }
0x170: {  	v0 =	vadd.f32 v63, v0;
	v6 =	vadd.f32 v7, v6;
	v7 =	vld [tilespmem:s0+$0xFFFFFEE0]  }
0x171: {  	[tilespmem:s30+$0x10] =	vst v1;
	v1 =	vadd.f32 v9, v4;
	v4 =	vld [tilespmem:s0+$0xFFFFFF00]  }
0x172: {  	v2 =	vmul.f32 $5.000000070e-02, v2;
	v0 =	vadd.f32 v8, v0;
	v8 =	vld [tilespmem:s0+$0xFFFFFF20];
	v5 =	vadd.f32 v11, v5  }
0x173: {  	v9 =	vld [tilespmem:s0+$0xFFFFFF90]  }
0x174: {  	[tilespmem:s30+$0x0] =	vst v2;
	v11 =	vld [tilespmem:s0+$0xFFFFFED0];
	v2 =	vmul.f32 $5.000000070e-02, v5  }
0x175: {  	v3 =	vadd.f32 v10, v3;
	v5 =	vld [tilespmem:s0+$0xFFFFFEF0]  }
0x176: {  	[tilespmem:s30+$0x20] =	vst v2;
	v2 =	vld [tilespmem:s0+$0xFFFFFF10]  }
0x177: {  	v3 =	vadd.f32 v7, v3;
	v7 =	vld [tilespmem:s0+$0xFFFFFF30]  }
0x178: {  	v0 =	vadd.f32 v4, v0;
	v4 =	vld [tilespmem:s0+$0xFFFFFF50]  }
0x179: {  	v3 =	vadd.f32 v8, v3;
	v8 =	vld [tilespmem:s0+$0xFFFFFF70];
	v6 =	vadd.f32 v11, v6  }
0x17a: {  	v1 =	vadd.f32 v5, v1;
	v5 =	vld [tilespmem:s0+$0xFFFFFF40]  }
0x17b: {  	v2 =	vadd.f32 v2, v6;
	v6 =	vld [tilespmem:s0+$0xFFFFFF60]  }
0x17c: {  	s31 =	sadd.s32 $0x2, s31;
	v1 =	vadd.f32 v7, v1;
	v7 =	vld [tilespmem:s0+$0xFFFFFF80]  }
0x17d: {  	p0 =	slt.u32 s31, $0x1E;
	v10 =	vld [tilespmem:s0+$0xFFFFFFA0]  }
.Ltmp0:
0x17e: {  	v2 =	vadd.f32 v4, v2;
	v4 =	vld [tilespmem:s0+$0xFFFFFFD0];
	(pc) =	sbr.rel @p0 .LBB2_3-.Ltmp0, $4  }
0x17f: {  	v5 =	vadd.f32 v5, v0;
	v0 =	vld [tilespmem:s0+$0xFFFFFFB0]  }
0x180: {  	v6 =	vadd.f32 v6, v3;
	v3 =	vld [tilespmem:s0+$0xFFFFFFC0]  }
0x181: {  	v1 =	vadd.f32 v8, v1;
	v7 =	vadd.f32 v7, v5;
	v5 =	vld [tilespmem:s0+$0xFFFFFFE0]  }
0x182: {  	v8 =	vadd.f32 v9, v2;
	v9 =	vadd.f32 v10, v6;
	v6 =	vld [tilespmem:s0+$0xFFFFFFF0];
	s0 =	sadd.s32 $0xA00, s0  }
0x183: {  	_ =	sdelay $0x1  }
0x184: {  	v2 =	vadd.f32 v3, v7  }
0x185: {  	v0 =	vadd.f32 v0, v1;
	v1 =	vadd.f32 v4, v8  }
0x186: {  	v3 =	vadd.f32 v5, v9;
	v2 =	vmul.f32 $5.000000070e-02, v2  }
0x187: {  	v1 =	vmul.f32 $5.000000070e-02, v1;
	v0 =	vadd.f32 v6, v0  }
0x188: {  	[tilespmem:s30+$0xFFFFFFC0] =	vst v2;
	v2 =	vmul.f32 $5.000000070e-02, v3  }
0x189: {  	[tilespmem:s30+$0xFFFFFFD0] =	vst v1;
	v0 =	vmul.f32 $5.000000070e-02, v0  }
0x18a: {  	s0 =	sshll.u32 s28, $0x9;
	[tilespmem:s30+$0xFFFFFFE0] =	vst v2  }
0x18b: {  	p0 =	seq.s32 s28, $0x7;
	s0 =	sadd.s32 s0, s5;
	[tilespmem:s30+$0xFFFFFFF0] =	vst v0  }
0x18c: {  	[hbm4b:s0+s2] =	stream.linear.scatter [tilespmem:s23], [sflag:$0x3], $0x800, $0x38;
	[tilespmem:$0x17800] =	vst v63  }
0x18d: {  	s0 =	smul.u32 @!p0 $0x1400, s28  }
0x18e: {  	_ =	swait.ge [sflag:s7], $0x800  }
0x18f: {  	s31 =	simm.s32 @!p0 $0x80;
	[sflag:s7] =	ssyncset.done $0x0;
	s0 =	sshra.s32 @!p0 s0, $0x2  }
0x190: {  	s1 =	simm.s32 @!p0 $0x2800;
	[sflag:s7] =	ssyncadd.s32 $0xFFFFF800;
	s30 =	sadd.s32 @!p0 $0x500, s0  }
0x191: {  	[tilespmem:s1], [sflag:$0x1] =	stream.indirect.gather @!p0 [hbm4b:s3+s31], $0x40, s30, s31, $0xb8;
	[tilespmem:$0x17800] =	vst v63  }
0x192: {  	s1 =	sadd.s32 @!p0 $0x580, s0;
	s30 =	simm.s32 @!p0 $0x4800  }
0x193: {  	[tilespmem:s30], [sflag:$0x1] =	stream.indirect.gather @!p0 [hbm4b:s3+s31], $0x40, s1, s31, $0xb8;
	[tilespmem:$0x17800] =	vst v63  }
0x194: {  	s1 =	sadd.s32 @!p0 $0x600, s0;
	s30 =	simm.s32 @!p0 $0x6800  }
0x195: {  	[tilespmem:s30], [sflag:$0x1] =	stream.indirect.gather @!p0 [hbm4b:s3+s31], $0x40, s1, s31, $0xb8;
	[tilespmem:$0x17800] =	vst v63  }
0x196: {  	s1 =	sadd.s32 @!p0 $0x680, s0;
	s30 =	simm.s32 @!p0 $0x8800  }
0x197: {  	[tilespmem:s30], [sflag:$0x1] =	stream.indirect.gather @!p0 [hbm4b:s3+s31], $0x40, s1, s31, $0xb8;
	[tilespmem:$0x17800] =	vst v63  }
0x198: {  	s0 =	sadd.s32 @!p0 $0x700, s0;
	s1 =	simm.s32 @!p0 $0xA800  }
0x199: {  	[tilespmem:s1], [sflag:$0x1] =	stream.indirect.gather @!p0 [hbm4b:s3+s31], $0x40, s0, s31, $0xb8;
	[tilespmem:$0x17800] =	vst v63  }
0x19a: {  	_ =	swait.ge [sflag:s24], $0xA000  }
0x19b: {  	[sflag:s24] =	ssyncset.done $0x0  }
0x19c: {  	s1 =	simm.s32 $0xD1F0;
	[sflag:s24] =	ssyncadd.s32 $0xFFFF6000  }
0x19d: {  	v0 =	vld [tilespmem:s1+$0xFFFFFFD0];
	_ =	sdelay $0x4  }
0x19e: {  	[tilespmem:$0x1FF00] =	vst v0  }
0x19f: {  	v0 =	vld [tilespmem:s1+$0xFFFFFFE0];
	_ =	sdelay $0x4  }
0x1a0: {  	[tilespmem:$0x1FF10] =	vst v0  }
0x1a1: {  	v0 =	vld [tilespmem:s1+$0xFFFFFFF0];
	_ =	sdelay $0x4  }
0x1a2: {  	[tilespmem:$0x1FF20] =	vst v0  }
0x1a3: {  	v0 =	vld [tilespmem:s1+$0xFFFFFF90];
	_ =	sdelay $0x4  }
0x1a4: {  	v24 =	vld [tilespmem:s1+$0x0];
	[tilespmem:$0x1FED0] =	vst v0  }
0x1a5: {  	v0 =	vld [tilespmem:s1+$0xFFFFFFA0];
	_ =	sdelay $0x4  }
0x1a6: {  	[tilespmem:$0x1FEE0] =	vst v0  }
0x1a7: {  	v0 =	vld [tilespmem:s1+$0xFFFFFFB0];
	_ =	sdelay $0x4  }
0x1a8: {  	[tilespmem:$0x1FEF0] =	vst v0  }
0x1a9: {  	v0 =	vld [tilespmem:s1+$0xFFFFFF50];
	_ =	sdelay $0x4  }
0x1aa: {  	v36 =	vld [tilespmem:s1+$0xFFFFFFC0];
	[tilespmem:$0x1FEA0] =	vst v0  }
0x1ab: {  	v0 =	vld [tilespmem:s1+$0xFFFFFF60];
	_ =	sdelay $0x4  }
0x1ac: {  	[tilespmem:$0x1FEB0] =	vst v0  }
0x1ad: {  	v0 =	vld [tilespmem:s1+$0xFFFFFF70];
	_ =	sdelay $0x4  }
0x1ae: {  	[tilespmem:$0x1FEC0] =	vst v0  }
0x1af: {  	v0 =	vld [tilespmem:s1+$0xFFFFFF10];
	_ =	sdelay $0x4  }
0x1b0: {  	v37 =	vld [tilespmem:s1+$0xFFFFFF80];
	[tilespmem:$0x1FE70] =	vst v0  }
0x1b1: {  	v0 =	vld [tilespmem:s1+$0xFFFFFF20];
	_ =	sdelay $0x4  }
0x1b2: {  	[tilespmem:$0x1FE80] =	vst v0  }
0x1b3: {  	v0 =	vld [tilespmem:s1+$0xFFFFFF30];
	_ =	sdelay $0x4  }
0x1b4: {  	[tilespmem:$0x1FE90] =	vst v0  }
0x1b5: {  	v38 =	vld [tilespmem:s1+$0xFFFFFF40]  }
0x1b6: {  	v14 =	vld [tilespmem:s1+$0xFFFFFED0]  }
0x1b7: {  	v13 =	vld [tilespmem:s1+$0xFFFFFEE0]  }
0x1b8: {  	v12 =	vld [tilespmem:s1+$0xFFFFFEF0]  }
0x1b9: {  	v39 =	vld [tilespmem:s1+$0xFFFFFF00]  }
0x1ba: {  	v17 =	vld [tilespmem:s1+$0xFFFFFE90]  }
0x1bb: {  	v16 =	vld [tilespmem:s1+$0xFFFFFEA0]  }
0x1bc: {  	v15 =	vld [tilespmem:s1+$0xFFFFFEB0]  }
0x1bd: {  	v40 =	vld [tilespmem:s1+$0xFFFFFEC0]  }
0x1be: {  	v20 =	vld [tilespmem:s1+$0xFFFFFE50]  }
0x1bf: {  	v19 =	vld [tilespmem:s1+$0xFFFFFE60]  }
0x1c0: {  	v18 =	vld [tilespmem:s1+$0xFFFFFE70]  }
0x1c1: {  	v41 =	vld [tilespmem:s1+$0xFFFFFE80]  }
0x1c2: {  	v23 =	vld [tilespmem:s1+$0xFFFFFE10]  }
0x1c3: {  	v22 =	vld [tilespmem:s1+$0xFFFFFE20]  }
0x1c4: {  	v21 =	vld [tilespmem:s1+$0xFFFFFE30]  }
0x1c5: {  	v42 =	vld [tilespmem:s1+$0xFFFFFE40]  }
0x1c6: {  	v43 =	vld [tilespmem:s1+$0xFFFFFB40]  }
0x1c7: {  	v27 =	vld [tilespmem:s1+$0xFFFFFDD0]  }
0x1c8: {  	v44 =	vld [tilespmem:s1+$0xFFFFFB80]  }
0x1c9: {  	v26 =	vld [tilespmem:s1+$0xFFFFFDE0]  }
0x1ca: {  	v45 =	vld [tilespmem:s1+$0xFFFFFBC0]  }
0x1cb: {  	v25 =	vld [tilespmem:s1+$0xFFFFFDF0]  }
0x1cc: {  	v46 =	vld [tilespmem:s1+$0xFFFFFC00]  }
0x1cd: {  	v47 =	vld [tilespmem:s1+$0xFFFFFE00]  }
0x1ce: {  	v48 =	vld [tilespmem:s1+$0xFFFFFC40]  }
0x1cf: {  	v30 =	vld [tilespmem:s1+$0xFFFFFD90]  }
0x1d0: {  	v49 =	vld [tilespmem:s1+$0xFFFFFC80]  }
0x1d1: {  	v29 =	vld [tilespmem:s1+$0xFFFFFDA0]  }
0x1d2: {  	v50 =	vld [tilespmem:s1+$0xFFFFFCC0]  }
0x1d3: {  	v28 =	vld [tilespmem:s1+$0xFFFFFDB0]  }
0x1d4: {  	v51 =	vld [tilespmem:s1+$0xFFFFFD00]  }
0x1d5: {  	v52 =	vld [tilespmem:s1+$0xFFFFFDC0]  }
0x1d6: {  	v53 =	vld [tilespmem:s1+$0xFFFFFD40]  }
0x1d7: {  	v33 =	vld [tilespmem:s1+$0xFFFFFD50]  }
0x1d8: {  	v54 =	vld [tilespmem:s1+$0xFFFFFD80]  }
0x1d9: {  	v32 =	vld [tilespmem:s1+$0xFFFFFD60]  }
0x1da: {  	v31 =	vld [tilespmem:s1+$0xFFFFFD70]  }
0x1db: {  	v55 =	vld [tilespmem:s1+$0xFFFFFD10]  }
0x1dc: {  	v35 =	vld [tilespmem:s1+$0xFFFFFD20]  }
0x1dd: {  	v34 =	vld [tilespmem:s1+$0xFFFFFD30]  }
0x1de: {  	v56 =	vld [tilespmem:s1+$0xFFFFFCD0]  }
0x1df: {  	v57 =	vld [tilespmem:s1+$0xFFFFFCE0]  }
0x1e0: {  	v58 =	vld [tilespmem:s1+$0xFFFFFCF0]  }
0x1e1: {  	v59 =	vld [tilespmem:s1+$0xFFFFFCA0]  }
0x1e2: {  	v60 =	vld [tilespmem:s1+$0xFFFFFC50]  }
0x1e3: {  	v61 =	vld [tilespmem:s1+$0xFFFFFC70]  }
0x1e4: {  	v62 =	vld [tilespmem:s1+$0xFFFFFC20]  }
0x1e5: {  	v63 =	vld [tilespmem:s1+$0xFFFFFBD0]  }
0x1e6: {  	v11 =	vld [tilespmem:s1+$0xFFFFFBF0];
	v43 =	vadd.f32 $0.0e+00, v43  }
0x1e7: {  	v10 =	vld [tilespmem:s1+$0xFFFFFBA0]  }
0x1e8: {  	v2 =	vld [tilespmem:s1+$0xFFFFFB50];
	v43 =	vadd.f32 v44, v43  }
0x1e9: {  	v1 =	vld [tilespmem:s1+$0xFFFFFB70]  }
0x1ea: {  	v0 =	vld [tilespmem:s1+$0xFFFFFB20];
	v43 =	vadd.f32 v45, v43  }
0x1eb: {  	v5 =	vld [tilespmem:s1+$0xFFFFF620]  }
0x1ec: {  	v6 =	vld [tilespmem:s1+$0xFFFFF640];
	v43 =	vadd.f32 v46, v43  }
0x1ed: {  	v3 =	vld [tilespmem:s1+$0xFFFFF650]  }
0x1ee: {  	v4 =	vld [tilespmem:s1+$0xFFFFF670];
	v43 =	vadd.f32 v48, v43  }
0x1ef: {  	v7 =	vld [tilespmem:s1+$0xFFFFF690]  }
0x1f0: {  	v8 =	vld [tilespmem:s1+$0xFFFFF6B0];
	v43 =	vadd.f32 v49, v43  }
0x1f1: {  	v9 =	vld [tilespmem:s1+$0xFFFFF6D0]  }
0x1f2: {  	v44 =	vld [tilespmem:s1+$0xFFFFFC90];
	v43 =	vadd.f32 v50, v43  }
0x1f3: {  	v45 =	vld [tilespmem:s1+$0xFFFFFCB0]  }
0x1f4: {  	v46 =	vld [tilespmem:s1+$0xFFFFFC60];
	v43 =	vadd.f32 v51, v43  }
0x1f5: {  	v48 =	vld [tilespmem:s1+$0xFFFFFC10]  }
0x1f6: {  	v49 =	vld [tilespmem:s1+$0xFFFFFC30];
	v43 =	vadd.f32 v53, v43  }
0x1f7: {  	v50 =	vld [tilespmem:s1+$0xFFFFFBE0]  }
0x1f8: {  	v43 =	vadd.f32 v54, v43;
	v54 =	vld [tilespmem:s1+$0xFFFFFB60]  }
0x1f9: {  	v51 =	vld [tilespmem:s1+$0xFFFFFB90]  }
0x1fa: {  	v53 =	vld [tilespmem:s1+$0xFFFFFBB0];
	v43 =	vadd.f32 v52, v43  }
0x1fb: {  	v0 =	vadd.f32 $0.0e+00, v0;
	v52 =	vld [tilespmem:s1+$0xFFFFFB10]  }
0x1fc: {  	v43 =	vadd.f32 v47, v43;
	v47 =	vld [tilespmem:s1+$0xFFFFFB30]  }
0x1fd: {  	v0 =	vadd.f32 v54, v0;
	v54 =	vld [tilespmem:s1+$0xFFFFF730]  }
0x1fe: {  	v42 =	vadd.f32 v42, v43;
	v43 =	vld [tilespmem:s1+$0xFFFFF630]  }
0x1ff: {  	v0 =	vadd.f32 v10, v0;
	v10 =	vld [tilespmem:s1+$0xFFFFF710]  }
0x200: {  	v41 =	vadd.f32 v41, v42;
	v42 =	vld [tilespmem:s1+$0xFFFFF610]  }
0x201: {  	v47 =	vadd.f32 $0.0e+00, v47;
	v0 =	vadd.f32 v50, v0;
	v50 =	vld [tilespmem:s1+$0xFFFFF7D0]  }
0x202: {  	v40 =	vadd.f32 v40, v41;
	v41 =	vld [tilespmem:s1+$0xFFFFF660]  }
0x203: {  	v1 =	vadd.f32 v1, v47;
	v47 =	vld [tilespmem:s1+$0xFFFFF720]  }
0x204: {  	v0 =	vadd.f32 v62, v0;
	v62 =	vld [tilespmem:s1+$0xFFFFF8C0]  }
0x205: {  	v43 =	vadd.f32 $0.0e+00, v43;
	v39 =	vadd.f32 v39, v40;
	v40 =	vld [tilespmem:s1+$0xFFFFF680]  }
0x206: {  	v1 =	vadd.f32 v53, v1;
	v53 =	vld [tilespmem:s1+$0xFFFFF800]  }
0x207: {  	v4 =	vadd.f32 v4, v43;
	v43 =	vld [tilespmem:s1+$0xFFFFF9D0]  }
0x208: {  	v42 =	vadd.f32 $0.0e+00, v42;
	v0 =	vadd.f32 v46, v0;
	v46 =	vld [tilespmem:$0x1FEA0]  }
0x209: {  	v5 =	vadd.f32 $0.0e+00, v5;
	v38 =	vadd.f32 v38, v39;
	v39 =	vld [tilespmem:s1+$0xFFFFF6A0]  }
0x20a: {  	v3 =	vadd.f32 v3, v42;
	v42 =	vld [tilespmem:s1+$0xFFFFF740]  }
0x20b: {  	v5 =	vadd.f32 v41, v5;
	v41 =	vld [tilespmem:s1+$0xFFFFF750]  }
0x20c: {  	v1 =	vadd.f32 v11, v1;
	v11 =	vld [tilespmem:s1+$0xFFFFF780]  }
0x20d: {  	v4 =	vadd.f32 v8, v4;
	v8 =	vld [tilespmem:s1+$0xFFFFF790]  }
0x20e: {  	v0 =	vadd.f32 v59, v0;
	v59 =	vld [tilespmem:s1+$0xFFFFF880]  }
0x20f: {  	v37 =	vadd.f32 v37, v38;
	v38 =	vadd.f32 $0.0e+00, v52;
	v52 =	vld [tilespmem:s1+$0xFFFFF6C0]  }
0x210: {  	v3 =	vadd.f32 v7, v3;
	v7 =	vld [tilespmem:s1+$0xFFFFF770]  }
0x211: {  	v6 =	vadd.f32 $0.0e+00, v6;
	v1 =	vadd.f32 v49, v1;
	v49 =	vld [tilespmem:s1+$0xFFFFF7C0]  }
0x212: {  	v0 =	vadd.f32 v57, v0;
	v57 =	vld [tilespmem:s1+$0xFFFFF830]  }
0x213: {  	v6 =	vadd.f32 v40, v6;
	v40 =	vld [tilespmem:$0x1FE70]  }
0x214: {  	v36 =	vadd.f32 v36, v37;
	v37 =	vld [tilespmem:s1+$0xFFFFF6E0]  }
0x215: {  	v2 =	vadd.f32 v2, v38;
	v38 =	vld [tilespmem:s1+$0xFFFFF6F0]  }
0x216: {  	v3 =	vadd.f32 v9, v3;
	v9 =	vld [tilespmem:s1+$0xFFFFF7B0]  }
0x217: {  	v1 =	vadd.f32 v61, v1;
	v61 =	vld [tilespmem:s1+$0xFFFFF8B0]  }
0x218: {  	v0 =	vadd.f32 v35, v0;
	v35 =	vld [tilespmem:s1+$0xFFFFF920]  }
0x219: {  	v5 =	vadd.f32 v39, v5;
	v39 =	vld [tilespmem:s1+$0xFFFFF9A0]  }
0x21a: {  	v24 =	vadd.f32 v24, v36;
	v36 =	vld [tilespmem:s1+$0xFFFFF700]  }
0x21b: {  	v2 =	vadd.f32 v51, v2;
	v51 =	vld [tilespmem:$0x1FED0]  }
0x21c: {  	v6 =	vadd.f32 v52, v6;
	v52 =	vld [tilespmem:s1+$0xFFFFF7E0]  }
0x21d: {  	v3 =	vadd.f32 v10, v3;
	v10 =	vld [tilespmem:s1+$0xFFFFF7F0]  }
0x21e: {  	v1 =	vadd.f32 v45, v1;
	v0 =	vadd.f32 v32, v0;
	v45 =	vld [tilespmem:s1+$0xFFFFF9E0]  }
0x21f: {  	v2 =	vadd.f32 v63, v2;
	v63 =	vld [tilespmem:s1+$0xFFFFF760];
	v5 =	vadd.f32 v37, v5  }
0x220: {  	v4 =	vadd.f32 v38, v4;
	v1 =	vadd.f32 v58, v1;
	v58 =	vld [tilespmem:s1+$0xFFFFF840]  }
0x221: {  	v3 =	vadd.f32 v41, v3;
	v0 =	vadd.f32 v29, v0;
	v37 =	vld [tilespmem:s1+$0xFFFFF980]  }
0x222: {  	v38 =	vld [tilespmem:s1+$0xFFFFF990];
	v2 =	vadd.f32 v48, v2;
	v6 =	vadd.f32 v36, v6  }
0x223: {  	v41 =	vld [tilespmem:s1+$0xFFFFF9C0];
	v5 =	vadd.f32 v47, v5;
	v4 =	vadd.f32 v54, v4  }
0x224: {  	v48 =	vld [tilespmem:s1+$0xFFFFF7A0];
	v1 =	vadd.f32 v34, v1;
	v3 =	vadd.f32 v8, v3  }
0x225: {  	v54 =	vld [tilespmem:s1+$0xFFFFF810];
	v0 =	vadd.f32 v26, v0;
	v2 =	vadd.f32 v60, v2  }
0x226: {  	v8 =	vld [tilespmem:s1+$0xFFFFF870];
	v6 =	vadd.f32 v42, v6;
	v5 =	vadd.f32 v63, v5  }
0x227: {  	v34 =	vld [tilespmem:s1+$0xFFFFF910];
	v4 =	vadd.f32 v7, v4;
	v1 =	vadd.f32 v31, v1  }
0x228: {  	v36 =	vld [tilespmem:s1+$0xFFFFF960];
	v3 =	vadd.f32 v50, v3;
	v0 =	vadd.f32 v22, v0  }
0x229: {  	v47 =	vld [tilespmem:s1+$0xFFFFF9F0];
	v2 =	vadd.f32 v44, v2;
	v6 =	vadd.f32 v11, v6  }
0x22a: {  	v60 =	vld [tilespmem:s1+$0xFFFFF8A0];
	v5 =	vadd.f32 v48, v5;
	v4 =	vadd.f32 v9, v4  }
0x22b: {  	v7 =	vld [tilespmem:s1+$0xFFFFF850];
	v1 =	vadd.f32 v28, v1;
	v0 =	vadd.f32 v19, v0  }
0x22c: {  	v63 =	vld [tilespmem:s1+$0xFFFFF8E0];
	v2 =	vadd.f32 v56, v2;
	v3 =	vadd.f32 v54, v3  }
0x22d: {  	v9 =	vld [tilespmem:s1+$0xFFFFF890];
	v6 =	vadd.f32 v49, v6;
	v5 =	vadd.f32 v52, v5  }
0x22e: {  	v56 =	vld [tilespmem:s1+$0xFFFFF820];
	v4 =	vadd.f32 v10, v4;
	v1 =	vadd.f32 v25, v1  }
0x22f: {  	v31 =	vld [tilespmem:s1+$0xFFFFF8F0];
	v0 =	vadd.f32 v16, v0;
	v2 =	vadd.f32 v55, v2  }
0x230: {  	v42 =	vld [tilespmem:$0x1FE80];
	v3 =	vadd.f32 v7, v3;
	v6 =	vadd.f32 v53, v6  }
0x231: {  	v10 =	vld [tilespmem:s1+$0xFFFFF8D0];
	v4 =	vadd.f32 v57, v4;
	v1 =	vadd.f32 v21, v1  }
0x232: {  	v11 =	vld [tilespmem:s1+$0xFFFFF860];
	v0 =	vadd.f32 v13, v0;
	v2 =	vadd.f32 v33, v2  }
0x233: {  	v50 =	vld [tilespmem:$0x1FEC0];
	v3 =	vadd.f32 v9, v3;
	v5 =	vadd.f32 v56, v5  }
0x234: {  	v48 =	vld [tilespmem:$0x1FEB0];
	v6 =	vadd.f32 v58, v6;
	v1 =	vadd.f32 v18, v1  }
0x235: {  	v44 =	vld [tilespmem:$0x1FE90];
	v4 =	vadd.f32 v8, v4;
	v0 =	vadd.f32 v42, v0  }
0x236: {  	v54 =	vld [tilespmem:s1+$0xFFFFFA40];
	v2 =	vadd.f32 v30, v2;
	v3 =	vadd.f32 v10, v3  }
0x237: {  	v52 =	vld [tilespmem:$0x1FEE0];
	v5 =	vadd.f32 v11, v5;
	v6 =	vadd.f32 v59, v6  }
0x238: {  	v8 =	vld [tilespmem:s1+$0xFFFFF950];
	v1 =	vadd.f32 v15, v1;
	v4 =	vadd.f32 v61, v4  }
0x239: {  	v7 =	vld [tilespmem:s1+$0xFFFFF930];
	v0 =	vadd.f32 v48, v0;
	v2 =	vadd.f32 v27, v2  }
0x23a: {  	v33 =	vld [tilespmem:s1+$0xFFFFF900];
	v3 =	vadd.f32 v34, v3;
	v5 =	vadd.f32 v60, v5  }
0x23b: {  	v56 =	vld [tilespmem:$0x1FF10];
	v6 =	vadd.f32 v62, v6;
	v1 =	vadd.f32 v12, v1  }
0x23c: {  	v49 =	vld [tilespmem:s1+$0xFFFFFA00];
	v4 =	vadd.f32 v31, v4;
	v0 =	vadd.f32 v52, v0  }
0x23d: {  	v55 =	vld [tilespmem:$0x1FF00];
	v2 =	vadd.f32 v23, v2;
	v3 =	vadd.f32 v8, v3  }
0x23e: {  	v11 =	vld [tilespmem:s1+$0xFFFFF940];
	v5 =	vadd.f32 v63, v5;
	v1 =	vadd.f32 v44, v1  }
0x23f: {  	v9 =	vld [tilespmem:s1+$0xFFFFF970];
	v6 =	vadd.f32 v33, v6;
	v2 =	vadd.f32 v20, v2  }
0x240: {  	v53 =	vld [tilespmem:$0x1FEF0];
	v4 =	vadd.f32 v7, v4;
	v21 =	vadd.f32 v56, v0  }
0x241: {  	v57 =	vld [tilespmem:$0x1FF20];
	v3 =	vadd.f32 v38, v3;
	v2 =	vadd.f32 v17, v2  }
0x242: {  	v10 =	vld [tilespmem:s1+$0xFFFFF9B0];
	v5 =	vadd.f32 v35, v5;
	v1 =	vadd.f32 v50, v1  }
0x243: {  	v7 =	vld [tilespmem:s1+$0xFFFFFA10];
	v6 =	vadd.f32 v11, v6;
	v2 =	vadd.f32 v14, v2  }
0x244: {  	v58 =	vld [tilespmem:s1+$0xFFFFFA70];
	v4 =	vadd.f32 v9, v4;
	v3 =	vadd.f32 v43, v3  }
0x245: {  	v59 =	vld [tilespmem:s1+$0xFFFFFA90];
	v1 =	vadd.f32 v53, v1;
	v2 =	vadd.f32 v40, v2  }
0x246: {  	v8 =	vld [tilespmem:s1+$0xFFFFFA30];
	v5 =	vadd.f32 v36, v5;
	v0 =	vadd.f32 v37, v6  }
0x247: {  	v9 =	vld [tilespmem:s1+$0xFFFFFA50];
	v4 =	vadd.f32 v10, v4;
	v2 =	vadd.f32 v46, v2  }
0x248: {  	v11 =	vld [tilespmem:s1+$0xFFFFFA20];
	v3 =	vadd.f32 v7, v3;
	v1 =	vadd.f32 v57, v1  }
0x249: {  	v60 =	vld [tilespmem:s1+$0xFFFFFAA0];
	v5 =	vadd.f32 v39, v5;
	v2 =	vadd.f32 v51, v2  }
0x24a: {  	v6 =	vld [tilespmem:s1+$0xFFFFFA60];
	v0 =	vadd.f32 v41, v0;
	v4 =	vadd.f32 v47, v4  }
0x24b: {  	v10 =	vld [tilespmem:s1+$0xFFFFFA80];
	v5 =	vadd.f32 v45, v5;
	v2 =	vadd.f32 v55, v2  }
0x24c: {  	v62 =	vmul.f32 $5.000000070e-02, v24;
	v63 =	vld [tilespmem:s1+$0xFFFFFAB0];
	v9 =	vadd.f32 v9, v3;
	v61 =	vadd.f32 v49, v0  }
0x24d: {  	s30 =	simm.s32 $0x17070;
	v3 =	vld [tilespmem:s1+$0xFFFFFAD0];
	v4 =	vadd.f32 v8, v4;
	v5 =	vadd.f32 v11, v5;
	v2 =	vmul.f32 $5.000000070e-02, v2  }
0x24e: {  	[tilespmem:s30+$0x0] =	vst v62;
	v0 =	vld [tilespmem:s1+$0xFFFFFAC0];
	v8 =	vmul.f32 $5.000000070e-02, v21;
	v7 =	vadd.f32 v54, v61  }
0x24f: {  	v11 =	vadd.f32 v58, v4;
	v4 =	vld [tilespmem:s1+$0xFFFFFAE0];
	[tilespmem:s30+$0xFFFFFFD0] =	vst v2;
	v2 =	vadd.f32 v6, v5;
	v6 =	vmul.f32 $5.000000070e-02, v1  }
0x250: {  	[tilespmem:s30+$0xFFFFFFE0] =	vst v8;
	v1 =	vadd.f32 v10, v7;
	v7 =	vadd.f32 v59, v9;
	v5 =	vld [tilespmem:s1+$0xFFFFFAF0]  }
0x251: {  	s31 =	simm.s32 $0x0;
	s0 =	simm.s32 $0xDBF0;
	v9 =	vadd.f32 v63, v11;
	[tilespmem:s30+$0xFFFFFFF0] =	vst v6;
	v8 =	vadd.f32 v60, v2;
	v6 =	vld [tilespmem:s1+$0xFFFFFB00]  }
.LBB2_5:
0x252: {  	v2 =	vld [tilespmem:s0+$0xFFFFFFD0]  }
0x253: {  	v33 =	vld [tilespmem:s0+$0x0]  }
0x254: {  	v37 =	vld [tilespmem:s0+$0xFFFFFFC0]  }
0x255: {  	v41 =	vld [tilespmem:s0+$0xFFFFFF80]  }
0x256: {  	v11 =	vld [tilespmem:s0+$0xFFFFFF10]  }
0x257: {  	v43 =	vld [tilespmem:s0+$0xFFFFFF40]  }
0x258: {  	v14 =	vld [tilespmem:s0+$0xFFFFFED0]  }
0x259: {  	v13 =	vld [tilespmem:s0+$0xFFFFFEE0]  }
0x25a: {  	v12 =	vld [tilespmem:s0+$0xFFFFFEF0]  }
0x25b: {  	v44 =	vld [tilespmem:s0+$0xFFFFFF00]  }
0x25c: {  	v17 =	vld [tilespmem:s0+$0xFFFFFE90]  }
0x25d: {  	v16 =	vld [tilespmem:s0+$0xFFFFFEA0]  }
0x25e: {  	v15 =	vld [tilespmem:s0+$0xFFFFFEB0]  }
0x25f: {  	v45 =	vld [tilespmem:s0+$0xFFFFFEC0]  }
0x260: {  	v20 =	vld [tilespmem:s0+$0xFFFFFE50]  }
0x261: {  	v19 =	vld [tilespmem:s0+$0xFFFFFE60]  }
0x262: {  	v18 =	vld [tilespmem:s0+$0xFFFFFE70]  }
0x263: {  	v46 =	vld [tilespmem:s0+$0xFFFFFE80]  }
0x264: {  	v23 =	vld [tilespmem:s0+$0xFFFFFE10]  }
0x265: {  	v22 =	vld [tilespmem:s0+$0xFFFFFE20]  }
0x266: {  	v21 =	vld [tilespmem:s0+$0xFFFFFE30]  }
0x267: {  	v47 =	vld [tilespmem:s0+$0xFFFFFE40]  }
0x268: {  	v26 =	vld [tilespmem:s0+$0xFFFFFB40]  }
0x269: {  	v24 =	vld [tilespmem:s0+$0xFFFFFDD0]  }
0x26a: {  	v27 =	vld [tilespmem:s0+$0xFFFFFB80]  }
0x26b: {  	v25 =	vld [tilespmem:s0+$0xFFFFFDE0]  }
0x26c: {  	v28 =	vld [tilespmem:s0+$0xFFFFFBC0]  }
0x26d: {  	v30 =	vld [tilespmem:s0+$0xFFFFFC00]  }
0x26e: {  	v42 =	vld [tilespmem:s0+$0xFFFFFE00]  }
0x26f: {  	v60 =	vld [tilespmem:s0+$0xFFFFFC40]  }
0x270: {  	v31 =	vld [tilespmem:s0+$0xFFFFFC80]  }
0x271: {  	v32 =	vld [tilespmem:s0+$0xFFFFFCC0]  }
0x272: {  	v34 =	vld [tilespmem:s0+$0xFFFFFD00]  }
0x273: {  	v38 =	vld [tilespmem:s0+$0xFFFFFDC0]  }
0x274: {  	v35 =	vld [tilespmem:s0+$0xFFFFFD40]  }
0x275: {  	v39 =	vld [tilespmem:s0+$0xFFFFFD80]  }
0x276: {  	v36 =	vld [tilespmem:s0+$0xFFFFFD10]  }
0x277: {  	v49 =	vld [tilespmem:s0+$0xFFFFFC90]  }
0x278: {  	v50 =	vld [tilespmem:s0+$0xFFFFFCA0]  }
0x279: {  	v51 =	vld [tilespmem:s0+$0xFFFFFC60]  }
0x27a: {  	v52 =	vld [tilespmem:s0+$0xFFFFFC10]  }
0x27b: {  	v53 =	vld [tilespmem:s0+$0xFFFFFC30]  }
0x27c: {  	v54 =	vld [tilespmem:s0+$0xFFFFFBE0]  }
0x27d: {  	v55 =	vld [tilespmem:s0+$0xFFFFFB90]  }
0x27e: {  	v56 =	vld [tilespmem:s0+$0xFFFFFBB0]  }
0x27f: {  	v57 =	vld [tilespmem:s0+$0xFFFFFB60];
	v29 =	vadd.f32 $0.0e+00, v26  }
0x280: {  	v58 =	vld [tilespmem:s0+$0xFFFFFB10]  }
0x281: {  	v59 =	vld [tilespmem:s0+$0xFFFFFB20];
	v27 =	vadd.f32 v27, v29  }
0x282: {  	v10 =	vadd.f32 v0, v1;
	v1 =	vld [tilespmem:s0+$0xFFFFFFE0]  }
0x283: {  	v0 =	vld [tilespmem:s0+$0xFFFFFFF0];
	v28 =	vadd.f32 v28, v27  }
0x284: {  	v3 =	vadd.f32 v3, v7;
	v5 =	vadd.f32 v5, v9;
	v9 =	vld [tilespmem:s0+$0xFFFFFF30]  }
0x285: {  	v4 =	vadd.f32 v4, v8;
	v26 =	vld [tilespmem:s0+$0xFFFFFDF0];
	v30 =	vadd.f32 v30, v28  }
0x286: {  	v7 =	vmul.f32 $5.000000070e-02, v3;
	v3 =	vld [tilespmem:s0+$0xFFFFFF90]  }
0x287: {  	v8 =	vmul.f32 $5.000000070e-02, v4;
	v4 =	vld [tilespmem:s0+$0xFFFFFFA0];
	v30 =	vadd.f32 v60, v30  }
0x288: {  	v6 =	vadd.f32 v6, v10;
	v10 =	vld [tilespmem:s0+$0xFFFFFF20]  }
0x289: {  	v29 =	vld [tilespmem:s0+$0xFFFFFDB0];
	v30 =	vadd.f32 v31, v30  }
0x28a: {  	[tilespmem:s30+$0xFFFFFF90] =	vst v7;
	v7 =	vmul.f32 $5.000000070e-02, v5;
	v5 =	vld [tilespmem:s0+$0xFFFFFFB0]  }
0x28b: {  	[tilespmem:s30+$0xFFFFFFA0] =	vst v8;
	v8 =	vld [tilespmem:s0+$0xFFFFFF50];
	v30 =	vadd.f32 v32, v30  }
0x28c: {  	v6 =	vmul.f32 $5.000000070e-02, v6;
	v27 =	vld [tilespmem:s0+$0xFFFFFD90]  }
0x28d: {  	[tilespmem:s30+$0xFFFFFFB0] =	vst v7;
	v7 =	vld [tilespmem:s0+$0xFFFFFF60];
	v34 =	vadd.f32 v34, v30  }
0x28e: {  	[tilespmem:s30+$0xFFFFFFC0] =	vst v6;
	v6 =	vld [tilespmem:s0+$0xFFFFFF70]  }
0x28f: {  	v28 =	vld [tilespmem:s0+$0xFFFFFDA0];
	v40 =	vadd.f32 v35, v34  }
0x290: {  	v61 =	vld [tilespmem:s0+$0xFFFFF630]  }
0x291: {  	v62 =	vld [tilespmem:s0+$0xFFFFF640];
	v48 =	vadd.f32 v39, v40  }
0x292: {  	v63 =	vld [tilespmem:s0+$0xFFFFF610]  }
0x293: {  	[tilespmem:$0x1FE60] =	vst v0;
	v0 =	vld [tilespmem:s0+$0xFFFFF650];
	v48 =	vadd.f32 v38, v48  }
0x294: {  	v59 =	vadd.f32 $0.0e+00, v59;
	v60 =	vld [tilespmem:s0+$0xFFFFFB30]  }
0x295: {  	v31 =	vld [tilespmem:s0+$0xFFFFFD50];
	v48 =	vadd.f32 v42, v48  }
0x296: {  	v57 =	vadd.f32 v57, v59;
	v59 =	vadd.f32 $0.0e+00, v61;
	v61 =	vld [tilespmem:s0+$0xFFFFF670]  }
0x297: {  	v32 =	vld [tilespmem:s0+$0xFFFFFD60];
	v47 =	vadd.f32 v47, v48  }
0x298: {  	v30 =	vld [tilespmem:s0+$0xFFFFFD70]  }
0x299: {  	v35 =	vld [tilespmem:s0+$0xFFFFFD20];
	v46 =	vadd.f32 v46, v47  }
0x29a: {  	v34 =	vld [tilespmem:s0+$0xFFFFFD30]  }
0x29b: {  	v40 =	vld [tilespmem:s0+$0xFFFFFCD0];
	v45 =	vadd.f32 v45, v46  }
0x29c: {  	v39 =	vld [tilespmem:s0+$0xFFFFFCE0]  }
0x29d: {  	v38 =	vld [tilespmem:s0+$0xFFFFFCF0];
	v44 =	vadd.f32 v44, v45  }
0x29e: {  	v42 =	vld [tilespmem:s0+$0xFFFFFCB0]  }
0x29f: {  	v48 =	vld [tilespmem:s0+$0xFFFFFC50];
	v43 =	vadd.f32 v43, v44  }
0x2a0: {  	v47 =	vld [tilespmem:s0+$0xFFFFFC70]  }
0x2a1: {  	v46 =	vld [tilespmem:s0+$0xFFFFFC20];
	v41 =	vadd.f32 v41, v43  }
0x2a2: {  	v43 =	vld [tilespmem:s0+$0xFFFFFBA0]  }
0x2a3: {  	v37 =	vadd.f32 v37, v41;
	v41 =	vld [tilespmem:s0+$0xFFFFFB50]  }
0x2a4: {  	v45 =	vld [tilespmem:s0+$0xFFFFFBD0]  }
0x2a5: {  	v33 =	vadd.f32 v33, v37;
	v37 =	vld [tilespmem:s0+$0xFFFFFB70]  }
0x2a6: {  	v58 =	vadd.f32 $0.0e+00, v58;
	v44 =	vld [tilespmem:s0+$0xFFFFFBF0]  }
0x2a7: {  	v43 =	vadd.f32 v43, v57;
	v57 =	vld [tilespmem:s0+$0xFFFFF6A0]  }
0x2a8: {  	v60 =	vadd.f32 $0.0e+00, v60;
	v33 =	vmul.f32 $5.000000070e-02, v33;
	v41 =	vadd.f32 v41, v58;
	v58 =	vld [tilespmem:s0+$0xFFFFF660]  }
0x2a9: {  	s30 =	sadd.s32 $0x80, s30;
	v43 =	vadd.f32 v54, v43;
	v54 =	vld [tilespmem:s0+$0xFFFFF810]  }
0x2aa: {  	[tilespmem:s30+$0x0] =	vst v33;
	v33 =	vld [tilespmem:s0+$0xFFFFF620];
	v37 =	vadd.f32 v37, v60;
	v60 =	vadd.f32 $0.0e+00, v62  }
0x2ab: {  	v62 =	vld [tilespmem:s0+$0xFFFFF680];
	v41 =	vadd.f32 v55, v41;
	v55 =	vadd.f32 $0.0e+00, v63  }
0x2ac: {  	v63 =	vld [tilespmem:s0+$0xFFFFF690];
	v43 =	vadd.f32 v46, v43;
	v37 =	vadd.f32 v56, v37  }
0x2ad: {  	v41 =	vadd.f32 v45, v41;
	v0 =	vadd.f32 v0, v55;
	v45 =	vld [tilespmem:s0+$0xFFFFF6B0]  }
0x2ae: {  	v55 =	vadd.f32 v61, v59;
	v56 =	vld [tilespmem:s0+$0xFFFFF6C0];
	v43 =	vadd.f32 v51, v43  }
0x2af: {  	v59 =	vld [tilespmem:s0+$0xFFFFF700];
	v33 =	vadd.f32 $0.0e+00, v33;
	v37 =	vadd.f32 v44, v37  }
0x2b0: {  	v41 =	vadd.f32 v52, v41;
	v52 =	vld [tilespmem:s0+$0xFFFFF740];
	v43 =	vadd.f32 v50, v43  }
0x2b1: {  	v50 =	vld [tilespmem:s0+$0xFFFFF7F0];
	v61 =	vadd.f32 v62, v60;
	v0 =	vadd.f32 v63, v0  }
0x2b2: {  	v62 =	vld [tilespmem:s0+$0xFFFFF6D0];
	v33 =	vadd.f32 v58, v33;
	v37 =	vadd.f32 v53, v37  }
0x2b3: {  	v63 =	vld [tilespmem:s0+$0xFFFFF6E0];
	v41 =	vadd.f32 v48, v41;
	v39 =	vadd.f32 v39, v43  }
0x2b4: {  	v44 =	vld [tilespmem:s0+$0xFFFFF8C0];
	v45 =	vadd.f32 v45, v55;
	v60 =	vadd.f32 v56, v61  }
0x2b5: {  	v61 =	vld [tilespmem:s0+$0xFFFFF710];
	v33 =	vadd.f32 v57, v33;
	v37 =	vadd.f32 v47, v37  }
0x2b6: {  	v53 =	vld [tilespmem:s0+$0xFFFFF750];
	v41 =	vadd.f32 v49, v41;
	v35 =	vadd.f32 v35, v39  }
0x2b7: {  	v57 =	vld [tilespmem:s0+$0xFFFFF6F0];
	v46 =	vadd.f32 v59, v60;
	v0 =	vadd.f32 v62, v0  }
0x2b8: {  	v58 =	vld [tilespmem:s0+$0xFFFFF780];
	v33 =	vadd.f32 v63, v33;
	v37 =	vadd.f32 v42, v37  }
0x2b9: {  	v60 =	vld [tilespmem:s0+$0xFFFFF790];
	v40 =	vadd.f32 v40, v41;
	v32 =	vadd.f32 v32, v35  }
0x2ba: {  	v62 =	vld [tilespmem:s0+$0xFFFFF720];
	v59 =	vadd.f32 v52, v46;
	v0 =	vadd.f32 v61, v0  }
0x2bb: {  	v63 =	vld [tilespmem:s0+$0xFFFFF730];
	v37 =	vadd.f32 v38, v37;
	v36 =	vadd.f32 v36, v40  }
0x2bc: {  	v55 =	vld [tilespmem:s0+$0xFFFFF760];
	v28 =	vadd.f32 v28, v32;
	v45 =	vadd.f32 v57, v45  }
0x2bd: {  	v46 =	vld [tilespmem:s0+$0xFFFFF7C0];
	v47 =	vadd.f32 v58, v59;
	v0 =	vadd.f32 v53, v0  }
0x2be: {  	v56 =	vld [tilespmem:s0+$0xFFFFF770];
	v34 =	vadd.f32 v34, v37;
	v31 =	vadd.f32 v31, v36  }
0x2bf: {  	v48 =	vld [tilespmem:s0+$0xFFFFF7D0];
	v25 =	vadd.f32 v25, v28;
	v33 =	vadd.f32 v62, v33  }
0x2c0: {  	v52 =	vld [tilespmem:s0+$0xFFFFF800];
	v57 =	vadd.f32 v63, v45;
	v0 =	vadd.f32 v60, v0  }
0x2c1: {  	v61 =	vld [tilespmem:s0+$0xFFFFF7A0];
	v30 =	vadd.f32 v30, v34;
	v27 =	vadd.f32 v27, v31  }
0x2c2: {  	v62 =	vld [tilespmem:s0+$0xFFFFF7B0];
	v53 =	vadd.f32 v46, v47;
	v22 =	vadd.f32 v22, v25  }
0x2c3: {  	v49 =	vld [tilespmem:s0+$0xFFFFF7E0];
	v33 =	vadd.f32 v55, v33;
	v63 =	vadd.f32 v56, v57  }
0x2c4: {  	v59 =	vld [tilespmem:s0+$0xFFFFF840];
	v0 =	vadd.f32 v48, v0;
	v29 =	vadd.f32 v29, v30  }
0x2c5: {  	v39 =	vld [tilespmem:s0+$0xFFFFF890];
	v24 =	vadd.f32 v24, v27;
	v60 =	vadd.f32 v52, v53  }
0x2c6: {  	v37 =	vld [tilespmem:s0+$0xFFFFF880];
	v19 =	vadd.f32 v19, v22;
	v33 =	vadd.f32 v61, v33  }
0x2c7: {  	v55 =	vld [tilespmem:s0+$0xFFFFF820];
	v51 =	vadd.f32 v62, v63;
	v26 =	vadd.f32 v26, v29  }
0x2c8: {  	v57 =	vld [tilespmem:s0+$0xFFFFF830];
	v0 =	vadd.f32 v54, v0;
	v23 =	vadd.f32 v23, v24  }
0x2c9: {  	v61 =	vld [tilespmem:s0+$0xFFFFF850];
	v38 =	vadd.f32 v59, v60;
	v16 =	vadd.f32 v16, v19  }
0x2ca: {  	v35 =	vld [tilespmem:s0+$0xFFFFF870];
	v56 =	vadd.f32 v49, v33;
	v58 =	vadd.f32 v50, v51  }
0x2cb: {  	v62 =	vld [tilespmem:s0+$0xFFFFF860];
	v21 =	vadd.f32 v21, v26;
	v20 =	vadd.f32 v20, v23  }
0x2cc: {  	v42 =	vld [tilespmem:s0+$0xFFFFF8B0];
	v45 =	vadd.f32 v37, v38;
	v13 =	vadd.f32 v13, v16  }
0x2cd: {  	v40 =	vld [tilespmem:s0+$0xFFFFF8A0];
	v63 =	vadd.f32 v55, v56;
	v36 =	vadd.f32 v57, v58  }
0x2ce: {  	v46 =	vld [tilespmem:s0+$0xFFFFF8D0];
	v0 =	vadd.f32 v61, v0;
	v18 =	vadd.f32 v18, v21  }
0x2cf: {  	v51 =	vld [tilespmem:s0+$0xFFFFF900];
	v17 =	vadd.f32 v17, v20;
	v52 =	vadd.f32 v44, v45  }
0x2d0: {  	v47 =	vld [tilespmem:s0+$0xFFFFF8E0];
	v10 =	vadd.f32 v10, v13;
	v41 =	vadd.f32 v62, v63  }
0x2d1: {  	v53 =	vld [tilespmem:s0+$0xFFFFF910];
	v43 =	vadd.f32 v35, v36;
	v0 =	vadd.f32 v39, v0  }
0x2d2: {  	v54 =	vld [tilespmem:s0+$0xFFFFF920];
	v15 =	vadd.f32 v15, v18;
	v14 =	vadd.f32 v14, v17  }
0x2d3: {  	v49 =	vld [tilespmem:s0+$0xFFFFF8F0];
	v7 =	vadd.f32 v7, v10;
	v48 =	vadd.f32 v40, v41  }
0x2d4: {  	v60 =	vld [tilespmem:s0+$0xFFFFF950];
	v59 =	vadd.f32 v51, v52;
	v50 =	vadd.f32 v42, v43  }
0x2d5: {  	v56 =	vld [tilespmem:s0+$0xFFFFF930];
	v12 =	vadd.f32 v12, v15;
	v0 =	vadd.f32 v46, v0  }
0x2d6: {  	v58 =	vld [tilespmem:s0+$0xFFFFF940];
	v11 =	vadd.f32 v11, v14;
	v4 =	vadd.f32 v4, v7  }
0x2d7: {  	v61 =	vld [tilespmem:s0+$0xFFFFF970];
	v55 =	vadd.f32 v47, v48;
	v9 =	vadd.f32 v9, v12  }
0x2d8: {  	v62 =	vld [tilespmem:s0+$0xFFFFF980];
	v57 =	vadd.f32 v49, v50;
	v8 =	vadd.f32 v8, v11  }
0x2d9: {  	v0 =	vadd.f32 v53, v0;
	v11 =	vld [tilespmem:s0+$0xFFFFF960];
	v6 =	vadd.f32 v6, v9  }
0x2da: {  	v63 =	vld [tilespmem:s0+$0xFFFFF990];
	v9 =	vadd.f32 v56, v57;
	v3 =	vadd.f32 v3, v8  }
0x2db: {  	v7 =	vld [tilespmem:s0+$0xFFFFF9A0];
	v10 =	vadd.f32 v54, v55;
	v8 =	vadd.f32 v58, v59  }
0x2dc: {  	v2 =	vadd.f32 v2, v3;
	v3 =	vadd.f32 v61, v9;
	v9 =	vld [tilespmem:s0+$0xFFFFF9C0]  }
0x2dd: {  	v1 =	vadd.f32 v1, v4;
	v4 =	vadd.f32 v62, v8;
	v8 =	vld [tilespmem:s0+$0xFFFFF9D0]  }
0x2de: {  	v5 =	vadd.f32 v5, v6;
	v6 =	vadd.f32 v11, v10;
	v11 =	vld [tilespmem:$0x1FE60]  }
0x2df: {  	v0 =	vadd.f32 v60, v0  }
0x2e0: {  	v1 =	vmul.f32 $5.000000070e-02, v1;
	v10 =	vld [tilespmem:s0+$0xFFFFF9B0]  }
0x2e1: {  	v0 =	vadd.f32 v63, v0;
	v6 =	vadd.f32 v7, v6;
	v7 =	vld [tilespmem:s0+$0xFFFFF9F0]  }
0x2e2: {  	[tilespmem:s30+$0xFFFFFFE0] =	vst v1;
	v1 =	vadd.f32 v9, v4;
	v4 =	vld [tilespmem:s0+$0xFFFFFA10]  }
0x2e3: {  	v2 =	vmul.f32 $5.000000070e-02, v2;
	v0 =	vadd.f32 v8, v0;
	v8 =	vld [tilespmem:s0+$0xFFFFFA30];
	v5 =	vadd.f32 v11, v5  }
0x2e4: {  	v9 =	vld [tilespmem:s0+$0xFFFFFAA0]  }
0x2e5: {  	[tilespmem:s30+$0xFFFFFFD0] =	vst v2;
	v11 =	vld [tilespmem:s0+$0xFFFFF9E0];
	v2 =	vmul.f32 $5.000000070e-02, v5  }
0x2e6: {  	v3 =	vadd.f32 v10, v3;
	v5 =	vld [tilespmem:s0+$0xFFFFFA00]  }
0x2e7: {  	[tilespmem:s30+$0xFFFFFFF0] =	vst v2;
	v2 =	vld [tilespmem:s0+$0xFFFFFA20]  }
0x2e8: {  	v3 =	vadd.f32 v7, v3;
	v7 =	vld [tilespmem:s0+$0xFFFFFA40]  }
0x2e9: {  	v0 =	vadd.f32 v4, v0;
	v4 =	vld [tilespmem:s0+$0xFFFFFA60]  }
0x2ea: {  	v3 =	vadd.f32 v8, v3;
	v8 =	vld [tilespmem:s0+$0xFFFFFA80];
	v6 =	vadd.f32 v11, v6  }
0x2eb: {  	v1 =	vadd.f32 v5, v1;
	v5 =	vld [tilespmem:s0+$0xFFFFFA50]  }
0x2ec: {  	v2 =	vadd.f32 v2, v6;
	v6 =	vld [tilespmem:s0+$0xFFFFFA70]  }
0x2ed: {  	s31 =	sadd.s32 $0x2, s31;
	v1 =	vadd.f32 v7, v1;
	v7 =	vld [tilespmem:s0+$0xFFFFFA90]  }
0x2ee: {  	p0 =	slt.u32 s31, $0x1E;
	v10 =	vld [tilespmem:s0+$0xFFFFFAB0]  }
.Ltmp1:
0x2ef: {  	v2 =	vadd.f32 v4, v2;
	v4 =	vld [tilespmem:s0+$0xFFFFFAE0];
	(pc) =	sbr.rel @p0 .LBB2_5-.Ltmp1, $4  }
0x2f0: {  	v5 =	vadd.f32 v5, v0;
	v0 =	vld [tilespmem:s0+$0xFFFFFAC0]  }
0x2f1: {  	v6 =	vadd.f32 v6, v3;
	v3 =	vld [tilespmem:s0+$0xFFFFFAD0]  }
0x2f2: {  	v1 =	vadd.f32 v8, v1;
	v7 =	vadd.f32 v7, v5;
	v5 =	vld [tilespmem:s0+$0xFFFFFAF0]  }
0x2f3: {  	v8 =	vadd.f32 v9, v2;
	v9 =	vadd.f32 v10, v6;
	v6 =	vld [tilespmem:s0+$0xFFFFFB00];
	s0 =	sadd.s32 $0xA00, s0  }
0x2f4: {  	_ = 	snop  }
0x2f5: {  	v61 =	vadd.f32 v4, v8  }
0x2f6: {  	v0 =	vadd.f32 v0, v1;
	v2 =	vadd.f32 v3, v7  }
0x2f7: {  	v62 =	vadd.f32 v5, v9;
	v1 =	vmul.f32 $5.000000070e-02, v61  }
0x2f8: {  	v2 =	vmul.f32 $5.000000070e-02, v2;
	v0 =	vadd.f32 v6, v0  }
0x2f9: {  	v63 =	vmul.f32 $5.000000070e-02, v62;
	[tilespmem:s30+$0xFFFFFFA0] =	vst v1  }
0x2fa: {  	s28 =	sadd.s32 $0x1, s28;
	[tilespmem:s30+$0xFFFFFF90] =	vst v2;
	v0 =	vmul.f32 $5.000000070e-02, v0  }
0x2fb: {  	s0 =	sshll.u32 s29, $0x8;
	p0 =	sne.s32 s28, $0x8;
	[tilespmem:s30+$0xFFFFFFB0] =	vst v63  }
.Ltmp2:
0x2fc: {  	s0 =	sadd.s32 s0, s5;
	[tilespmem:s30+$0xFFFFFFC0] =	vst v0;
	(pc) =	sbr.rel @p0 .LBB2_2-.Ltmp2, $4  }
0x2fd: {  	[hbm4b:s0+s2] =	stream.linear.scatter [tilespmem:s25], [sflag:$0x3], $0x800, $0x38;
	[tilespmem:$0x17800] =	vst v63  }
0x2fe: {  	_ =	swait.ge [sflag:s7], $0x800  }
0x2ff: {  	[sflag:s7] =	ssyncset.done $0x0  }
0x300: {  	[sflag:s7] =	ssyncadd.s32 $0xFFFFF800  }
0x301: {  	s26 =	sadd.s32 $0x1, s26  }
0x302: {  	p0 =	sne.s32 s26, s6  }
.Ltmp3:
0x303: {  	_ = 	snop;
	(pc) =	sbr.rel @p0 .LBB2_1-.Ltmp3, $1  }
0x304: {  	_ =	sdelay $0x3  }
0x305: {  	_ =	sfence.sel $0x180000  }
0x306: {  	[bflag:$0x0] =	sbarrier.arrive $0xFFFF  }
0x307: {  	_ =	strace $0x90000047  }
0x308: {  	s0 =	stileid.u32;
	[bflag:$0x2] =	sbarrier.arrive $0xFFFF  }
0x309: {  	p0 =	sne.s32 s0, $0x0;
	s0 =	rddreg [dreg:$0x3]  }
0x30a: {  	s0 =	sadd.s32 @!p0 $0x100000, s0  }
0x30b: {  	[sflag:s0] =	ssyncadd.tile.s32 @!p0 $0x1;
	_ =	shalt  }
.Lfunc_end2:
_tile_overlayer_lowered:
.L_overlay_start_2:
0x30c: {  	(tag) =	ssettag $0x2  }
0x30d: {  	s0 =	rddreg [dreg:$0x0];
	s2 =	stileid.u32  }
0x30e: {  	s1 =	rddreg [dreg:$0x1];
	p0 =	sne.s32 s2, $0x0  }
0x30f: {  	s3 =	rddreg [dreg:$0x2];
	[bflag:$0x3] =	sbarrier.arrive $0xFFFF;
	s2 =	simm.s32 @!p0 $0x1C03  }
0x310: {  	[timem:s3], [sflag:s2] =	dma.local @!p0 [hbm:s0], s1  }
0x311: {  	s0 =	simm.s32 @!p0 $0x3  }
0x312: {  	_ =	swait.ge @!p0 [sflag:s0], s1  }
0x313: {  	s1 =	ssub.s32 @!p0 $0x0, s1;
	[sflag:s0] =	ssyncset.done @!p0 $0x0  }
0x314: {  	[sflag:s0] =	ssyncadd.s32 @!p0 s1  }
0x315: {  	[bflag:$0x3] =	sbarrier.arrive $0xFFFF  }
0x316: {  	_ =	shalt  }

</sc_bundles>
